<compile_context>
chip_gen: v7x
topology: tpu7x:2x2x1
jax: 0.10.2.dev20260603
libtpu: 0.0.44.dev20260713+nightly
codegen_flags: <defaults>
</compile_context>

<pallas_src>
import functools

import jax
import jax.numpy as jnp
from jax import lax
from jax.experimental import pallas as pl
from jax.experimental.pallas import tpu as pltpu
from jax.experimental.pallas import tpu_sc as plsc

_F32 = jnp.float32
_HI = jax.lax.Precision.HIGHEST


def _bmm(a, b):
    return lax.dot_general(a.astype(jnp.bfloat16), b.astype(jnp.bfloat16),
                           (((1,), (0,)), ((), ())),
                           preferred_element_type=_F32)


def _mm(x, w, prec=None):
    if prec is not None:
        return lax.dot_general(x, w, (((1,), (0,)), ((), ())),
                               preferred_element_type=_F32, precision=prec)
    return _bmm(x, w)


def _b16(x):
    return x.astype(jnp.bfloat16).astype(_F32)


def _relu(x):
    return jnp.maximum(x, 0.0)


def _ln(x):
    m = jnp.mean(x, axis=-1, keepdims=True)
    v = jnp.mean((x - m) * (x - m), axis=-1, keepdims=True)
    return (x - m) / jnp.sqrt(v + 1e-5)


def _run_layers(x, Ws, bs, norm, final_act, prec=None):
    n = len(Ws)
    for i in range(n):
        x = _mm(x, Ws[i], prec=prec)
        x = x + bs[i]
        if i < n - 1 or final_act:
            if norm:
                x = _ln(x)
            x = _relu(x)
    return x


def _knn_body(pts_t_ref, q_ref, idx_ref, *, K):
    p = pts_t_ref[0]
    q = q_ref[0]
    pn = jnp.sum(p * p, axis=0, keepdims=True)
    qn = jnp.sum(q * q, axis=1, keepdims=True)
    qp = _mm(_b16(q), _b16(p), prec=_HI)
    d2 = jnp.maximum(qn + pn - 2.0 * qp, 0.0)
    iota = lax.broadcasted_iota(jnp.int32, d2.shape, 1)
    cols = []
    for _ in range(K):
        am = jnp.argmin(d2, axis=1).astype(jnp.int32)
        amc = am[:, None]
        cols.append(amc)
        d2 = jnp.where(iota == amc, jnp.inf, d2)
    idx_ref[0] = jnp.concatenate(cols, axis=1)


def _knn(pts_t, q_pad, K, TQ):
    B, _, N = pts_t.shape
    M = q_pad.shape[1]
    grid = (B, M // TQ)
    return pl.pallas_call(
        functools.partial(_knn_body, K=K),
        grid=grid,
        in_specs=[
            pl.BlockSpec((1, 8, N), lambda b, t: (b, 0, 0)),
            pl.BlockSpec((1, TQ, 8), lambda b, t: (b, t, 0)),
        ],
        out_specs=pl.BlockSpec((1, TQ, K), lambda b, t: (b, t, 0)),
        out_shape=jax.ShapeDtypeStruct((B, M, K), jnp.int32),
    )(pts_t, q_pad)


def _sc_gather(table, idx_flat, chunk):
    V, D = table.shape
    Bidx = idx_flat.shape[0]
    info = plsc.get_sparse_core_info()
    nc = info.num_cores
    nw = nc * info.num_subcores
    b_per_w = Bidx // nw
    n_chunks = b_per_w // chunk
    mesh = plsc.VectorSubcoreMesh(core_axis_name="c", subcore_axis_name="s")

    @functools.partial(
        pl.kernel, mesh=mesh,
        compiler_params=pltpu.CompilerParams(use_tc_tiling_on_sc=False),
        out_type=jax.ShapeDtypeStruct((Bidx, D), _F32),
        scratch_types=[
            pltpu.VMEM((chunk,), jnp.int32),
            pltpu.VMEM((chunk, D), _F32),
            pltpu.SemaphoreType.DMA,
        ],
    )
    def k(table_hbm, idx_hbm, out_hbm, idx_v, rows_v, sem):
        wid = lax.axis_index("s") * nc + lax.axis_index("c")
        base = wid * b_per_w
        for ch in range(n_chunks):
            off = base + ch * chunk
            pltpu.sync_copy(idx_hbm.at[pl.ds(off, chunk)], idx_v)
            pltpu.async_copy(table_hbm.at[idx_v], rows_v, sem).wait()
            pltpu.sync_copy(rows_v, out_hbm.at[pl.ds(off, chunk)])

    return k(table, idx_flat)


def _pc0_body(nbr_ref, q_ref, *wrefs, TQ, K):
    Ws = [wrefs[2 * i][...] for i in range(4)]
    bs = [wrefs[2 * i + 1][...] for i in range(4)]
    Fs = [wrefs[8 + 2 * i][...] for i in range(3)]
    fbs = [wrefs[9 + 2 * i][...] for i in range(3)]
    out_ref = wrefs[14]
    nbr = nbr_ref[0]
    q = q_ref[0]
    qr = jnp.broadcast_to(q[:, None, :], (TQ, K, 8)).reshape(TQ * K, 8)
    rel = nbr[:, 0:8] - qr
    w = _run_layers(rel, Ws, bs, norm=False, final_act=True)
    comb = jnp.sum(_b16(w).reshape(TQ, K, 128), axis=1) * (1.0 / K)
    f1 = _run_layers(comb, Fs, fbs, norm=True, final_act=False)
    out_ref[0] = f1


def _pc0(nbr, q_pad, wp, fp, TQ, K):
    B, M, _ = q_pad.shape
    grid = (B, M // TQ)
    args = []
    specs = [
        pl.BlockSpec((1, TQ * K, 16), lambda b, t: (b, t, 0)),
        pl.BlockSpec((1, TQ, 8), lambda b, t: (b, t, 0)),
    ]
    for l in wp + fp:
        for a in (l["W"], l["b"]):
            args.append(a)
            specs.append(pl.BlockSpec(a.shape, lambda b, t, _r=len(a.shape): (0,) * _r))
    return pl.pallas_call(
        functools.partial(_pc0_body, TQ=TQ, K=K),
        grid=grid,
        in_specs=specs,
        out_specs=pl.BlockSpec((1, TQ, 8), lambda b, t: (b, t, 0)),
        out_shape=jax.ShapeDtypeStruct((B, M, 8), _F32),
    )(nbr, q_pad, *args)


def _pc1_body(nbr_ref, q_ref, *wrefs, TQ, K):
    Ws = [wrefs[2 * i][...] for i in range(4)]
    bs = [wrefs[2 * i + 1][...] for i in range(4)]
    Fs = [wrefs[8 + 2 * i][...] for i in range(4)]
    fbs = [wrefs[9 + 2 * i][...] for i in range(4)]
    out_ref = wrefs[16]
    nbr = nbr_ref[0]
    q = q_ref[0]
    qr = jnp.broadcast_to(q[:, None, :], (TQ, K, 8)).reshape(TQ * K, 8)
    rel = nbr[:, 0:8] - qr
    w = _run_layers(rel, Ws, bs, norm=False, final_act=True)
    wb = _b16(w)
    parts = []
    for c in range(8):
        t = wb * _b16(nbr[:, 3 + c:4 + c])
        parts.append(jnp.sum(t.reshape(TQ, K, 64), axis=1))
    comb = jnp.concatenate(parts, axis=1) * (1.0 / K)
    f2 = _run_layers(comb, Fs, fbs, norm=True, final_act=False)
    out_ref[0] = f2


def _pc1(nbr, q1_pad, wp, fp, K):
    B, TQ, _ = q1_pad.shape
    args = []
    specs = [
        pl.BlockSpec((1, TQ * K, 16), lambda b: (b, 0, 0)),
        pl.BlockSpec((1, TQ, 8), lambda b: (b, 0, 0)),
    ]
    for l in wp + fp:
        for a in (l["W"], l["b"]):
            args.append(a)
            specs.append(pl.BlockSpec(a.shape, lambda b, _r=len(a.shape): (0,) * _r))
    return pl.pallas_call(
        functools.partial(_pc1_body, TQ=TQ, K=K),
        grid=(B,),
        in_specs=specs,
        out_specs=pl.BlockSpec((1, TQ, 32), lambda b: (b, 0, 0)),
        out_shape=jax.ShapeDtypeStruct((B, TQ, 32), _F32),
    )(nbr, q1_pad, *args)


def _pc2_body(q_ref, p1_ref, f2_ref, *wrefs, B):
    Ws = [wrefs[2 * i][...] for i in range(4)]
    bs = [wrefs[2 * i + 1][...] for i in range(4)]
    Fs = [wrefs[8 + 2 * i][...] for i in range(4)]
    fbs = [wrefs[9 + 2 * i][...] for i in range(4)]
    W1a = wrefs[16][...]
    b1 = wrefs[17][...]
    out_ref = wrefs[18]
    combs = []
    for b in range(B):
        qb = q_ref[b]
        mean = jnp.mean(qb, axis=0, keepdims=True)
        rel = p1_ref[b] - mean
        w2 = _run_layers(rel, Ws, bs, norm=False, final_act=True)
        f2b = _b16(f2_ref[b])
        w2t = jnp.concatenate([_b16(w2)] * 32, axis=1)
        f2r = jnp.concatenate(
            [jnp.broadcast_to(f2b[:, c:c + 1], (256, 64)) for c in range(32)],
            axis=1)
        combs.append(jnp.sum(f2r * w2t, axis=0, keepdims=True))
    comb = jnp.concatenate(combs, axis=0) * (1.0 / 256.0)
    feat = _run_layers(comb, Fs, fbs, norm=True, final_act=False)
    out_ref[...] = _mm(feat, W1a) + b1


def _pc2(q_pad, p1_pad, f2, wp, fp, W1a, b1):
    B = q_pad.shape[0]
    args = []
    specs = [
        pl.BlockSpec(q_pad.shape, lambda: (0, 0, 0)),
        pl.BlockSpec(p1_pad.shape, lambda: (0, 0, 0)),
        pl.BlockSpec(f2.shape, lambda: (0, 0, 0)),
    ]
    for l in wp + fp:
        for a in (l["W"], l["b"]):
            args.append(a)
            specs.append(pl.BlockSpec(a.shape, lambda _r=len(a.shape): (0,) * _r))
    args += [W1a, b1]
    specs += [pl.BlockSpec(W1a.shape, lambda: (0, 0)),
              pl.BlockSpec(b1.shape, lambda: (0, 0))]
    return pl.pallas_call(
        functools.partial(_pc2_body, B=B),
        grid=(),
        in_specs=specs,
        out_specs=pl.BlockSpec((B, 1024), lambda: (0, 0)),
        out_shape=jax.ShapeDtypeStruct((B, 1024), _F32),
    )(q_pad, p1_pad, f2, *args)


def _dec_body(noise_ref, base1_ref, *wrefs, TR):
    Ws = [wrefs[2 * i][...] for i in range(8)]
    bs = [wrefs[2 * i + 1][...] for i in range(8)]
    out_ref = wrefs[16]
    noise = noise_ref[0]
    h = _relu(_mm(noise, Ws[0]) + base1_ref[0])
    for i in range(1, 7):
        h = _relu(_mm(h, Ws[i]) + bs[i])
    out_ref[0] = _mm(h, Ws[7]) + bs[7]


def _decoder(noise_t, base1, W1b, dec, TR):
    B, P, _ = noise_t.shape
    base1_3d = base1.reshape(B, 1, 1024)
    args = [W1b, dec[0]["b"]]
    specs = [
        pl.BlockSpec((1, TR, 32), lambda b, t: (b, t, 0)),
        pl.BlockSpec((1, 1, 1024), lambda b, t: (b, 0, 0)),
        pl.BlockSpec(W1b.shape, lambda b, t: (0, 0)),
        pl.BlockSpec(dec[0]["b"].shape, lambda b, t: (0, 0)),
    ]
    for l in dec[1:]:
        for a in (l["W"], l["b"]):
            args.append(a)
            specs.append(pl.BlockSpec(a.shape, lambda b, t, _r=len(a.shape): (0,) * _r))
    return pl.pallas_call(
        functools.partial(_dec_body, TR=TR),
        grid=(B, P // TR),
        in_specs=specs,
        out_specs=pl.BlockSpec((1, TR, 3), lambda b, t: (b, t, 0)),
        out_shape=jax.ShapeDtypeStruct((B, P, 3), _F32),
    )(noise_t, base1_3d, *args)


def _prep(layers, pad_first=False):
    out = []
    for i, l in enumerate(layers):
        W = l["W"]
        if pad_first and i == 0:
            W = jnp.pad(W, ((0, 8 - W.shape[0]), (0, 0)))
        out.append({"W": W, "b": l["b"].reshape(1, -1)})
    return out


def kernel(points, params, out_count):
    B, N, _ = points.shape
    K = 32
    M1 = 256
    P = 1024

    q_pad = jnp.pad(points, ((0, 0), (0, 0), (0, 5)))
    pts_t = jnp.transpose(q_pad, (0, 2, 1))

    idx = _knn(pts_t, q_pad, K, 256)
    boff = (jnp.arange(B, dtype=jnp.int32) * N)[:, None, None]
    gidx0 = (idx + boff).reshape(-1)

    table0 = jnp.pad(points.reshape(B * N, 3), ((0, 0), (0, 13)))
    nbr0 = _sc_gather(table0, gidx0, 2048)

    wp0 = _prep(params["pc0_w"], pad_first=True)
    fp0 = _prep(params["pc0_f"])
    f1 = _pc0(nbr0.reshape(B, N * K, 16), q_pad, wp0, fp0, 256, K)

    table1 = jnp.concatenate(
        [points.reshape(B * N, 3), f1.reshape(B * N, 8),
         jnp.zeros((B * N, 5), _F32)], axis=1)
    gidx1 = (idx[:, :M1] + boff).reshape(-1)
    nbr1 = _sc_gather(table1, gidx1, 1024)

    wp1 = _prep(params["pc1_w"], pad_first=True)
    fp1 = _prep(params["pc1_f"])
    f2 = _pc1(nbr1.reshape(B, M1 * K, 16), q_pad[:, :M1], wp1, fp1, K)

    dec = params["dec"]
    W1a = dec[0]["W"][:256]
    W1b = dec[0]["W"][256:]
    wp2 = _prep(params["pc2_w"], pad_first=True)
    fp2 = _prep(params["pc2_f"])
    b1 = dec[0]["b"].reshape(1, -1)
    base1 = _pc2(q_pad, q_pad[:, :M1], f2, wp2, fp2, W1a, b1)

    noise = jax.random.normal(jax.random.key(1234), (B, 32, P), dtype=_F32)
    noise_t = jnp.transpose(noise, (0, 2, 1))
    dec_prep = _prep(dec)
    out = _decoder(noise_t, base1, W1b, dec_prep, 512)
    return out

# --- scband reference (transcript-rebuilt; emitter-appended) ---
"""Pipeline reference for scband-point-conv-sample-91293824844269 (READ-ONLY COPY).

The authoritative reference and input builder live on the scoring server;
editing this copy changes nothing except your own understanding.
"""

import jax, jax.numpy as jnp
import numpy as np


def _lin(key, din, dout):
    k1, _ = jax.random.split(key)
    W = jax.random.normal(k1, (din, dout), dtype=jnp.float32) * (1.0 / np.sqrt(din))
    b = jnp.zeros((dout,), dtype=jnp.float32)
    return {"W": W, "b": b}


def _mlp_params(key, dims):
    ks = jax.random.split(key, len(dims) - 1)
    return [_lin(ks[i], dims[i], dims[i + 1]) for i in range(len(dims) - 1)]


def init_params(key):
    ks = jax.random.split(key, 7)
    return {
        "pc0_w": _mlp_params(ks[0], [3, 32, 64, 128, 128]),
        "pc0_f": _mlp_params(ks[1], [128, 64, 32, 8]),
        "pc1_w": _mlp_params(ks[2], [3, 32, 64, 128, 64]),
        "pc1_f": _mlp_params(ks[3], [512, 256, 256, 256, 32]),
        "pc2_w": _mlp_params(ks[4], [3, 32, 64, 128, 64]),
        "pc2_f": _mlp_params(ks[5], [2048, 1024, 512, 512, 256]),
        "dec": _mlp_params(ks[6], [288, 1024, 1024, 512, 512, 256, 256, 128, 3]),
    }


def _ln(x):
    m = jnp.mean(x, axis=-1, keepdims=True)
    v = jnp.var(x, axis=-1, keepdims=True)
    return (x - m) / jnp.sqrt(v + 1e-5)


def _run_mlp(x, layers, norm=False, final_act=False):
    n = len(layers)
    for i, l in enumerate(layers):
        x = x @ l["W"] + l["b"]
        if i < n - 1 or final_act:
            if norm:
                x = _ln(x)
            x = jax.nn.relu(x)
    return x


def _point_conv(qpts, pts, feats, K, wnet, fnet):
    # kNN of each query point among pts
    d2 = (jnp.sum(qpts * qpts, -1)[:, :, None]
          + jnp.sum(pts * pts, -1)[:, None, :]
          - 2.0 * jnp.einsum("bmd,bnd->bmn", qpts, pts))
    _, idx = jax.lax.top_k(-d2, K)  # [B, M, K]
    nbr = jnp.take_along_axis(pts[:, None, :, :], idx[..., None], axis=2)  # [B, M, K, 3]
    rel = nbr - qpts[:, :, None, :]
    # per-neighbor weight MLP on relative coords
    w = _run_mlp(rel, wnet, norm=False, final_act=True)  # [B, M, K, c_mid]
    nf = jnp.take_along_axis(feats[:, None, :, :], idx[..., None], axis=2)  # [B, M, K, c_in]
    comb = jnp.einsum("bmkc,bmkw->bmcw", nf, w)
    B, M = comb.shape[0], comb.shape[1]
    comb = comb.reshape(B, M, -1) / K
    return _run_mlp(comb, fnet, norm=True, final_act=False)


def _encode(points, params):
    mean_pt = jnp.mean(points, axis=1, keepdims=True)
    feats = jnp.ones(points.shape[:2] + (1,), dtype=jnp.float32)  # const_feats
    # layer 0: key_count = -1 -> queries are all points
    f1 = _point_conv(points, points, feats, 32, params["pc0_w"], params["pc0_f"])
    # layer 1: key_count = 256 -> downsample queries to 256 points
    p1 = points[:, :256, :]
    f2 = _point_conv(p1, points, f1, 32, params["pc1_w"], params["pc1_f"])
    # layer 2: key_count = 0, final_type='mean' -> single mean query, 256 neighbors
    f3 = _point_conv(mean_pt, p1, f2, 256, params["pc2_w"], params["pc2_f"])
    return f3[:, 0, :]  # squeeze(1) -> [B, latent]


def setup_inputs(seed: int = 0):
    key = jax.random.key(seed)
    k1, k2 = jax.random.split(key)
    points = jax.random.normal(k1, (4, 2048, 3), dtype=jnp.float32)
    params = init_params(k2)
    return {"points": points, "params": params, "out_count": 1024}


def reference(points, params, out_count):
    feat = _encode(points, params)  # [B, 256]
    samp = jnp.repeat(feat[:, :, None], out_count, axis=2, total_repeat_length=1024)  # [B, 256, out_count]
    noise = jax.random.normal(jax.random.key(1234), (feat.shape[0], 32, 1024), dtype=jnp.float32)
    x = jnp.concatenate([samp, noise], axis=1)  # [B, 288, out_count]
    x = jnp.transpose(x, (0, 2, 1))  # Pointnet with transposed_input -> channels-last
    out = _run_mlp(x, params["dec"], norm=False, final_act=False)  # pointwise -> [B, out_count, 3]
    return out

if __name__ == "__main__":
    import jax
    _d = setup_inputs()
    print(jax.jit(kernel)(*tuple(_d.values())))

</pallas_src>

<mosaic_0001>
#map = affine_map<(d0, d1) -> (0, 0)>
#map1 = affine_map<(d0, d1) -> (0)>
module attributes {stable_mosaic.version = 14 : i64} {
  func.func @k(%arg0: i32, %arg1: i32, %arg2: memref<8192x16xf32, #tpu.memory_space<hbm>>, %arg3: memref<32768xi32, #tpu.memory_space<hbm>>, %arg4: memref<32768x16xf32, #tpu.memory_space<hbm>>, %arg5: memref<1024xi32, #tpu.memory_space<vmem>>, %arg6: memref<1024x16xf32, #tpu.memory_space<vmem>>, %arg7: memref<!tpu.dma_semaphore, #tpu.memory_space<semaphore_mem>>) attributes {dimension_semantics = [#tpu.dimension_semantics<core_parallel>, #tpu.dimension_semantics<subcore_parallel>], iteration_bounds = array<i64: 2, 16>, scalar_prefetch = 0 : i64, scratch_operands = 3 : i64, tpu.core_type = #tpu.core_type<sc_vector_subcore>, window_params = [{transform_indices = #map}, {transform_indices = #map1}, {transform_indices = #map}]} {
    %mul3A = arith.constant 2 : i32
    %mul3A_0 = arith.muli %arg1, %mul3A : i32
    %add3A = arith.addi %mul3A_0, %arg0 : i32
    %mul3A_1 = arith.constant 1024 : i32
    %mul3A_2 = arith.muli %add3A, %mul3A_1 : i32
    %add3A_3 = arith.constant 0 : i32
    %add3A_4 = arith.addi %mul3A_2, %add3A_3 : i32
    "tpu.region"() ({
      %run_scoped3A = tpu.sem_alloc : memref<!tpu.dma_semaphore, #tpu.memory_space<semaphore_mem>>
      %dma_start3A_9 = tpu.memref_slice %arg3[%add3A_4] : memref<32768xi32, #tpu.memory_space<hbm>> -> memref<1024xi32, #tpu.memory_space<hbm>>
      %dma_start3A_10 = tpu.memref_slice %arg3[%add3A_4] : memref<32768xi32, #tpu.memory_space<hbm>> -> memref<1024xi32, #tpu.memory_space<hbm>>
      tpu.enqueue_dma source(%dma_start3A_10 : memref<1024xi32, #tpu.memory_space<hbm>>) target(%arg5 : memref<1024xi32, #tpu.memory_space<vmem>>) target_semaphore(%run_scoped3A : memref<!tpu.dma_semaphore, #tpu.memory_space<semaphore_mem>>)
      %dma_wait3A_11 = tpu.memref_slice %arg3[%add3A_4] : memref<32768xi32, #tpu.memory_space<hbm>> -> memref<1024xi32, #tpu.memory_space<hbm>>
      %dma_wait3A_12 = tpu.memref_slice %arg3[%add3A_4] : memref<32768xi32, #tpu.memory_space<hbm>> -> memref<1024xi32, #tpu.memory_space<hbm>>
      tpu.wait_dma2 semaphore(%run_scoped3A : memref<!tpu.dma_semaphore, #tpu.memory_space<semaphore_mem>>) src(%dma_wait3A_12 : memref<1024xi32, #tpu.memory_space<hbm>>) dst(%arg5 : memref<1024xi32, #tpu.memory_space<vmem>>)
      tpu.yield
    }) : () -> ()
    %dma_start3A = arith.constant 0 : i32
    %dma_start3A_5 = arith.constant 0 : i32
    %dma_start3A_6 = tpu.memref_slice %arg2[%dma_start3A, %dma_start3A_5] : memref<8192x16xf32, #tpu.memory_space<hbm>> -> memref<8192x16xf32, #tpu.memory_space<hbm>>
    tpu.enqueue_indirect_dma source(%dma_start3A_6 : memref<8192x16xf32, #tpu.memory_space<hbm>>) target(%arg6 : memref<1024x16xf32, #tpu.memory_space<vmem>>) offsets(%arg5 : memref<1024xi32, #tpu.memory_space<vmem>>) semaphore(%arg7 : memref<!tpu.dma_semaphore, #tpu.memory_space<semaphore_mem>>)
    %dma_wait3A = arith.constant 0 : i32
    %dma_wait3A_7 = arith.constant 0 : i32
    %dma_wait3A_8 = tpu.memref_slice %arg2[%dma_wait3A, %dma_wait3A_7] : memref<8192x16xf32, #tpu.memory_space<hbm>> -> memref<8192x16xf32, #tpu.memory_space<hbm>>
    tpu.wait_indirect_dma semaphore(%arg7 : memref<!tpu.dma_semaphore, #tpu.memory_space<semaphore_mem>>) src(%dma_wait3A_8 : memref<8192x16xf32, #tpu.memory_space<hbm>>) dst(%arg6 : memref<1024x16xf32, #tpu.memory_space<vmem>>)
    "tpu.region"() ({
      %run_scoped3A = tpu.sem_alloc : memref<!tpu.dma_semaphore, #tpu.memory_space<semaphore_mem>>
      %dma_start3A_9 = arith.constant 0 : i32
      %dma_start3A_10 = tpu.memref_slice %arg4[%add3A_4, %dma_start3A_9] : memref<32768x16xf32, #tpu.memory_space<hbm>> -> memref<1024x16xf32, #tpu.memory_space<hbm>>
      %dma_start3A_11 = arith.constant 0 : i32
      %dma_start3A_12 = tpu.memref_slice %arg4[%add3A_4, %dma_start3A_11] : memref<32768x16xf32, #tpu.memory_space<hbm>> -> memref<1024x16xf32, #tpu.memory_space<hbm>>
      tpu.enqueue_dma source(%arg6 : memref<1024x16xf32, #tpu.memory_space<vmem>>) target(%dma_start3A_12 : memref<1024x16xf32, #tpu.memory_space<hbm>>) target_semaphore(%run_scoped3A : memref<!tpu.dma_semaphore, #tpu.memory_space<semaphore_mem>>)
      %dma_wait3A_13 = arith.constant 0 : i32
      %dma_wait3A_14 = tpu.memref_slice %arg4[%add3A_4, %dma_wait3A_13] : memref<32768x16xf32, #tpu.memory_space<hbm>> -> memref<1024x16xf32, #tpu.memory_space<hbm>>
      %dma_wait3A_15 = arith.constant 0 : i32
      %dma_wait3A_16 = tpu.memref_slice %arg4[%add3A_4, %dma_wait3A_15] : memref<32768x16xf32, #tpu.memory_space<hbm>> -> memref<1024x16xf32, #tpu.memory_space<hbm>>
      tpu.wait_dma2 semaphore(%run_scoped3A : memref<!tpu.dma_semaphore, #tpu.memory_space<semaphore_mem>>) src(%arg6 : memref<1024x16xf32, #tpu.memory_space<vmem>>) dst(%dma_wait3A_16 : memref<1024x16xf32, #tpu.memory_space<hbm>>)
      tpu.yield
    }) : () -> ()
    return
  }
}

#map = affine_map<(d0, d1) -> (0, 0)>
#map1 = affine_map<(d0, d1) -> (0)>
module attributes {stable_mosaic.version = 14 : i64} {
  func.func @k(%arg0: i32, %arg1: i32, %arg2: memref<8192x16xf32, #tpu.memory_space<hbm>>, %arg3: memref<262144xi32, #tpu.memory_space<hbm>>, %arg4: memref<262144x16xf32, #tpu.memory_space<hbm>>, %arg5: memref<2048xi32, #tpu.memory_space<vmem>>, %arg6: memref<2048x16xf32, #tpu.memory_space<vmem>>, %arg7: memref<!tpu.dma_semaphore, #tpu.memory_space<semaphore_mem>>) attributes {dimension_semantics = [#tpu.dimension_semantics<core_parallel>, #tpu.dimension_semantics<subcore_parallel>], iteration_bounds = array<i64: 2, 16>, scalar_prefetch = 0 : i64, scratch_operands = 3 : i64, tpu.core_type = #tpu.core_type<sc_vector_subcore>, window_params = [{transform_indices = #map}, {transform_indices = #map1}, {transform_indices = #map}]} {
    %mul3A = arith.constant 2 : i32
    %mul3A_0 = arith.muli %arg1, %mul3A : i32
    %add3A = arith.addi %mul3A_0, %arg0 : i32
    %mul3A_1 = arith.constant 8192 : i32
    %mul3A_2 = arith.muli %add3A, %mul3A_1 : i32
    %add3A_3 = arith.constant 0 : i32
    %add3A_4 = arith.addi %mul3A_2, %add3A_3 : i32
    "tpu.region"() ({
      %run_scoped3A = tpu.sem_alloc : memref<!tpu.dma_semaphore, #tpu.memory_space<semaphore_mem>>
      %dma_start3A_33 = tpu.memref_slice %arg3[%add3A_4] : memref<262144xi32, #tpu.memory_space<hbm>> -> memref<2048xi32, #tpu.memory_space<hbm>>
      %dma_start3A_34 = tpu.memref_slice %arg3[%add3A_4] : memref<262144xi32, #tpu.memory_space<hbm>> -> memref<2048xi32, #tpu.memory_space<hbm>>
      tpu.enqueue_dma source(%dma_start3A_34 : memref<2048xi32, #tpu.memory_space<hbm>>) target(%arg5 : memref<2048xi32, #tpu.memory_space<vmem>>) target_semaphore(%run_scoped3A : memref<!tpu.dma_semaphore, #tpu.memory_space<semaphore_mem>>)
      %dma_wait3A_35 = tpu.memref_slice %arg3[%add3A_4] : memref<262144xi32, #tpu.memory_space<hbm>> -> memref<2048xi32, #tpu.memory_space<hbm>>
      %dma_wait3A_36 = tpu.memref_slice %arg3[%add3A_4] : memref<262144xi32, #tpu.memory_space<hbm>> -> memref<2048xi32, #tpu.memory_space<hbm>>
      tpu.wait_dma2 semaphore(%run_scoped3A : memref<!tpu.dma_semaphore, #tpu.memory_space<semaphore_mem>>) src(%dma_wait3A_36 : memref<2048xi32, #tpu.memory_space<hbm>>) dst(%arg5 : memref<2048xi32, #tpu.memory_space<vmem>>)
      tpu.yield
    }) : () -> ()
    %dma_start3A = arith.constant 0 : i32
    %dma_start3A_5 = arith.constant 0 : i32
    %dma_start3A_6 = tpu.memref_slice %arg2[%dma_start3A, %dma_start3A_5] : memref<8192x16xf32, #tpu.memory_space<hbm>> -> memref<8192x16xf32, #tpu.memory_space<hbm>>
    tpu.enqueue_indirect_dma source(%dma_start3A_6 : memref<8192x16xf32, #tpu.memory_space<hbm>>) target(%arg6 : memref<2048x16xf32, #tpu.memory_space<vmem>>) offsets(%arg5 : memref<2048xi32, #tpu.memory_space<vmem>>) semaphore(%arg7 : memref<!tpu.dma_semaphore, #tpu.memory_space<semaphore_mem>>)
    %dma_wait3A = arith.constant 0 : i32
    %dma_wait3A_7 = arith.constant 0 : i32
    %dma_wait3A_8 = tpu.memref_slice %arg2[%dma_wait3A, %dma_wait3A_7] : memref<8192x16xf32, #tpu.memory_space<hbm>> -> memref<8192x16xf32, #tpu.memory_space<hbm>>
    tpu.wait_indirect_dma semaphore(%arg7 : memref<!tpu.dma_semaphore, #tpu.memory_space<semaphore_mem>>) src(%dma_wait3A_8 : memref<8192x16xf32, #tpu.memory_space<hbm>>) dst(%arg6 : memref<2048x16xf32, #tpu.memory_space<vmem>>)
    "tpu.region"() ({
      %run_scoped3A = tpu.sem_alloc : memref<!tpu.dma_semaphore, #tpu.memory_space<semaphore_mem>>
      %dma_start3A_33 = arith.constant 0 : i32
      %dma_start3A_34 = tpu.memref_slice %arg4[%add3A_4, %dma_start3A_33] : memref<262144x16xf32, #tpu.memory_space<hbm>> -> memref<2048x16xf32, #tpu.memory_space<hbm>>
      %dma_start3A_35 = arith.constant 0 : i32
      %dma_start3A_36 = tpu.memref_slice %arg4[%add3A_4, %dma_start3A_35] : memref<262144x16xf32, #tpu.memory_space<hbm>> -> memref<2048x16xf32, #tpu.memory_space<hbm>>
      tpu.enqueue_dma source(%arg6 : memref<2048x16xf32, #tpu.memory_space<vmem>>) target(%dma_start3A_36 : memref<2048x16xf32, #tpu.memory_space<hbm>>) target_semaphore(%run_scoped3A : memref<!tpu.dma_semaphore, #tpu.memory_space<semaphore_mem>>)
      %dma_wait3A_37 = arith.constant 0 : i32
      %dma_wait3A_38 = tpu.memref_slice %arg4[%add3A_4, %dma_wait3A_37] : memref<262144x16xf32, #tpu.memory_space<hbm>> -> memref<2048x16xf32, #tpu.memory_space<hbm>>
      %dma_wait3A_39 = arith.constant 0 : i32
      %dma_wait3A_40 = tpu.memref_slice %arg4[%add3A_4, %dma_wait3A_39] : memref<262144x16xf32, #tpu.memory_space<hbm>> -> memref<2048x16xf32, #tpu.memory_space<hbm>>
      tpu.wait_dma2 semaphore(%run_scoped3A : memref<!tpu.dma_semaphore, #tpu.memory_space<semaphore_mem>>) src(%arg6 : memref<2048x16xf32, #tpu.memory_space<vmem>>) dst(%dma_wait3A_40 : memref<2048x16xf32, #tpu.memory_space<hbm>>)
      tpu.yield
    }) : () -> ()
    %add3A_9 = arith.constant 2048 : i32
    %add3A_10 = arith.addi %mul3A_2, %add3A_9 : i32
    "tpu.region"() ({
      %run_scoped3A = tpu.sem_alloc : memref<!tpu.dma_semaphore, #tpu.memory_space<semaphore_mem>>
      %dma_start3A_33 = tpu.memref_slice %arg3[%add3A_10] : memref<262144xi32, #tpu.memory_space<hbm>> -> memref<2048xi32, #tpu.memory_space<hbm>>
      %dma_start3A_34 = tpu.memref_slice %arg3[%add3A_10] : memref<262144xi32, #tpu.memory_space<hbm>> -> memref<2048xi32, #tpu.memory_space<hbm>>
      tpu.enqueue_dma source(%dma_start3A_34 : memref<2048xi32, #tpu.memory_space<hbm>>) target(%arg5 : memref<2048xi32, #tpu.memory_space<vmem>>) target_semaphore(%run_scoped3A : memref<!tpu.dma_semaphore, #tpu.memory_space<semaphore_mem>>)
      %dma_wait3A_35 = tpu.memref_slice %arg3[%add3A_10] : memref<262144xi32, #tpu.memory_space<hbm>> -> memref<2048xi32, #tpu.memory_space<hbm>>
      %dma_wait3A_36 = tpu.memref_slice %arg3[%add3A_10] : memref<262144xi32, #tpu.memory_space<hbm>> -> memref<2048xi32, #tpu.memory_space<hbm>>
      tpu.wait_dma2 semaphore(%run_scoped3A : memref<!tpu.dma_semaphore, #tpu.memory_space<semaphore_mem>>) src(%dma_wait3A_36 : memref<2048xi32, #tpu.memory_space<hbm>>) dst(%arg5 : memref<2048xi32, #tpu.memory_space<vmem>>)
      tpu.yield
    }) : () -> ()
    %dma_start3A_11 = arith.constant 0 : i32
    %dma_start3A_12 = arith.constant 0 : i32
    %dma_start3A_13 = tpu.memref_slice %arg2[%dma_start3A_11, %dma_start3A_12] : memref<8192x16xf32, #tpu.memory_space<hbm>> -> memref<8192x16xf32, #tpu.memory_space<hbm>>
    tpu.enqueue_indirect_dma source(%dma_start3A_13 : memref<8192x16xf32, #tpu.memory_space<hbm>>) target(%arg6 : memref<2048x16xf32, #tpu.memory_space<vmem>>) offsets(%arg5 : memref<2048xi32, #tpu.memory_space<vmem>>) semaphore(%arg7 : memref<!tpu.dma_semaphore, #tpu.memory_space<semaphore_mem>>)
    %dma_wait3A_14 = arith.constant 0 : i32
    %dma_wait3A_15 = arith.constant 0 : i32
    %dma_wait3A_16 = tpu.memref_slice %arg2[%dma_wait3A_14, %dma_wait3A_15] : memref<8192x16xf32, #tpu.memory_space<hbm>> -> memref<8192x16xf32, #tpu.memory_space<hbm>>
    tpu.wait_indirect_dma semaphore(%arg7 : memref<!tpu.dma_semaphore, #tpu.memory_space<semaphore_mem>>) src(%dma_wait3A_16 : memref<8192x16xf32, #tpu.memory_space<hbm>>) dst(%arg6 : memref<2048x16xf32, #tpu.memory_space<vmem>>)
    "tpu.region"() ({
      %run_scoped3A = tpu.sem_alloc : memref<!tpu.dma_semaphore, #tpu.memory_space<semaphore_mem>>
      %dma_start3A_33 = arith.constant 0 : i32
      %dma_start3A_34 = tpu.memref_slice %arg4[%add3A_10, %dma_start3A_33] : memref<262144x16xf32, #tpu.memory_space<hbm>> -> memref<2048x16xf32, #tpu.memory_space<hbm>>
      %dma_start3A_35 = arith.constant 0 : i32
      %dma_start3A_36 = tpu.memref_slice %arg4[%add3A_10, %dma_start3A_35] : memref<262144x16xf32, #tpu.memory_space<hbm>> -> memref<2048x16xf32, #tpu.memory_space<hbm>>
      tpu.enqueue_dma source(%arg6 : memref<2048x16xf32, #tpu.memory_space<vmem>>) target(%dma_start3A_36 : memref<2048x16xf32, #tpu.memory_space<hbm>>) target_semaphore(%run_scoped3A : memref<!tpu.dma_semaphore, #tpu.memory_space<semaphore_mem>>)
      %dma_wait3A_37 = arith.constant 0 : i32
      %dma_wait3A_38 = tpu.memref_slice %arg4[%add3A_10, %dma_wait3A_37] : memref<262144x16xf32, #tpu.memory_space<hbm>> -> memref<2048x16xf32, #tpu.memory_space<hbm>>
      %dma_wait3A_39 = arith.constant 0 : i32
      %dma_wait3A_40 = tpu.memref_slice %arg4[%add3A_10, %dma_wait3A_39] : memref<262144x16xf32, #tpu.memory_space<hbm>> -> memref<2048x16xf32, #tpu.memory_space<hbm>>
      tpu.wait_dma2 semaphore(%run_scoped3A : memref<!tpu.dma_semaphore, #tpu.memory_space<semaphore_mem>>) src(%arg6 : memref<2048x16xf32, #tpu.memory_space<vmem>>) dst(%dma_wait3A_40 : memref<2048x16xf32, #tpu.memory_space<hbm>>)
      tpu.yield
    }) : () -> ()
    %add3A_17 = arith.constant 4096 : i32
    %add3A_18 = arith.addi %mul3A_2, %add3A_17 : i32
    "tpu.region"() ({
      %run_scoped3A = tpu.sem_alloc : memref<!tpu.dma_semaphore, #tpu.memory_space<semaphore_mem>>
      %dma_start3A_33 = tpu.memref_slice %arg3[%add3A_18] : memref<262144xi32, #tpu.memory_space<hbm>> -> memref<2048xi32, #tpu.memory_space<hbm>>
      %dma_start3A_34 = tpu.memref_slice %arg3[%add3A_18] : memref<262144xi32, #tpu.memory_space<hbm>> -> memref<2048xi32, #tpu.memory_space<hbm>>
      tpu.enqueue_dma source(%dma_start3A_34 : memref<2048xi32, #tpu.memory_space<hbm>>) target(%arg5 : memref<2048xi32, #tpu.memory_space<vmem>>) target_semaphore(%run_scoped3A : memref<!tpu.dma_semaphore, #tpu.memory_space<semaphore_mem>>)
      %dma_wait3A_35 = tpu.memref_slice %arg3[%add3A_18] : memref<262144xi32, #tpu.memory_space<hbm>> -> memref<2048xi32, #tpu.memory_space<hbm>>
      %dma_wait3A_36 = tpu.memref_slice %arg3[%add3A_18] : memref<262144xi32, #tpu.memory_space<hbm>> -> memref<2048xi32, #tpu.memory_space<hbm>>
      tpu.wait_dma2 semaphore(%run_scoped3A : memref<!tpu.dma_semaphore, #tpu.memory_space<semaphore_mem>>) src(%dma_wait3A_36 : memref<2048xi32, #tpu.memory_space<hbm>>) dst(%arg5 : memref<2048xi32, #tpu.memory_space<vmem>>)
      tpu.yield
    }) : () -> ()
    %dma_start3A_19 = arith.constant 0 : i32
    %dma_start3A_20 = arith.constant 0 : i32
    %dma_start3A_21 = tpu.memref_slice %arg2[%dma_start3A_19, %dma_start3A_20] : memref<8192x16xf32, #tpu.memory_space<hbm>> -> memref<8192x16xf32, #tpu.memory_space<hbm>>
    tpu.enqueue_indirect_dma source(%dma_start3A_21 : memref<8192x16xf32, #tpu.memory_space<hbm>>) target(%arg6 : memref<2048x16xf32, #tpu.memory_space<vmem>>) offsets(%arg5 : memref<2048xi32, #tpu.memory_space<vmem>>) semaphore(%arg7 : memref<!tpu.dma_semaphore, #tpu.memory_space<semaphore_mem>>)
    %dma_wait3A_22 = arith.constant 0 : i32
    %dma_wait3A_23 = arith.constant 0 : i32
    %dma_wait3A_24 = tpu.memref_slice %arg2[%dma_wait3A_22, %dma_wait3A_23] : memref<8192x16xf32, #tpu.memory_space<hbm>> -> memref<8192x16xf32, #tpu.memory_space<hbm>>
    tpu.wait_indirect_dma semaphore(%arg7 : memref<!tpu.dma_semaphore, #tpu.memory_space<semaphore_mem>>) src(%dma_wait3A_24 : memref<8192x16xf32, #tpu.memory_space<hbm>>) dst(%arg6 : memref<2048x16xf32, #tpu.memory_space<vmem>>)
    "tpu.region"() ({
      %run_scoped3A = tpu.sem_alloc : memref<!tpu.dma_semaphore, #tpu.memory_space<semaphore_mem>>
      %dma_start3A_33 = arith.constant 0 : i32
      %dma_start3A_34 = tpu.memref_slice %arg4[%add3A_18, %dma_start3A_33] : memref<262144x16xf32, #tpu.memory_space<hbm>> -> memref<2048x16xf32, #tpu.memory_space<hbm>>
      %dma_start3A_35 = arith.constant 0 : i32
      %dma_start3A_36 = tpu.memref_slice %arg4[%add3A_18, %dma_start3A_35] : memref<262144x16xf32, #tpu.memory_space<hbm>> -> memref<2048x16xf32, #tpu.memory_space<hbm>>
      tpu.enqueue_dma source(%arg6 : memref<2048x16xf32, #tpu.memory_space<vmem>>) target(%dma_start3A_36 : memref<2048x16xf32, #tpu.memory_space<hbm>>) target_semaphore(%run_scoped3A : memref<!tpu.dma_semaphore, #tpu.memory_space<semaphore_mem>>)
      %dma_wait3A_37 = arith.constant 0 : i32
      %dma_wait3A_38 = tpu.memref_slice %arg4[%add3A_18, %dma_wait3A_37] : memref<262144x16xf32, #tpu.memory_space<hbm>> -> memref<2048x16xf32, #tpu.memory_space<hbm>>
      %dma_wait3A_39 = arith.constant 0 : i32
      %dma_wait3A_40 = tpu.memref_slice %arg4[%add3A_18, %dma_wait3A_39] : memref<262144x16xf32, #tpu.memory_space<hbm>> -> memref<2048x16xf32, #tpu.memory_space<hbm>>
      tpu.wait_dma2 semaphore(%run_scoped3A : memref<!tpu.dma_semaphore, #tpu.memory_space<semaphore_mem>>) src(%arg6 : memref<2048x16xf32, #tpu.memory_space<vmem>>) dst(%dma_wait3A_40 : memref<2048x16xf32, #tpu.memory_space<hbm>>)
      tpu.yield
    }) : () -> ()
    %add3A_25 = arith.constant 6144 : i32
    %add3A_26 = arith.addi %mul3A_2, %add3A_25 : i32
    "tpu.region"() ({
      %run_scoped3A = tpu.sem_alloc : memref<!tpu.dma_semaphore, #tpu.memory_space<semaphore_mem>>
      %dma_start3A_33 = tpu.memref_slice %arg3[%add3A_26] : memref<262144xi32, #tpu.memory_space<hbm>> -> memref<2048xi32, #tpu.memory_space<hbm>>
      %dma_start3A_34 = tpu.memref_slice %arg3[%add3A_26] : memref<262144xi32, #tpu.memory_space<hbm>> -> memref<2048xi32, #tpu.memory_space<hbm>>
      tpu.enqueue_dma source(%dma_start3A_34 : memref<2048xi32, #tpu.memory_space<hbm>>) target(%arg5 : memref<2048xi32, #tpu.memory_space<vmem>>) target_semaphore(%run_scoped3A : memref<!tpu.dma_semaphore, #tpu.memory_space<semaphore_mem>>)
      %dma_wait3A_35 = tpu.memref_slice %arg3[%add3A_26] : memref<262144xi32, #tpu.memory_space<hbm>> -> memref<2048xi32, #tpu.memory_space<hbm>>
      %dma_wait3A_36 = tpu.memref_slice %arg3[%add3A_26] : memref<262144xi32, #tpu.memory_space<hbm>> -> memref<2048xi32, #tpu.memory_space<hbm>>
      tpu.wait_dma2 semaphore(%run_scoped3A : memref<!tpu.dma_semaphore, #tpu.memory_space<semaphore_mem>>) src(%dma_wait3A_36 : memref<2048xi32, #tpu.memory_space<hbm>>) dst(%arg5 : memref<2048xi32, #tpu.memory_space<vmem>>)
      tpu.yield
    }) : () -> ()
    %dma_start3A_27 = arith.constant 0 : i32
    %dma_start3A_28 = arith.constant 0 : i32
    %dma_start3A_29 = tpu.memref_slice %arg2[%dma_start3A_27, %dma_start3A_28] : memref<8192x16xf32, #tpu.memory_space<hbm>> -> memref<8192x16xf32, #tpu.memory_space<hbm>>
    tpu.enqueue_indirect_dma source(%dma_start3A_29 : memref<8192x16xf32, #tpu.memory_space<hbm>>) target(%arg6 : memref<2048x16xf32, #tpu.memory_space<vmem>>) offsets(%arg5 : memref<2048xi32, #tpu.memory_space<vmem>>) semaphore(%arg7 : memref<!tpu.dma_semaphore, #tpu.memory_space<semaphore_mem>>)
    %dma_wait3A_30 = arith.constant 0 : i32
    %dma_wait3A_31 = arith.constant 0 : i32
    %dma_wait3A_32 = tpu.memref_slice %arg2[%dma_wait3A_30, %dma_wait3A_31] : memref<8192x16xf32, #tpu.memory_space<hbm>> -> memref<8192x16xf32, #tpu.memory_space<hbm>>
    tpu.wait_indirect_dma semaphore(%arg7 : memref<!tpu.dma_semaphore, #tpu.memory_space<semaphore_mem>>) src(%dma_wait3A_32 : memref<8192x16xf32, #tpu.memory_space<hbm>>) dst(%arg6 : memref<2048x16xf32, #tpu.memory_space<vmem>>)
    "tpu.region"() ({
      %run_scoped3A = tpu.sem_alloc : memref<!tpu.dma_semaphore, #tpu.memory_space<semaphore_mem>>
      %dma_start3A_33 = arith.constant 0 : i32
      %dma_start3A_34 = tpu.memref_slice %arg4[%add3A_26, %dma_start3A_33] : memref<262144x16xf32, #tpu.memory_space<hbm>> -> memref<2048x16xf32, #tpu.memory_space<hbm>>
      %dma_start3A_35 = arith.constant 0 : i32
      %dma_start3A_36 = tpu.memref_slice %arg4[%add3A_26, %dma_start3A_35] : memref<262144x16xf32, #tpu.memory_space<hbm>> -> memref<2048x16xf32, #tpu.memory_space<hbm>>
      tpu.enqueue_dma source(%arg6 : memref<2048x16xf32, #tpu.memory_space<vmem>>) target(%dma_start3A_36 : memref<2048x16xf32, #tpu.memory_space<hbm>>) target_semaphore(%run_scoped3A : memref<!tpu.dma_semaphore, #tpu.memory_space<semaphore_mem>>)
      %dma_wait3A_37 = arith.constant 0 : i32
      %dma_wait3A_38 = tpu.memref_slice %arg4[%add3A_26, %dma_wait3A_37] : memref<262144x16xf32, #tpu.memory_space<hbm>> -> memref<2048x16xf32, #tpu.memory_space<hbm>>
      %dma_wait3A_39 = arith.constant 0 : i32
      %dma_wait3A_40 = tpu.memref_slice %arg4[%add3A_26, %dma_wait3A_39] : memref<262144x16xf32, #tpu.memory_space<hbm>> -> memref<2048x16xf32, #tpu.memory_space<hbm>>
      tpu.wait_dma2 semaphore(%run_scoped3A : memref<!tpu.dma_semaphore, #tpu.memory_space<semaphore_mem>>) src(%arg6 : memref<2048x16xf32, #tpu.memory_space<vmem>>) dst(%dma_wait3A_40 : memref<2048x16xf32, #tpu.memory_space<hbm>>)
      tpu.yield
    }) : () -> ()
    return
  }
}

module attributes {stable_mosaic.version = 14 : i64} {
  func.func @_knn_body(%arg0: i32, %arg1: i32, %arg2: memref<1x8x2048xf32, #tpu.memory_space<vmem>>, %arg3: memref<1x256x8xf32, #tpu.memory_space<vmem>>, %arg4: memref<1x256x32xi32, #tpu.memory_space<vmem>>) attributes {dimension_semantics = [#tpu.dimension_semantics<arbitrary>, #tpu.dimension_semantics<arbitrary>], iteration_bounds = array<i64: 4, 8>, scalar_prefetch = 0 : i64, scratch_operands = 0 : i64, tpu.core_type = #tpu.core_type<tc>, window_params = [{transform_indices = @transform_0, window_bounds = array<i64: 1, 8, 2048>}, {transform_indices = @transform_1, window_bounds = array<i64: 1, 256, 8>}, {transform_indices = @transform_2, window_bounds = array<i64: 1, 256, 32>}]} {
    %get3A = arith.constant 0 : index
    %get3A_0 = arith.constant 0 : index
    %get3A_1 = arith.constant 0 : index
    %get3A_2 = vector.load %arg2[%get3A, %get3A_0, %get3A_1] : memref<1x8x2048xf32, #tpu.memory_space<vmem>>, vector<1x8x2048xf32>
    %get3A_3 = vector.shape_cast %get3A_2 : vector<1x8x2048xf32> to vector<8x2048xf32>
    %get3A_4 = arith.constant 0 : index
    %get3A_5 = arith.constant 0 : index
    %get3A_6 = arith.constant 0 : index
    %get3A_7 = vector.load %arg3[%get3A_4, %get3A_5, %get3A_6] : memref<1x256x8xf32, #tpu.memory_space<vmem>>, vector<1x256x8xf32>
    %get3A_8 = vector.shape_cast %get3A_7 : vector<1x256x8xf32> to vector<256x8xf32>
    %mul3A = arith.mulf %get3A_3, %get3A_3 : vector<8x2048xf32>
    %reduce_sum3A = arith.constant dense<0.000000e+00> : vector<2048xf32>
    %reduce_sum3A_9 = vector.multi_reduction <add>, %mul3A, %reduce_sum3A [0] : vector<8x2048xf32> to vector<2048xf32>
    %broadcast_in_dim3A = vector.shape_cast %reduce_sum3A_9 : vector<2048xf32> to vector<1x2048xf32>
    %mul3A_10 = arith.mulf %get3A_8, %get3A_8 : vector<256x8xf32>
    %reduce_sum3A_11 = arith.constant dense<0.000000e+00> : vector<256xf32>
    %reduce_sum3A_12 = vector.multi_reduction <add>, %mul3A_10, %reduce_sum3A_11 [1] : vector<256x8xf32> to vector<256xf32>
    %broadcast_in_dim3A_13 = vector.shape_cast %reduce_sum3A_12 : vector<256xf32> to vector<256x1xf32>
    %convert_element_type3A = arith.truncf %get3A_8 : vector<256x8xf32> to vector<256x8xbf16>
    %convert_element_type3A_14 = arith.extf %convert_element_type3A : vector<256x8xbf16> to vector<256x8xf32>
    %convert_element_type3A_15 = arith.truncf %get3A_3 : vector<8x2048xf32> to vector<8x2048xbf16>
    %convert_element_type3A_16 = arith.extf %convert_element_type3A_15 : vector<8x2048xbf16> to vector<8x2048xf32>
    %dot_general3A = arith.constant dense<0.000000e+00> : vector<256x2048xf32>
    %dot_general3A_17 = tpu.matmul %convert_element_type3A_14, %convert_element_type3A_16, %dot_general3A {dimension_numbers = #tpu.dot_dimension_numbers<[1], [0], [0], [1], [0, 0, 1, 1], [], []>, precision = #tpu.contract_precision<fp32>, transpose_lhs_hint = false} : vector<256x8xf32>, vector<8x2048xf32>, vector<256x2048xf32> -> vector<256x2048xf32>
    %add3A = vector.broadcast %broadcast_in_dim3A_13 : vector<256x1xf32> to vector<256x2048xf32>
    %add3A_18 = vector.broadcast %broadcast_in_dim3A : vector<1x2048xf32> to vector<256x2048xf32>
    %add3A_19 = arith.addf %add3A, %add3A_18 : vector<256x2048xf32>
    %mul3A_20 = arith.constant 2.000000e+00 : f32
    %mul3A_21 = vector.broadcast %mul3A_20 : f32 to vector<256x2048xf32>
    %mul3A_22 = arith.mulf %mul3A_21, %dot_general3A_17 : vector<256x2048xf32>
    %sub3A = arith.subf %add3A_19, %mul3A_22 : vector<256x2048xf32>
    %max3A = arith.constant 0.000000e+00 : f32
    %max3A_23 = vector.broadcast %max3A : f32 to vector<256x2048xf32>
    %max3A_24 = arith.maximumf %sub3A, %max3A_23 : vector<256x2048xf32>
    %iota3A = tpu.iota {dimensions = array<i32: 1>} : vector<256x2048xi32>
    %argmin3A = tpu.reduce_index %max3A_24 {axis = 1 : i32, kind = #tpu.reduction_kind<arg_min>} : vector<256x2048xf32> -> vector<256xi32>
    %broadcast_in_dim3A_25 = vector.shape_cast %argmin3A : vector<256xi32> to vector<256x1xi32>
    %eq3A = vector.broadcast %broadcast_in_dim3A_25 : vector<256x1xi32> to vector<256x2048xi32>
    %eq3A_26 = arith.cmpi eq, %iota3A, %eq3A : vector<256x2048xi32>
    %jit3A = arith.constant 0x7F800000 : f32
    %broadcast_in_dim3A_27 = vector.broadcast %jit3A : f32 to vector<256x2048xf32>
    %select_n3A = arith.select %eq3A_26, %broadcast_in_dim3A_27, %max3A_24 : vector<256x2048xi1>, vector<256x2048xf32>
    %argmin3A_28 = tpu.reduce_index %select_n3A {axis = 1 : i32, kind = #tpu.reduction_kind<arg_min>} : vector<256x2048xf32> -> vector<256xi32>
    %broadcast_in_dim3A_29 = vector.shape_cast %argmin3A_28 : vector<256xi32> to vector<256x1xi32>
    %eq3A_30 = vector.broadcast %broadcast_in_dim3A_29 : vector<256x1xi32> to vector<256x2048xi32>
    %eq3A_31 = arith.cmpi eq, %iota3A, %eq3A_30 : vector<256x2048xi32>
    %jit3A_32 = arith.constant 0x7F800000 : f32
    %broadcast_in_dim3A_33 = vector.broadcast %jit3A_32 : f32 to vector<256x2048xf32>
    %select_n3A_34 = arith.select %eq3A_31, %broadcast_in_dim3A_33, %select_n3A : vector<256x2048xi1>, vector<256x2048xf32>
    %argmin3A_35 = tpu.reduce_index %select_n3A_34 {axis = 1 : i32, kind = #tpu.reduction_kind<arg_min>} : vector<256x2048xf32> -> vector<256xi32>
    %broadcast_in_dim3A_36 = vector.shape_cast %argmin3A_35 : vector<256xi32> to vector<256x1xi32>
    %eq3A_37 = vector.broadcast %broadcast_in_dim3A_36 : vector<256x1xi32> to vector<256x2048xi32>
    %eq3A_38 = arith.cmpi eq, %iota3A, %eq3A_37 : vector<256x2048xi32>
    %jit3A_39 = arith.constant 0x7F800000 : f32
    %broadcast_in_dim3A_40 = vector.broadcast %jit3A_39 : f32 to vector<256x2048xf32>
    %select_n3A_41 = arith.select %eq3A_38, %broadcast_in_dim3A_40, %select_n3A_34 : vector<256x2048xi1>, vector<256x2048xf32>
    %argmin3A_42 = tpu.reduce_index %select_n3A_41 {axis = 1 : i32, kind = #tpu.reduction_kind<arg_min>} : vector<256x2048xf32> -> vector<256xi32>
    %broadcast_in_dim3A_43 = vector.shape_cast %argmin3A_42 : vector<256xi32> to vector<256x1xi32>
    %eq3A_44 = vector.broadcast %broadcast_in_dim3A_43 : vector<256x1xi32> to vector<256x2048xi32>
    %eq3A_45 = arith.cmpi eq, %iota3A, %eq3A_44 : vector<256x2048xi32>
    %jit3A_46 = arith.constant 0x7F800000 : f32
    %broadcast_in_dim3A_47 = vector.broadcast %jit3A_46 : f32 to vector<256x2048xf32>
    %select_n3A_48 = arith.select %eq3A_45, %broadcast_in_dim3A_47, %select_n3A_41 : vector<256x2048xi1>, vector<256x2048xf32>
    %argmin3A_49 = tpu.reduce_index %select_n3A_48 {axis = 1 : i32, kind = #tpu.reduction_kind<arg_min>} : vector<256x2048xf32> -> vector<256xi32>
    %broadcast_in_dim3A_50 = vector.shape_cast %argmin3A_49 : vector<256xi32> to vector<256x1xi32>
    %eq3A_51 = vector.broadcast %broadcast_in_dim3A_50 : vector<256x1xi32> to vector<256x2048xi32>
    %eq3A_52 = arith.cmpi eq, %iota3A, %eq3A_51 : vector<256x2048xi32>
    %jit3A_53 = arith.constant 0x7F800000 : f32
    %broadcast_in_dim3A_54 = vector.broadcast %jit3A_53 : f32 to vector<256x2048xf32>
    %select_n3A_55 = arith.select %eq3A_52, %broadcast_in_dim3A_54, %select_n3A_48 : vector<256x2048xi1>, vector<256x2048xf32>
    %argmin3A_56 = tpu.reduce_index %select_n3A_55 {axis = 1 : i32, kind = #tpu.reduction_kind<arg_min>} : vector<256x2048xf32> -> vector<256xi32>
    %broadcast_in_dim3A_57 = vector.shape_cast %argmin3A_56 : vector<256xi32> to vector<256x1xi32>
    %eq3A_58 = vector.broadcast %broadcast_in_dim3A_57 : vector<256x1xi32> to vector<256x2048xi32>
    %eq3A_59 = arith.cmpi eq, %iota3A, %eq3A_58 : vector<256x2048xi32>
    %jit3A_60 = arith.constant 0x7F800000 : f32
    %broadcast_in_dim3A_61 = vector.broadcast %jit3A_60 : f32 to vector<256x2048xf32>
    %select_n3A_62 = arith.select %eq3A_59, %broadcast_in_dim3A_61, %select_n3A_55 : vector<256x2048xi1>, vector<256x2048xf32>
    %argmin3A_63 = tpu.reduce_index %select_n3A_62 {axis = 1 : i32, kind = #tpu.reduction_kind<arg_min>} : vector<256x2048xf32> -> vector<256xi32>
    %broadcast_in_dim3A_64 = vector.shape_cast %argmin3A_63 : vector<256xi32> to vector<256x1xi32>
    %eq3A_65 = vector.broadcast %broadcast_in_dim3A_64 : vector<256x1xi32> to vector<256x2048xi32>
    %eq3A_66 = arith.cmpi eq, %iota3A, %eq3A_65 : vector<256x2048xi32>
    %jit3A_67 = arith.constant 0x7F800000 : f32
    %broadcast_in_dim3A_68 = vector.broadcast %jit3A_67 : f32 to vector<256x2048xf32>
    %select_n3A_69 = arith.select %eq3A_66, %broadcast_in_dim3A_68, %select_n3A_62 : vector<256x2048xi1>, vector<256x2048xf32>
    %argmin3A_70 = tpu.reduce_index %select_n3A_69 {axis = 1 : i32, kind = #tpu.reduction_kind<arg_min>} : vector<256x2048xf32> -> vector<256xi32>
    %broadcast_in_dim3A_71 = vector.shape_cast %argmin3A_70 : vector<256xi32> to vector<256x1xi32>
    %eq3A_72 = vector.broadcast %broadcast_in_dim3A_71 : vector<256x1xi32> to vector<256x2048xi32>
    %eq3A_73 = arith.cmpi eq, %iota3A, %eq3A_72 : vector<256x2048xi32>
    %jit3A_74 = arith.constant 0x7F800000 : f32
    %broadcast_in_dim3A_75 = vector.broadcast %jit3A_74 : f32 to vector<256x2048xf32>
    %select_n3A_76 = arith.select %eq3A_73, %broadcast_in_dim3A_75, %select_n3A_69 : vector<256x2048xi1>, vector<256x2048xf32>
    %argmin3A_77 = tpu.reduce_index %select_n3A_76 {axis = 1 : i32, kind = #tpu.reduction_kind<arg_min>} : vector<256x2048xf32> -> vector<256xi32>
    %broadcast_in_dim3A_78 = vector.shape_cast %argmin3A_77 : vector<256xi32> to vector<256x1xi32>
    %eq3A_79 = vector.broadcast %broadcast_in_dim3A_78 : vector<256x1xi32> to vector<256x2048xi32>
    %eq3A_80 = arith.cmpi eq, %iota3A, %eq3A_79 : vector<256x2048xi32>
    %jit3A_81 = arith.constant 0x7F800000 : f32
    %broadcast_in_dim3A_82 = vector.broadcast %jit3A_81 : f32 to vector<256x2048xf32>
    %select_n3A_83 = arith.select %eq3A_80, %broadcast_in_dim3A_82, %select_n3A_76 : vector<256x2048xi1>, vector<256x2048xf32>
    %argmin3A_84 = tpu.reduce_index %select_n3A_83 {axis = 1 : i32, kind = #tpu.reduction_kind<arg_min>} : vector<256x2048xf32> -> vector<256xi32>
    %broadcast_in_dim3A_85 = vector.shape_cast %argmin3A_84 : vector<256xi32> to vector<256x1xi32>
    %eq3A_86 = vector.broadcast %broadcast_in_dim3A_85 : vector<256x1xi32> to vector<256x2048xi32>
    %eq3A_87 = arith.cmpi eq, %iota3A, %eq3A_86 : vector<256x2048xi32>
    %jit3A_88 = arith.constant 0x7F800000 : f32
    %broadcast_in_dim3A_89 = vector.broadcast %jit3A_88 : f32 to vector<256x2048xf32>
    %select_n3A_90 = arith.select %eq3A_87, %broadcast_in_dim3A_89, %select_n3A_83 : vector<256x2048xi1>, vector<256x2048xf32>
    %argmin3A_91 = tpu.reduce_index %select_n3A_90 {axis = 1 : i32, kind = #tpu.reduction_kind<arg_min>} : vector<256x2048xf32> -> vector<256xi32>
    %broadcast_in_dim3A_92 = vector.shape_cast %argmin3A_91 : vector<256xi32> to vector<256x1xi32>
    %eq3A_93 = vector.broadcast %broadcast_in_dim3A_92 : vector<256x1xi32> to vector<256x2048xi32>
    %eq3A_94 = arith.cmpi eq, %iota3A, %eq3A_93 : vector<256x2048xi32>
    %jit3A_95 = arith.constant 0x7F800000 : f32
    %broadcast_in_dim3A_96 = vector.broadcast %jit3A_95 : f32 to vector<256x2048xf32>
    %select_n3A_97 = arith.select %eq3A_94, %broadcast_in_dim3A_96, %select_n3A_90 : vector<256x2048xi1>, vector<256x2048xf32>
    %argmin3A_98 = tpu.reduce_index %select_n3A_97 {axis = 1 : i32, kind = #tpu.reduction_kind<arg_min>} : vector<256x2048xf32> -> vector<256xi32>
    %broadcast_in_dim3A_99 = vector.shape_cast %argmin3A_98 : vector<256xi32> to vector<256x1xi32>
    %eq3A_100 = vector.broadcast %broadcast_in_dim3A_99 : vector<256x1xi32> to vector<256x2048xi32>
    %eq3A_101 = arith.cmpi eq, %iota3A, %eq3A_100 : vector<256x2048xi32>
    %jit3A_102 = arith.constant 0x7F800000 : f32
    %broadcast_in_dim3A_103 = vector.broadcast %jit3A_102 : f32 to vector<256x2048xf32>
    %select_n3A_104 = arith.select %eq3A_101, %broadcast_in_dim3A_103, %select_n3A_97 : vector<256x2048xi1>, vector<256x2048xf32>
    %argmin3A_105 = tpu.reduce_index %select_n3A_104 {axis = 1 : i32, kind = #tpu.reduction_kind<arg_min>} : vector<256x2048xf32> -> vector<256xi32>
    %broadcast_in_dim3A_106 = vector.shape_cast %argmin3A_105 : vector<256xi32> to vector<256x1xi32>
    %eq3A_107 = vector.broadcast %broadcast_in_dim3A_106 : vector<256x1xi32> to vector<256x2048xi32>
    %eq3A_108 = arith.cmpi eq, %iota3A, %eq3A_107 : vector<256x2048xi32>
    %jit3A_109 = arith.constant 0x7F800000 : f32
    %broadcast_in_dim3A_110 = vector.broadcast %jit3A_109 : f32 to vector<256x2048xf32>
    %select_n3A_111 = arith.select %eq3A_108, %broadcast_in_dim3A_110, %select_n3A_104 : vector<256x2048xi1>, vector<256x2048xf32>
    %argmin3A_112 = tpu.reduce_index %select_n3A_111 {axis = 1 : i32, kind = #tpu.reduction_kind<arg_min>} : vector<256x2048xf32> -> vector<256xi32>
    %broadcast_in_dim3A_113 = vector.shape_cast %argmin3A_112 : vector<256xi32> to vector<256x1xi32>
    %eq3A_114 = vector.broadcast %broadcast_in_dim3A_113 : vector<256x1xi32> to vector<256x2048xi32>
    %eq3A_115 = arith.cmpi eq, %iota3A, %eq3A_114 : vector<256x2048xi32>
    %jit3A_116 = arith.constant 0x7F800000 : f32
    %broadcast_in_dim3A_117 = vector.broadcast %jit3A_116 : f32 to vector<256x2048xf32>
    %select_n3A_118 = arith.select %eq3A_115, %broadcast_in_dim3A_117, %select_n3A_111 : vector<256x2048xi1>, vector<256x2048xf32>
    %argmin3A_119 = tpu.reduce_index %select_n3A_118 {axis = 1 : i32, kind = #tpu.reduction_kind<arg_min>} : vector<256x2048xf32> -> vector<256xi32>
    %broadcast_in_dim3A_120 = vector.shape_cast %argmin3A_119 : vector<256xi32> to vector<256x1xi32>
    %eq3A_121 = vector.broadcast %broadcast_in_dim3A_120 : vector<256x1xi32> to vector<256x2048xi32>
    %eq3A_122 = arith.cmpi eq, %iota3A, %eq3A_121 : vector<256x2048xi32>
    %jit3A_123 = arith.constant 0x7F800000 : f32
    %broadcast_in_dim3A_124 = vector.broadcast %jit3A_123 : f32 to vector<256x2048xf32>
    %select_n3A_125 = arith.select %eq3A_122, %broadcast_in_dim3A_124, %select_n3A_118 : vector<256x2048xi1>, vector<256x2048xf32>
    %argmin3A_126 = tpu.reduce_index %select_n3A_125 {axis = 1 : i32, kind = #tpu.reduction_kind<arg_min>} : vector<256x2048xf32> -> vector<256xi32>
    %broadcast_in_dim3A_127 = vector.shape_cast %argmin3A_126 : vector<256xi32> to vector<256x1xi32>
    %eq3A_128 = vector.broadcast %broadcast_in_dim3A_127 : vector<256x1xi32> to vector<256x2048xi32>
    %eq3A_129 = arith.cmpi eq, %iota3A, %eq3A_128 : vector<256x2048xi32>
    %jit3A_130 = arith.constant 0x7F800000 : f32
    %broadcast_in_dim3A_131 = vector.broadcast %jit3A_130 : f32 to vector<256x2048xf32>
    %select_n3A_132 = arith.select %eq3A_129, %broadcast_in_dim3A_131, %select_n3A_125 : vector<256x2048xi1>, vector<256x2048xf32>
    %argmin3A_133 = tpu.reduce_index %select_n3A_132 {axis = 1 : i32, kind = #tpu.reduction_kind<arg_min>} : vector<256x2048xf32> -> vector<256xi32>
    %broadcast_in_dim3A_134 = vector.shape_cast %argmin3A_133 : vector<256xi32> to vector<256x1xi32>
    %eq3A_135 = vector.broadcast %broadcast_in_dim3A_134 : vector<256x1xi32> to vector<256x2048xi32>
    %eq3A_136 = arith.cmpi eq, %iota3A, %eq3A_135 : vector<256x2048xi32>
    %jit3A_137 = arith.constant 0x7F800000 : f32
    %broadcast_in_dim3A_138 = vector.broadcast %jit3A_137 : f32 to vector<256x2048xf32>
    %select_n3A_139 = arith.select %eq3A_136, %broadcast_in_dim3A_138, %select_n3A_132 : vector<256x2048xi1>, vector<256x2048xf32>
    %argmin3A_140 = tpu.reduce_index %select_n3A_139 {axis = 1 : i32, kind = #tpu.reduction_kind<arg_min>} : vector<256x2048xf32> -> vector<256xi32>
    %broadcast_in_dim3A_141 = vector.shape_cast %argmin3A_140 : vector<256xi32> to vector<256x1xi32>
    %eq3A_142 = vector.broadcast %broadcast_in_dim3A_141 : vector<256x1xi32> to vector<256x2048xi32>
    %eq3A_143 = arith.cmpi eq, %iota3A, %eq3A_142 : vector<256x2048xi32>
    %jit3A_144 = arith.constant 0x7F800000 : f32
    %broadcast_in_dim3A_145 = vector.broadcast %jit3A_144 : f32 to vector<256x2048xf32>
    %select_n3A_146 = arith.select %eq3A_143, %broadcast_in_dim3A_145, %select_n3A_139 : vector<256x2048xi1>, vector<256x2048xf32>
    %argmin3A_147 = tpu.reduce_index %select_n3A_146 {axis = 1 : i32, kind = #tpu.reduction_kind<arg_min>} : vector<256x2048xf32> -> vector<256xi32>
    %broadcast_in_dim3A_148 = vector.shape_cast %argmin3A_147 : vector<256xi32> to vector<256x1xi32>
    %eq3A_149 = vector.broadcast %broadcast_in_dim3A_148 : vector<256x1xi32> to vector<256x2048xi32>
    %eq3A_150 = arith.cmpi eq, %iota3A, %eq3A_149 : vector<256x2048xi32>
    %jit3A_151 = arith.constant 0x7F800000 : f32
    %broadcast_in_dim3A_152 = vector.broadcast %jit3A_151 : f32 to vector<256x2048xf32>
    %select_n3A_153 = arith.select %eq3A_150, %broadcast_in_dim3A_152, %select_n3A_146 : vector<256x2048xi1>, vector<256x2048xf32>
    %argmin3A_154 = tpu.reduce_index %select_n3A_153 {axis = 1 : i32, kind = #tpu.reduction_kind<arg_min>} : vector<256x2048xf32> -> vector<256xi32>
    %broadcast_in_dim3A_155 = vector.shape_cast %argmin3A_154 : vector<256xi32> to vector<256x1xi32>
    %eq3A_156 = vector.broadcast %broadcast_in_dim3A_155 : vector<256x1xi32> to vector<256x2048xi32>
    %eq3A_157 = arith.cmpi eq, %iota3A, %eq3A_156 : vector<256x2048xi32>
    %jit3A_158 = arith.constant 0x7F800000 : f32
    %broadcast_in_dim3A_159 = vector.broadcast %jit3A_158 : f32 to vector<256x2048xf32>
    %select_n3A_160 = arith.select %eq3A_157, %broadcast_in_dim3A_159, %select_n3A_153 : vector<256x2048xi1>, vector<256x2048xf32>
    %argmin3A_161 = tpu.reduce_index %select_n3A_160 {axis = 1 : i32, kind = #tpu.reduction_kind<arg_min>} : vector<256x2048xf32> -> vector<256xi32>
    %broadcast_in_dim3A_162 = vector.shape_cast %argmin3A_161 : vector<256xi32> to vector<256x1xi32>
    %eq3A_163 = vector.broadcast %broadcast_in_dim3A_162 : vector<256x1xi32> to vector<256x2048xi32>
    %eq3A_164 = arith.cmpi eq, %iota3A, %eq3A_163 : vector<256x2048xi32>
    %jit3A_165 = arith.constant 0x7F800000 : f32
    %broadcast_in_dim3A_166 = vector.broadcast %jit3A_165 : f32 to vector<256x2048xf32>
    %select_n3A_167 = arith.select %eq3A_164, %broadcast_in_dim3A_166, %select_n3A_160 : vector<256x2048xi1>, vector<256x2048xf32>
    %argmin3A_168 = tpu.reduce_index %select_n3A_167 {axis = 1 : i32, kind = #tpu.reduction_kind<arg_min>} : vector<256x2048xf32> -> vector<256xi32>
    %broadcast_in_dim3A_169 = vector.shape_cast %argmin3A_168 : vector<256xi32> to vector<256x1xi32>
    %eq3A_170 = vector.broadcast %broadcast_in_dim3A_169 : vector<256x1xi32> to vector<256x2048xi32>
    %eq3A_171 = arith.cmpi eq, %iota3A, %eq3A_170 : vector<256x2048xi32>
    %jit3A_172 = arith.constant 0x7F800000 : f32
    %broadcast_in_dim3A_173 = vector.broadcast %jit3A_172 : f32 to vector<256x2048xf32>
    %select_n3A_174 = arith.select %eq3A_171, %broadcast_in_dim3A_173, %select_n3A_167 : vector<256x2048xi1>, vector<256x2048xf32>
    %argmin3A_175 = tpu.reduce_index %select_n3A_174 {axis = 1 : i32, kind = #tpu.reduction_kind<arg_min>} : vector<256x2048xf32> -> vector<256xi32>
    %broadcast_in_dim3A_176 = vector.shape_cast %argmin3A_175 : vector<256xi32> to vector<256x1xi32>
    %eq3A_177 = vector.broadcast %broadcast_in_dim3A_176 : vector<256x1xi32> to vector<256x2048xi32>
    %eq3A_178 = arith.cmpi eq, %iota3A, %eq3A_177 : vector<256x2048xi32>
    %jit3A_179 = arith.constant 0x7F800000 : f32
    %broadcast_in_dim3A_180 = vector.broadcast %jit3A_179 : f32 to vector<256x2048xf32>
    %select_n3A_181 = arith.select %eq3A_178, %broadcast_in_dim3A_180, %select_n3A_174 : vector<256x2048xi1>, vector<256x2048xf32>
    %argmin3A_182 = tpu.reduce_index %select_n3A_181 {axis = 1 : i32, kind = #tpu.reduction_kind<arg_min>} : vector<256x2048xf32> -> vector<256xi32>
    %broadcast_in_dim3A_183 = vector.shape_cast %argmin3A_182 : vector<256xi32> to vector<256x1xi32>
    %eq3A_184 = vector.broadcast %broadcast_in_dim3A_183 : vector<256x1xi32> to vector<256x2048xi32>
    %eq3A_185 = arith.cmpi eq, %iota3A, %eq3A_184 : vector<256x2048xi32>
    %jit3A_186 = arith.constant 0x7F800000 : f32
    %broadcast_in_dim3A_187 = vector.broadcast %jit3A_186 : f32 to vector<256x2048xf32>
    %select_n3A_188 = arith.select %eq3A_185, %broadcast_in_dim3A_187, %select_n3A_181 : vector<256x2048xi1>, vector<256x2048xf32>
    %argmin3A_189 = tpu.reduce_index %select_n3A_188 {axis = 1 : i32, kind = #tpu.reduction_kind<arg_min>} : vector<256x2048xf32> -> vector<256xi32>
    %broadcast_in_dim3A_190 = vector.shape_cast %argmin3A_189 : vector<256xi32> to vector<256x1xi32>
    %eq3A_191 = vector.broadcast %broadcast_in_dim3A_190 : vector<256x1xi32> to vector<256x2048xi32>
    %eq3A_192 = arith.cmpi eq, %iota3A, %eq3A_191 : vector<256x2048xi32>
    %jit3A_193 = arith.constant 0x7F800000 : f32
    %broadcast_in_dim3A_194 = vector.broadcast %jit3A_193 : f32 to vector<256x2048xf32>
    %select_n3A_195 = arith.select %eq3A_192, %broadcast_in_dim3A_194, %select_n3A_188 : vector<256x2048xi1>, vector<256x2048xf32>
    %argmin3A_196 = tpu.reduce_index %select_n3A_195 {axis = 1 : i32, kind = #tpu.reduction_kind<arg_min>} : vector<256x2048xf32> -> vector<256xi32>
    %broadcast_in_dim3A_197 = vector.shape_cast %argmin3A_196 : vector<256xi32> to vector<256x1xi32>
    %eq3A_198 = vector.broadcast %broadcast_in_dim3A_197 : vector<256x1xi32> to vector<256x2048xi32>
    %eq3A_199 = arith.cmpi eq, %iota3A, %eq3A_198 : vector<256x2048xi32>
    %jit3A_200 = arith.constant 0x7F800000 : f32
    %broadcast_in_dim3A_201 = vector.broadcast %jit3A_200 : f32 to vector<256x2048xf32>
    %select_n3A_202 = arith.select %eq3A_199, %broadcast_in_dim3A_201, %select_n3A_195 : vector<256x2048xi1>, vector<256x2048xf32>
    %argmin3A_203 = tpu.reduce_index %select_n3A_202 {axis = 1 : i32, kind = #tpu.reduction_kind<arg_min>} : vector<256x2048xf32> -> vector<256xi32>
    %broadcast_in_dim3A_204 = vector.shape_cast %argmin3A_203 : vector<256xi32> to vector<256x1xi32>
    %eq3A_205 = vector.broadcast %broadcast_in_dim3A_204 : vector<256x1xi32> to vector<256x2048xi32>
    %eq3A_206 = arith.cmpi eq, %iota3A, %eq3A_205 : vector<256x2048xi32>
    %jit3A_207 = arith.constant 0x7F800000 : f32
    %broadcast_in_dim3A_208 = vector.broadcast %jit3A_207 : f32 to vector<256x2048xf32>
    %select_n3A_209 = arith.select %eq3A_206, %broadcast_in_dim3A_208, %select_n3A_202 : vector<256x2048xi1>, vector<256x2048xf32>
    %argmin3A_210 = tpu.reduce_index %select_n3A_209 {axis = 1 : i32, kind = #tpu.reduction_kind<arg_min>} : vector<256x2048xf32> -> vector<256xi32>
    %broadcast_in_dim3A_211 = vector.shape_cast %argmin3A_210 : vector<256xi32> to vector<256x1xi32>
    %eq3A_212 = vector.broadcast %broadcast_in_dim3A_211 : vector<256x1xi32> to vector<256x2048xi32>
    %eq3A_213 = arith.cmpi eq, %iota3A, %eq3A_212 : vector<256x2048xi32>
    %jit3A_214 = arith.constant 0x7F800000 : f32
    %broadcast_in_dim3A_215 = vector.broadcast %jit3A_214 : f32 to vector<256x2048xf32>
    %select_n3A_216 = arith.select %eq3A_213, %broadcast_in_dim3A_215, %select_n3A_209 : vector<256x2048xi1>, vector<256x2048xf32>
    %argmin3A_217 = tpu.reduce_index %select_n3A_216 {axis = 1 : i32, kind = #tpu.reduction_kind<arg_min>} : vector<256x2048xf32> -> vector<256xi32>
    %broadcast_in_dim3A_218 = vector.shape_cast %argmin3A_217 : vector<256xi32> to vector<256x1xi32>
    %eq3A_219 = vector.broadcast %broadcast_in_dim3A_218 : vector<256x1xi32> to vector<256x2048xi32>
    %eq3A_220 = arith.cmpi eq, %iota3A, %eq3A_219 : vector<256x2048xi32>
    %jit3A_221 = arith.constant 0x7F800000 : f32
    %broadcast_in_dim3A_222 = vector.broadcast %jit3A_221 : f32 to vector<256x2048xf32>
    %select_n3A_223 = arith.select %eq3A_220, %broadcast_in_dim3A_222, %select_n3A_216 : vector<256x2048xi1>, vector<256x2048xf32>
    %argmin3A_224 = tpu.reduce_index %select_n3A_223 {axis = 1 : i32, kind = #tpu.reduction_kind<arg_min>} : vector<256x2048xf32> -> vector<256xi32>
    %broadcast_in_dim3A_225 = vector.shape_cast %argmin3A_224 : vector<256xi32> to vector<256x1xi32>
    %eq3A_226 = vector.broadcast %broadcast_in_dim3A_225 : vector<256x1xi32> to vector<256x2048xi32>
    %eq3A_227 = arith.cmpi eq, %iota3A, %eq3A_226 : vector<256x2048xi32>
    %jit3A_228 = arith.constant 0x7F800000 : f32
    %broadcast_in_dim3A_229 = vector.broadcast %jit3A_228 : f32 to vector<256x2048xf32>
    %select_n3A_230 = arith.select %eq3A_227, %broadcast_in_dim3A_229, %select_n3A_223 : vector<256x2048xi1>, vector<256x2048xf32>
    %argmin3A_231 = tpu.reduce_index %select_n3A_230 {axis = 1 : i32, kind = #tpu.reduction_kind<arg_min>} : vector<256x2048xf32> -> vector<256xi32>
    %broadcast_in_dim3A_232 = vector.shape_cast %argmin3A_231 : vector<256xi32> to vector<256x1xi32>
    %eq3A_233 = vector.broadcast %broadcast_in_dim3A_232 : vector<256x1xi32> to vector<256x2048xi32>
    %eq3A_234 = arith.cmpi eq, %iota3A, %eq3A_233 : vector<256x2048xi32>
    %jit3A_235 = arith.constant 0x7F800000 : f32
    %broadcast_in_dim3A_236 = vector.broadcast %jit3A_235 : f32 to vector<256x2048xf32>
    %select_n3A_237 = arith.select %eq3A_234, %broadcast_in_dim3A_236, %select_n3A_230 : vector<256x2048xi1>, vector<256x2048xf32>
    %argmin3A_238 = tpu.reduce_index %select_n3A_237 {axis = 1 : i32, kind = #tpu.reduction_kind<arg_min>} : vector<256x2048xf32> -> vector<256xi32>
    %broadcast_in_dim3A_239 = vector.shape_cast %argmin3A_238 : vector<256xi32> to vector<256x1xi32>
    %concatenate3A = tpu.concatenate %broadcast_in_dim3A_25, %broadcast_in_dim3A_29, %broadcast_in_dim3A_36, %broadcast_in_dim3A_43, %broadcast_in_dim3A_50, %broadcast_in_dim3A_57, %broadcast_in_dim3A_64, %broadcast_in_dim3A_71, %broadcast_in_dim3A_78, %broadcast_in_dim3A_85, %broadcast_in_dim3A_92, %broadcast_in_dim3A_99, %broadcast_in_dim3A_106, %broadcast_in_dim3A_113, %broadcast_in_dim3A_120, %broadcast_in_dim3A_127, %broadcast_in_dim3A_134, %broadcast_in_dim3A_141, %broadcast_in_dim3A_148, %broadcast_in_dim3A_155, %broadcast_in_dim3A_162, %broadcast_in_dim3A_169, %broadcast_in_dim3A_176, %broadcast_in_dim3A_183, %broadcast_in_dim3A_190, %broadcast_in_dim3A_197, %broadcast_in_dim3A_204, %broadcast_in_dim3A_211, %broadcast_in_dim3A_218, %broadcast_in_dim3A_225, %broadcast_in_dim3A_232, %broadcast_in_dim3A_239 in 1 : vector<256x1xi32>, vector<256x1xi32>, vector<256x1xi32>, vector<256x1xi32>, vector<256x1xi32>, vector<256x1xi32>, vector<256x1xi32>, vector<256x1xi32>, vector<256x1xi32>, vector<256x1xi32>, vector<256x1xi32>, vector<256x1xi32>, vector<256x1xi32>, vector<256x1xi32>, vector<256x1xi32>, vector<256x1xi32>, vector<256x1xi32>, vector<256x1xi32>, vector<256x1xi32>, vector<256x1xi32>, vector<256x1xi32>, vector<256x1xi32>, vector<256x1xi32>, vector<256x1xi32>, vector<256x1xi32>, vector<256x1xi32>, vector<256x1xi32>, vector<256x1xi32>, vector<256x1xi32>, vector<256x1xi32>, vector<256x1xi32>, vector<256x1xi32> -> vector<256x32xi32>
    %swap3A = arith.constant 0 : index
    %swap3A_240 = arith.constant 0 : index
    %swap3A_241 = arith.constant 0 : index
    %swap3A_242 = vector.load %arg4[%swap3A, %swap3A_240, %swap3A_241] : memref<1x256x32xi32, #tpu.memory_space<vmem>>, vector<1x256x32xi32>
    %swap3A_243 = vector.shape_cast %swap3A_242 : vector<1x256x32xi32> to vector<256x32xi32>
    %swap3A_244 = vector.shape_cast %concatenate3A : vector<256x32xi32> to vector<1x256x32xi32>
    tpu.vector_store %arg4[%swap3A, %swap3A_240, %swap3A_241], %swap3A_244 {strides = array<i32>} : memref<1x256x32xi32, #tpu.memory_space<vmem>>, vector<1x256x32xi32>,
    return
  }
  func.func @transform_0(%arg0: i32, %arg1: i32) -> (i32, i32, i32) {
    %c0_i32 = arith.constant 0 : i32
    %c0_i32_0 = arith.constant 0 : i32
    %c0_i32_1 = arith.constant 0 : i32
    return %arg0, %c0_i32, %c0_i32_0 : i32, i32, i32
  }
  func.func @transform_1(%arg0: i32, %arg1: i32) -> (i32, i32, i32) {
    %c0_i32 = arith.constant 0 : i32
    %c0_i32_0 = arith.constant 0 : i32
    return %arg0, %arg1, %c0_i32 : i32, i32, i32
  }
  func.func @transform_2(%arg0: i32, %arg1: i32) -> (i32, i32, i32) {
    %c0_i32 = arith.constant 0 : i32
    %c0_i32_0 = arith.constant 0 : i32
    return %arg0, %arg1, %c0_i32 : i32, i32, i32
  }
}

module attributes {stable_mosaic.version = 14 : i64} {
  func.func @_pc0_body(%arg0: i32, %arg1: i32, %arg2: memref<1x8192x16xf32, #tpu.memory_space<vmem>>, %arg3: memref<1x256x8xf32, #tpu.memory_space<vmem>>, %arg4: memref<8x32xf32, #tpu.memory_space<vmem>>, %arg5: memref<1x32xf32, #tpu.memory_space<vmem>>, %arg6: memref<32x64xf32, #tpu.memory_space<vmem>>, %arg7: memref<1x64xf32, #tpu.memory_space<vmem>>, %arg8: memref<64x128xf32, #tpu.memory_space<vmem>>, %arg9: memref<1x128xf32, #tpu.memory_space<vmem>>, %arg10: memref<128x128xf32, #tpu.memory_space<vmem>>, %arg11: memref<1x128xf32, #tpu.memory_space<vmem>>, %arg12: memref<128x64xf32, #tpu.memory_space<vmem>>, %arg13: memref<1x64xf32, #tpu.memory_space<vmem>>, %arg14: memref<64x32xf32, #tpu.memory_space<vmem>>, %arg15: memref<1x32xf32, #tpu.memory_space<vmem>>, %arg16: memref<32x8xf32, #tpu.memory_space<vmem>>, %arg17: memref<1x8xf32, #tpu.memory_space<vmem>>, %arg18: memref<1x256x8xf32, #tpu.memory_space<vmem>>) attributes {dimension_semantics = [#tpu.dimension_semantics<arbitrary>, #tpu.dimension_semantics<arbitrary>], iteration_bounds = array<i64: 4, 8>, scalar_prefetch = 0 : i64, scratch_operands = 0 : i64, tpu.core_type = #tpu.core_type<tc>, window_params = [{transform_indices = @transform_0, window_bounds = array<i64: 1, 8192, 16>}, {transform_indices = @transform_1, window_bounds = array<i64: 1, 256, 8>}, {pipeline_mode = #tpu.pipeline_mode<synchronous>, transform_indices = @transform_2, window_bounds = array<i64: 8, 32>}, {pipeline_mode = #tpu.pipeline_mode<synchronous>, transform_indices = @transform_3, window_bounds = array<i64: 1, 32>}, {pipeline_mode = #tpu.pipeline_mode<synchronous>, transform_indices = @transform_4, window_bounds = array<i64: 32, 64>}, {pipeline_mode = #tpu.pipeline_mode<synchronous>, transform_indices = @transform_5, window_bounds = array<i64: 1, 64>}, {pipeline_mode = #tpu.pipeline_mode<synchronous>, transform_indices = @transform_6, window_bounds = array<i64: 64, 128>}, {pipeline_mode = #tpu.pipeline_mode<synchronous>, transform_indices = @transform_7, window_bounds = array<i64: 1, 128>}, {pipeline_mode = #tpu.pipeline_mode<synchronous>, transform_indices = @transform_8, window_bounds = array<i64: 128, 128>}, {pipeline_mode = #tpu.pipeline_mode<synchronous>, transform_indices = @transform_9, window_bounds = array<i64: 1, 128>}, {pipeline_mode = #tpu.pipeline_mode<synchronous>, transform_indices = @transform_10, window_bounds = array<i64: 128, 64>}, {pipeline_mode = #tpu.pipeline_mode<synchronous>, transform_indices = @transform_11, window_bounds = array<i64: 1, 64>}, {pipeline_mode = #tpu.pipeline_mode<synchronous>, transform_indices = @transform_12, window_bounds = array<i64: 64, 32>}, {pipeline_mode = #tpu.pipeline_mode<synchronous>, transform_indices = @transform_13, window_bounds = array<i64: 1, 32>}, {pipeline_mode = #tpu.pipeline_mode<synchronous>, transform_indices = @transform_14, window_bounds = array<i64: 32, 8>}, {pipeline_mode = #tpu.pipeline_mode<synchronous>, transform_indices = @transform_15, window_bounds = array<i64: 1, 8>}, {transform_indices = @transform_16, window_bounds = array<i64: 1, 256, 8>}]} {
    %get3A = arith.constant 0 : index
    %get3A_0 = arith.constant 0 : index
    %get3A_1 = vector.load %arg4[%get3A, %get3A_0] : memref<8x32xf32, #tpu.memory_space<vmem>>, vector<8x32xf32>
    %get3A_2 = arith.constant 0 : index
    %get3A_3 = arith.constant 0 : index
    %get3A_4 = vector.load %arg6[%get3A_2, %get3A_3] : memref<32x64xf32, #tpu.memory_space<vmem>>, vector<32x64xf32>
    %get3A_5 = arith.constant 0 : index
    %get3A_6 = arith.constant 0 : index
    %get3A_7 = vector.load %arg8[%get3A_5, %get3A_6] : memref<64x128xf32, #tpu.memory_space<vmem>>, vector<64x128xf32>
    %get3A_8 = arith.constant 0 : index
    %get3A_9 = arith.constant 0 : index
    %get3A_10 = vector.load %arg10[%get3A_8, %get3A_9] : memref<128x128xf32, #tpu.memory_space<vmem>>, vector<128x128xf32>
    %get3A_11 = arith.constant 0 : index
    %get3A_12 = arith.constant 0 : index
    %get3A_13 = vector.load %arg5[%get3A_11, %get3A_12] : memref<1x32xf32, #tpu.memory_space<vmem>>, vector<1x32xf32>
    %get3A_14 = arith.constant 0 : index
    %get3A_15 = arith.constant 0 : index
    %get3A_16 = vector.load %arg7[%get3A_14, %get3A_15] : memref<1x64xf32, #tpu.memory_space<vmem>>, vector<1x64xf32>
    %get3A_17 = arith.constant 0 : index
    %get3A_18 = arith.constant 0 : index
    %get3A_19 = vector.load %arg9[%get3A_17, %get3A_18] : memref<1x128xf32, #tpu.memory_space<vmem>>, vector<1x128xf32>
    %get3A_20 = arith.constant 0 : index
    %get3A_21 = arith.constant 0 : index
    %get3A_22 = vector.load %arg11[%get3A_20, %get3A_21] : memref<1x128xf32, #tpu.memory_space<vmem>>, vector<1x128xf32>
    %get3A_23 = arith.constant 0 : index
    %get3A_24 = arith.constant 0 : index
    %get3A_25 = vector.load %arg12[%get3A_23, %get3A_24] : memref<128x64xf32, #tpu.memory_space<vmem>>, vector<128x64xf32>
    %get3A_26 = arith.constant 0 : index
    %get3A_27 = arith.constant 0 : index
    %get3A_28 = vector.load %arg14[%get3A_26, %get3A_27] : memref<64x32xf32, #tpu.memory_space<vmem>>, vector<64x32xf32>
    %get3A_29 = arith.constant 0 : index
    %get3A_30 = arith.constant 0 : index
    %get3A_31 = vector.load %arg16[%get3A_29, %get3A_30] : memref<32x8xf32, #tpu.memory_space<vmem>>, vector<32x8xf32>
    %get3A_32 = arith.constant 0 : index
    %get3A_33 = arith.constant 0 : index
    %get3A_34 = vector.load %arg13[%get3A_32, %get3A_33] : memref<1x64xf32, #tpu.memory_space<vmem>>, vector<1x64xf32>
    %get3A_35 = arith.constant 0 : index
    %get3A_36 = arith.constant 0 : index
    %get3A_37 = vector.load %arg15[%get3A_35, %get3A_36] : memref<1x32xf32, #tpu.memory_space<vmem>>, vector<1x32xf32>
    %get3A_38 = arith.constant 0 : index
    %get3A_39 = arith.constant 0 : index
    %get3A_40 = vector.load %arg17[%get3A_38, %get3A_39] : memref<1x8xf32, #tpu.memory_space<vmem>>, vector<1x8xf32>
    %get3A_41 = arith.constant 0 : index
    %get3A_42 = arith.constant 0 : index
    %get3A_43 = arith.constant 0 : index
    %get3A_44 = vector.load %arg2[%get3A_41, %get3A_42, %get3A_43] : memref<1x8192x16xf32, #tpu.memory_space<vmem>>, vector<1x8192x16xf32>
    %get3A_45 = vector.shape_cast %get3A_44 : vector<1x8192x16xf32> to vector<8192x16xf32>
    %get3A_46 = arith.constant 0 : index
    %get3A_47 = arith.constant 0 : index
    %get3A_48 = arith.constant 0 : index
    %get3A_49 = vector.load %arg3[%get3A_46, %get3A_47, %get3A_48] : memref<1x256x8xf32, #tpu.memory_space<vmem>>, vector<1x256x8xf32>
    %get3A_50 = vector.shape_cast %get3A_49 : vector<1x256x8xf32> to vector<256x8xf32>
    %broadcast_in_dim3A = vector.shape_cast %get3A_50 : vector<256x8xf32> to vector<256x1x8xf32>
    %broadcast_in_dim3A_51 = vector.shape_cast %broadcast_in_dim3A : vector<256x1x8xf32> to vector<256x1x8xf32>
    %broadcast_in_dim3A_52 = vector.broadcast %broadcast_in_dim3A_51 : vector<256x1x8xf32> to vector<256x32x8xf32>
    %reshape3A = vector.shape_cast %broadcast_in_dim3A_52 : vector<256x32x8xf32> to vector<8192x8xf32>
    %slice3A = vector.extract_strided_slice %get3A_45 {offsets = [0, 0], sizes = [8192, 8], strides = [1, 1]} : vector<8192x16xf32> to vector<8192x8xf32>
    %sub3A = arith.subf %slice3A, %reshape3A : vector<8192x8xf32>
    %convert_element_type3A = arith.truncf %sub3A : vector<8192x8xf32> to vector<8192x8xbf16>
    %convert_element_type3A_53 = arith.truncf %get3A_1 : vector<8x32xf32> to vector<8x32xbf16>
    %dot_general3A = arith.constant dense<0.000000e+00> : vector<8192x32xf32>
    %dot_general3A_54 = tpu.matmul %convert_element_type3A, %convert_element_type3A_53, %dot_general3A {dimension_numbers = #tpu.dot_dimension_numbers<[1], [0], [0], [1], [0, 0, 1, 1], [], []>, transpose_lhs_hint = false} : vector<8192x8xbf16>, vector<8x32xbf16>, vector<8192x32xf32> -> vector<8192x32xf32>
    %add3A = vector.broadcast %get3A_13 : vector<1x32xf32> to vector<8192x32xf32>
    %add3A_55 = arith.addf %dot_general3A_54, %add3A : vector<8192x32xf32>
    %max3A = arith.constant 0.000000e+00 : f32
    %max3A_56 = vector.broadcast %max3A : f32 to vector<8192x32xf32>
    %max3A_57 = arith.maximumf %add3A_55, %max3A_56 : vector<8192x32xf32>
    %convert_element_type3A_58 = arith.truncf %max3A_57 : vector<8192x32xf32> to vector<8192x32xbf16>
    %convert_element_type3A_59 = arith.truncf %get3A_4 : vector<32x64xf32> to vector<32x64xbf16>
    %dot_general3A_60 = arith.constant dense<0.000000e+00> : vector<8192x64xf32>
    %dot_general3A_61 = tpu.matmul %convert_element_type3A_58, %convert_element_type3A_59, %dot_general3A_60 {dimension_numbers = #tpu.dot_dimension_numbers<[1], [0], [0], [1], [0, 0, 1, 1], [], []>, transpose_lhs_hint = false} : vector<8192x32xbf16>, vector<32x64xbf16>, vector<8192x64xf32> -> vector<8192x64xf32>
    %add3A_62 = vector.broadcast %get3A_16 : vector<1x64xf32> to vector<8192x64xf32>
    %add3A_63 = arith.addf %dot_general3A_61, %add3A_62 : vector<8192x64xf32>
    %max3A_64 = arith.constant 0.000000e+00 : f32
    %max3A_65 = vector.broadcast %max3A_64 : f32 to vector<8192x64xf32>
    %max3A_66 = arith.maximumf %add3A_63, %max3A_65 : vector<8192x64xf32>
    %convert_element_type3A_67 = arith.truncf %max3A_66 : vector<8192x64xf32> to vector<8192x64xbf16>
    %convert_element_type3A_68 = arith.truncf %get3A_7 : vector<64x128xf32> to vector<64x128xbf16>
    %dot_general3A_69 = arith.constant dense<0.000000e+00> : vector<8192x128xf32>
    %dot_general3A_70 = tpu.matmul %convert_element_type3A_67, %convert_element_type3A_68, %dot_general3A_69 {dimension_numbers = #tpu.dot_dimension_numbers<[1], [0], [0], [1], [0, 0, 1, 1], [], []>, transpose_lhs_hint = false} : vector<8192x64xbf16>, vector<64x128xbf16>, vector<8192x128xf32> -> vector<8192x128xf32>
    %add3A_71 = vector.broadcast %get3A_19 : vector<1x128xf32> to vector<8192x128xf32>
    %add3A_72 = arith.addf %dot_general3A_70, %add3A_71 : vector<8192x128xf32>
    %max3A_73 = arith.constant 0.000000e+00 : f32
    %max3A_74 = vector.broadcast %max3A_73 : f32 to vector<8192x128xf32>
    %max3A_75 = arith.maximumf %add3A_72, %max3A_74 : vector<8192x128xf32>
    %convert_element_type3A_76 = arith.truncf %max3A_75 : vector<8192x128xf32> to vector<8192x128xbf16>
    %convert_element_type3A_77 = arith.truncf %get3A_10 : vector<128x128xf32> to vector<128x128xbf16>
    %dot_general3A_78 = arith.constant dense<0.000000e+00> : vector<8192x128xf32>
    %dot_general3A_79 = tpu.matmul %convert_element_type3A_76, %convert_element_type3A_77, %dot_general3A_78 {dimension_numbers = #tpu.dot_dimension_numbers<[1], [0], [0], [1], [0, 0, 1, 1], [], []>, transpose_lhs_hint = false} : vector<8192x128xbf16>, vector<128x128xbf16>, vector<8192x128xf32> -> vector<8192x128xf32>
    %add3A_80 = vector.broadcast %get3A_22 : vector<1x128xf32> to vector<8192x128xf32>
    %add3A_81 = arith.addf %dot_general3A_79, %add3A_80 : vector<8192x128xf32>
    %max3A_82 = arith.constant 0.000000e+00 : f32
    %max3A_83 = vector.broadcast %max3A_82 : f32 to vector<8192x128xf32>
    %max3A_84 = arith.maximumf %add3A_81, %max3A_83 : vector<8192x128xf32>
    %convert_element_type3A_85 = arith.truncf %max3A_84 : vector<8192x128xf32> to vector<8192x128xbf16>
    %convert_element_type3A_86 = arith.extf %convert_element_type3A_85 : vector<8192x128xbf16> to vector<8192x128xf32>
    %reshape3A_87 = vector.shape_cast %convert_element_type3A_86 : vector<8192x128xf32> to vector<256x32x128xf32>
    %reduce_sum3A = arith.constant dense<0.000000e+00> : vector<256x128xf32>
    %reduce_sum3A_88 = vector.multi_reduction <add>, %reshape3A_87, %reduce_sum3A [1] : vector<256x32x128xf32> to vector<256x128xf32>
    %mul3A = arith.constant 3.125000e-02 : f32
    %mul3A_89 = vector.broadcast %mul3A : f32 to vector<256x128xf32>
    %mul3A_90 = arith.mulf %reduce_sum3A_88, %mul3A_89 : vector<256x128xf32>
    %convert_element_type3A_91 = arith.truncf %mul3A_90 : vector<256x128xf32> to vector<256x128xbf16>
    %convert_element_type3A_92 = arith.truncf %get3A_25 : vector<128x64xf32> to vector<128x64xbf16>
    %dot_general3A_93 = arith.constant dense<0.000000e+00> : vector<256x64xf32>
    %dot_general3A_94 = tpu.matmul %convert_element_type3A_91, %convert_element_type3A_92, %dot_general3A_93 {dimension_numbers = #tpu.dot_dimension_numbers<[1], [0], [0], [1], [0, 0, 1, 1], [], []>, transpose_lhs_hint = false} : vector<256x128xbf16>, vector<128x64xbf16>, vector<256x64xf32> -> vector<256x64xf32>
    %add3A_95 = vector.broadcast %get3A_34 : vector<1x64xf32> to vector<256x64xf32>
    %add3A_96 = arith.addf %dot_general3A_94, %add3A_95 : vector<256x64xf32>
    %reduce_sum3A_97 = arith.constant dense<0.000000e+00> : vector<256xf32>
    %reduce_sum3A_98 = vector.multi_reduction <add>, %add3A_96, %reduce_sum3A_97 [1] : vector<256x64xf32> to vector<256xf32>
    %broadcast_in_dim3A_99 = vector.shape_cast %reduce_sum3A_98 : vector<256xf32> to vector<256x1xf32>
    %div3A = arith.constant 6.400000e+01 : f32
    %div3A_100 = vector.broadcast %div3A : f32 to vector<256x1xf32>
    %div3A_101 = arith.divf %broadcast_in_dim3A_99, %div3A_100 : vector<256x1xf32>
    %jit3A = arith.constant 0 : i32
    %reduce_sum3A_102 = arith.constant dense<0.000000e+00> : vector<256xf32>
    %reduce_sum3A_103 = vector.multi_reduction <add>, %add3A_96, %reduce_sum3A_102 [1] : vector<256x64xf32> to vector<256xf32>
    %broadcast_in_dim3A_104 = vector.shape_cast %reduce_sum3A_103 : vector<256xf32> to vector<256x1xf32>
    %div3A_105 = arith.constant 6.400000e+01 : f32
    %div3A_106 = vector.broadcast %div3A_105 : f32 to vector<256x1xf32>
    %div3A_107 = arith.divf %broadcast_in_dim3A_104, %div3A_106 : vector<256x1xf32>
    %sub3A_108 = vector.broadcast %div3A_107 : vector<256x1xf32> to vector<256x64xf32>
    %sub3A_109 = arith.subf %add3A_96, %sub3A_108 : vector<256x64xf32>
    %square3A = arith.mulf %sub3A_109, %sub3A_109 : vector<256x64xf32>
    %convert_element_type3A_110 = arith.sitofp %jit3A : i32 to f32
    %sub3A_111 = arith.constant 6.400000e+01 : f32
    %sub3A_112 = arith.subf %sub3A_111, %convert_element_type3A_110 : f32
    %reduce_sum3A_113 = arith.constant dense<0.000000e+00> : vector<256xf32>
    %reduce_sum3A_114 = vector.multi_reduction <add>, %square3A, %reduce_sum3A_113 [1] : vector<256x64xf32> to vector<256xf32>
    %broadcast_in_dim3A_115 = vector.shape_cast %reduce_sum3A_114 : vector<256xf32> to vector<256x1xf32>
    %div3A_116 = vector.broadcast %sub3A_112 : f32 to vector<256x1xf32>
    %div3A_117 = arith.divf %broadcast_in_dim3A_115, %div3A_116 : vector<256x1xf32>
    %gt3A = arith.constant 0.000000e+00 : f32
    %gt3A_118 = arith.cmpf ogt, %sub3A_112, %gt3A : f32
    %jit3A_119 = arith.constant 0x7FC00000 : f32
    %broadcast_in_dim3A_120 = vector.broadcast %jit3A_119 : f32 to vector<256x1xf32>
    %select_n3A = arith.select %gt3A_118, %div3A_117, %broadcast_in_dim3A_120 : vector<256x1xf32>
    %sub3A_121 = vector.broadcast %div3A_101 : vector<256x1xf32> to vector<256x64xf32>
    %sub3A_122 = arith.subf %add3A_96, %sub3A_121 : vector<256x64xf32>
    %add3A_123 = arith.constant 9.99999974E-6 : f32
    %add3A_124 = vector.broadcast %add3A_123 : f32 to vector<256x1xf32>
    %add3A_125 = arith.addf %select_n3A, %add3A_124 : vector<256x1xf32>
    %sqrt3A = math.sqrt %add3A_125 : vector<256x1xf32>
    %div3A_126 = vector.broadcast %sqrt3A : vector<256x1xf32> to vector<256x64xf32>
    %div3A_127 = arith.divf %sub3A_122, %div3A_126 : vector<256x64xf32>
    %max3A_128 = arith.constant 0.000000e+00 : f32
    %max3A_129 = vector.broadcast %max3A_128 : f32 to vector<256x64xf32>
    %max3A_130 = arith.maximumf %div3A_127, %max3A_129 : vector<256x64xf32>
    %convert_element_type3A_131 = arith.truncf %max3A_130 : vector<256x64xf32> to vector<256x64xbf16>
    %convert_element_type3A_132 = arith.truncf %get3A_28 : vector<64x32xf32> to vector<64x32xbf16>
    %dot_general3A_133 = arith.constant dense<0.000000e+00> : vector<256x32xf32>
    %dot_general3A_134 = tpu.matmul %convert_element_type3A_131, %convert_element_type3A_132, %dot_general3A_133 {dimension_numbers = #tpu.dot_dimension_numbers<[1], [0], [0], [1], [0, 0, 1, 1], [], []>, transpose_lhs_hint = false} : vector<256x64xbf16>, vector<64x32xbf16>, vector<256x32xf32> -> vector<256x32xf32>
    %add3A_135 = vector.broadcast %get3A_37 : vector<1x32xf32> to vector<256x32xf32>
    %add3A_136 = arith.addf %dot_general3A_134, %add3A_135 : vector<256x32xf32>
    %reduce_sum3A_137 = arith.constant dense<0.000000e+00> : vector<256xf32>
    %reduce_sum3A_138 = vector.multi_reduction <add>, %add3A_136, %reduce_sum3A_137 [1] : vector<256x32xf32> to vector<256xf32>
    %broadcast_in_dim3A_139 = vector.shape_cast %reduce_sum3A_138 : vector<256xf32> to vector<256x1xf32>
    %div3A_140 = arith.constant 3.200000e+01 : f32
    %div3A_141 = vector.broadcast %div3A_140 : f32 to vector<256x1xf32>
    %div3A_142 = arith.divf %broadcast_in_dim3A_139, %div3A_141 : vector<256x1xf32>
    %jit3A_143 = arith.constant 0 : i32
    %reduce_sum3A_144 = arith.constant dense<0.000000e+00> : vector<256xf32>
    %reduce_sum3A_145 = vector.multi_reduction <add>, %add3A_136, %reduce_sum3A_144 [1] : vector<256x32xf32> to vector<256xf32>
    %broadcast_in_dim3A_146 = vector.shape_cast %reduce_sum3A_145 : vector<256xf32> to vector<256x1xf32>
    %div3A_147 = arith.constant 3.200000e+01 : f32
    %div3A_148 = vector.broadcast %div3A_147 : f32 to vector<256x1xf32>
    %div3A_149 = arith.divf %broadcast_in_dim3A_146, %div3A_148 : vector<256x1xf32>
    %sub3A_150 = vector.broadcast %div3A_149 : vector<256x1xf32> to vector<256x32xf32>
    %sub3A_151 = arith.subf %add3A_136, %sub3A_150 : vector<256x32xf32>
    %square3A_152 = arith.mulf %sub3A_151, %sub3A_151 : vector<256x32xf32>
    %convert_element_type3A_153 = arith.sitofp %jit3A_143 : i32 to f32
    %sub3A_154 = arith.constant 3.200000e+01 : f32
    %sub3A_155 = arith.subf %sub3A_154, %convert_element_type3A_153 : f32
    %reduce_sum3A_156 = arith.constant dense<0.000000e+00> : vector<256xf32>
    %reduce_sum3A_157 = vector.multi_reduction <add>, %square3A_152, %reduce_sum3A_156 [1] : vector<256x32xf32> to vector<256xf32>
    %broadcast_in_dim3A_158 = vector.shape_cast %reduce_sum3A_157 : vector<256xf32> to vector<256x1xf32>
    %div3A_159 = vector.broadcast %sub3A_155 : f32 to vector<256x1xf32>
    %div3A_160 = arith.divf %broadcast_in_dim3A_158, %div3A_159 : vector<256x1xf32>
    %gt3A_161 = arith.constant 0.000000e+00 : f32
    %gt3A_162 = arith.cmpf ogt, %sub3A_155, %gt3A_161 : f32
    %jit3A_163 = arith.constant 0x7FC00000 : f32
    %broadcast_in_dim3A_164 = vector.broadcast %jit3A_163 : f32 to vector<256x1xf32>
    %select_n3A_165 = arith.select %gt3A_162, %div3A_160, %broadcast_in_dim3A_164 : vector<256x1xf32>
    %sub3A_166 = vector.broadcast %div3A_142 : vector<256x1xf32> to vector<256x32xf32>
    %sub3A_167 = arith.subf %add3A_136, %sub3A_166 : vector<256x32xf32>
    %add3A_168 = arith.constant 9.99999974E-6 : f32
    %add3A_169 = vector.broadcast %add3A_168 : f32 to vector<256x1xf32>
    %add3A_170 = arith.addf %select_n3A_165, %add3A_169 : vector<256x1xf32>
    %sqrt3A_171 = math.sqrt %add3A_170 : vector<256x1xf32>
    %div3A_172 = vector.broadcast %sqrt3A_171 : vector<256x1xf32> to vector<256x32xf32>
    %div3A_173 = arith.divf %sub3A_167, %div3A_172 : vector<256x32xf32>
    %max3A_174 = arith.constant 0.000000e+00 : f32
    %max3A_175 = vector.broadcast %max3A_174 : f32 to vector<256x32xf32>
    %max3A_176 = arith.maximumf %div3A_173, %max3A_175 : vector<256x32xf32>
    %convert_element_type3A_177 = arith.truncf %max3A_176 : vector<256x32xf32> to vector<256x32xbf16>
    %convert_element_type3A_178 = arith.truncf %get3A_31 : vector<32x8xf32> to vector<32x8xbf16>
    %dot_general3A_179 = arith.constant dense<0.000000e+00> : vector<256x8xf32>
    %dot_general3A_180 = tpu.matmul %convert_element_type3A_177, %convert_element_type3A_178, %dot_general3A_179 {dimension_numbers = #tpu.dot_dimension_numbers<[1], [0], [0], [1], [0, 0, 1, 1], [], []>, transpose_lhs_hint = false} : vector<256x32xbf16>, vector<32x8xbf16>, vector<256x8xf32> -> vector<256x8xf32>
    %add3A_181 = vector.broadcast %get3A_40 : vector<1x8xf32> to vector<256x8xf32>
    %add3A_182 = arith.addf %dot_general3A_180, %add3A_181 : vector<256x8xf32>
    %swap3A = arith.constant 0 : index
    %swap3A_183 = arith.constant 0 : index
    %swap3A_184 = arith.constant 0 : index
    %swap3A_185 = vector.load %arg18[%swap3A, %swap3A_183, %swap3A_184] : memref<1x256x8xf32, #tpu.memory_space<vmem>>, vector<1x256x8xf32>
    %swap3A_186 = vector.shape_cast %swap3A_185 : vector<1x256x8xf32> to vector<256x8xf32>
    %swap3A_187 = vector.shape_cast %add3A_182 : vector<256x8xf32> to vector<1x256x8xf32>
    tpu.vector_store %arg18[%swap3A, %swap3A_183, %swap3A_184], %swap3A_187 {strides = array<i32>} : memref<1x256x8xf32, #tpu.memory_space<vmem>>, vector<1x256x8xf32>,
    return
  }
  func.func @transform_0(%arg0: i32, %arg1: i32) -> (i32, i32, i32) {
    %c0_i32 = arith.constant 0 : i32
    %c0_i32_0 = arith.constant 0 : i32
    return %arg0, %arg1, %c0_i32 : i32, i32, i32
  }
  func.func @transform_1(%arg0: i32, %arg1: i32) -> (i32, i32, i32) {
    %c0_i32 = arith.constant 0 : i32
    %c0_i32_0 = arith.constant 0 : i32
    return %arg0, %arg1, %c0_i32 : i32, i32, i32
  }
  func.func @transform_2(%arg0: i32, %arg1: i32) -> (i32, i32) {
    %c0_i32 = arith.constant 0 : i32
    %c0_i32_0 = arith.constant 0 : i32
    %c0_i32_1 = arith.constant 0 : i32
    return %c0_i32, %c0_i32_0 : i32, i32
  }
  func.func @transform_3(%arg0: i32, %arg1: i32) -> (i32, i32) {
    %c0_i32 = arith.constant 0 : i32
    %c0_i32_0 = arith.constant 0 : i32
    %c0_i32_1 = arith.constant 0 : i32
    return %c0_i32, %c0_i32_0 : i32, i32
  }
  func.func @transform_4(%arg0: i32, %arg1: i32) -> (i32, i32) {
    %c0_i32 = arith.constant 0 : i32
    %c0_i32_0 = arith.constant 0 : i32
    %c0_i32_1 = arith.constant 0 : i32
    return %c0_i32, %c0_i32_0 : i32, i32
  }
  func.func @transform_5(%arg0: i32, %arg1: i32) -> (i32, i32) {
    %c0_i32 = arith.constant 0 : i32
    %c0_i32_0 = arith.constant 0 : i32
    %c0_i32_1 = arith.constant 0 : i32
    return %c0_i32, %c0_i32_0 : i32, i32
  }
  func.func @transform_6(%arg0: i32, %arg1: i32) -> (i32, i32) {
    %c0_i32 = arith.constant 0 : i32
    %c0_i32_0 = arith.constant 0 : i32
    %c0_i32_1 = arith.constant 0 : i32
    return %c0_i32, %c0_i32_0 : i32, i32
  }
  func.func @transform_7(%arg0: i32, %arg1: i32) -> (i32, i32) {
    %c0_i32 = arith.constant 0 : i32
    %c0_i32_0 = arith.constant 0 : i32
    %c0_i32_1 = arith.constant 0 : i32
    return %c0_i32, %c0_i32_0 : i32, i32
  }
  func.func @transform_8(%arg0: i32, %arg1: i32) -> (i32, i32) {
    %c0_i32 = arith.constant 0 : i32
    %c0_i32_0 = arith.constant 0 : i32
    %c0_i32_1 = arith.constant 0 : i32
    return %c0_i32, %c0_i32_0 : i32, i32
  }
  func.func @transform_9(%arg0: i32, %arg1: i32) -> (i32, i32) {
    %c0_i32 = arith.constant 0 : i32
    %c0_i32_0 = arith.constant 0 : i32
    %c0_i32_1 = arith.constant 0 : i32
    return %c0_i32, %c0_i32_0 : i32, i32
  }
  func.func @transform_10(%arg0: i32, %arg1: i32) -> (i32, i32) {
    %c0_i32 = arith.constant 0 : i32
    %c0_i32_0 = arith.constant 0 : i32
    %c0_i32_1 = arith.constant 0 : i32
    return %c0_i32, %c0_i32_0 : i32, i32
  }
  func.func @transform_11(%arg0: i32, %arg1: i32) -> (i32, i32) {
    %c0_i32 = arith.constant 0 : i32
    %c0_i32_0 = arith.constant 0 : i32
    %c0_i32_1 = arith.constant 0 : i32
    return %c0_i32, %c0_i32_0 : i32, i32
  }
  func.func @transform_12(%arg0: i32, %arg1: i32) -> (i32, i32) {
    %c0_i32 = arith.constant 0 : i32
    %c0_i32_0 = arith.constant 0 : i32
    %c0_i32_1 = arith.constant 0 : i32
    return %c0_i32, %c0_i32_0 : i32, i32
  }
  func.func @transform_13(%arg0: i32, %arg1: i32) -> (i32, i32) {
    %c0_i32 = arith.constant 0 : i32
    %c0_i32_0 = arith.constant 0 : i32
    %c0_i32_1 = arith.constant 0 : i32
    return %c0_i32, %c0_i32_0 : i32, i32
  }
  func.func @transform_14(%arg0: i32, %arg1: i32) -> (i32, i32) {
    %c0_i32 = arith.constant 0 : i32
    %c0_i32_0 = arith.constant 0 : i32
    %c0_i32_1 = arith.constant 0 : i32
    return %c0_i32, %c0_i32_0 : i32, i32
  }
  func.func @transform_15(%arg0: i32, %arg1: i32) -> (i32, i32) {
    %c0_i32 = arith.constant 0 : i32
    %c0_i32_0 = arith.constant 0 : i32
    %c0_i32_1 = arith.constant 0 : i32
    return %c0_i32, %c0_i32_0 : i32, i32
  }
  func.func @transform_16(%arg0: i32, %arg1: i32) -> (i32, i32, i32) {
    %c0_i32 = arith.constant 0 : i32
    %c0_i32_0 = arith.constant 0 : i32
    return %arg0, %arg1, %c0_i32 : i32, i32, i32
  }
}

module attributes {stable_mosaic.version = 14 : i64} {
  func.func @_pc1_body(%arg0: i32, %arg1: memref<1x8192x16xf32, #tpu.memory_space<vmem>>, %arg2: memref<1x256x8xf32, #tpu.memory_space<vmem>>, %arg3: memref<8x32xf32, #tpu.memory_space<vmem>>, %arg4: memref<1x32xf32, #tpu.memory_space<vmem>>, %arg5: memref<32x64xf32, #tpu.memory_space<vmem>>, %arg6: memref<1x64xf32, #tpu.memory_space<vmem>>, %arg7: memref<64x128xf32, #tpu.memory_space<vmem>>, %arg8: memref<1x128xf32, #tpu.memory_space<vmem>>, %arg9: memref<128x64xf32, #tpu.memory_space<vmem>>, %arg10: memref<1x64xf32, #tpu.memory_space<vmem>>, %arg11: memref<512x256xf32, #tpu.memory_space<vmem>>, %arg12: memref<1x256xf32, #tpu.memory_space<vmem>>, %arg13: memref<256x256xf32, #tpu.memory_space<vmem>>, %arg14: memref<1x256xf32, #tpu.memory_space<vmem>>, %arg15: memref<256x256xf32, #tpu.memory_space<vmem>>, %arg16: memref<1x256xf32, #tpu.memory_space<vmem>>, %arg17: memref<256x32xf32, #tpu.memory_space<vmem>>, %arg18: memref<1x32xf32, #tpu.memory_space<vmem>>, %arg19: memref<1x256x32xf32, #tpu.memory_space<vmem>>) attributes {dimension_semantics = [#tpu.dimension_semantics<arbitrary>], iteration_bounds = array<i64: 4>, scalar_prefetch = 0 : i64, scratch_operands = 0 : i64, tpu.core_type = #tpu.core_type<tc>, window_params = [{transform_indices = @transform_0, window_bounds = array<i64: 1, 8192, 16>}, {transform_indices = @transform_1, window_bounds = array<i64: 1, 256, 8>}, {pipeline_mode = #tpu.pipeline_mode<synchronous>, transform_indices = @transform_2, window_bounds = array<i64: 8, 32>}, {pipeline_mode = #tpu.pipeline_mode<synchronous>, transform_indices = @transform_3, window_bounds = array<i64: 1, 32>}, {pipeline_mode = #tpu.pipeline_mode<synchronous>, transform_indices = @transform_4, window_bounds = array<i64: 32, 64>}, {pipeline_mode = #tpu.pipeline_mode<synchronous>, transform_indices = @transform_5, window_bounds = array<i64: 1, 64>}, {pipeline_mode = #tpu.pipeline_mode<synchronous>, transform_indices = @transform_6, window_bounds = array<i64: 64, 128>}, {pipeline_mode = #tpu.pipeline_mode<synchronous>, transform_indices = @transform_7, window_bounds = array<i64: 1, 128>}, {pipeline_mode = #tpu.pipeline_mode<synchronous>, transform_indices = @transform_8, window_bounds = array<i64: 128, 64>}, {pipeline_mode = #tpu.pipeline_mode<synchronous>, transform_indices = @transform_9, window_bounds = array<i64: 1, 64>}, {pipeline_mode = #tpu.pipeline_mode<synchronous>, transform_indices = @transform_10, window_bounds = array<i64: 512, 256>}, {pipeline_mode = #tpu.pipeline_mode<synchronous>, transform_indices = @transform_11, window_bounds = array<i64: 1, 256>}, {pipeline_mode = #tpu.pipeline_mode<synchronous>, transform_indices = @transform_12, window_bounds = array<i64: 256, 256>}, {pipeline_mode = #tpu.pipeline_mode<synchronous>, transform_indices = @transform_13, window_bounds = array<i64: 1, 256>}, {pipeline_mode = #tpu.pipeline_mode<synchronous>, transform_indices = @transform_14, window_bounds = array<i64: 256, 256>}, {pipeline_mode = #tpu.pipeline_mode<synchronous>, transform_indices = @transform_15, window_bounds = array<i64: 1, 256>}, {pipeline_mode = #tpu.pipeline_mode<synchronous>, transform_indices = @transform_16, window_bounds = array<i64: 256, 32>}, {pipeline_mode = #tpu.pipeline_mode<synchronous>, transform_indices = @transform_17, window_bounds = array<i64: 1, 32>}, {transform_indices = @transform_18, window_bounds = array<i64: 1, 256, 32>}]} {
    %get3A = arith.constant 0 : index
    %get3A_0 = arith.constant 0 : index
    %get3A_1 = vector.load %arg3[%get3A, %get3A_0] : memref<8x32xf32, #tpu.memory_space<vmem>>, vector<8x32xf32>
    %get3A_2 = arith.constant 0 : index
    %get3A_3 = arith.constant 0 : index
    %get3A_4 = vector.load %arg5[%get3A_2, %get3A_3] : memref<32x64xf32, #tpu.memory_space<vmem>>, vector<32x64xf32>
    %get3A_5 = arith.constant 0 : index
    %get3A_6 = arith.constant 0 : index
    %get3A_7 = vector.load %arg7[%get3A_5, %get3A_6] : memref<64x128xf32, #tpu.memory_space<vmem>>, vector<64x128xf32>
    %get3A_8 = arith.constant 0 : index
    %get3A_9 = arith.constant 0 : index
    %get3A_10 = vector.load %arg9[%get3A_8, %get3A_9] : memref<128x64xf32, #tpu.memory_space<vmem>>, vector<128x64xf32>
    %get3A_11 = arith.constant 0 : index
    %get3A_12 = arith.constant 0 : index
    %get3A_13 = vector.load %arg4[%get3A_11, %get3A_12] : memref<1x32xf32, #tpu.memory_space<vmem>>, vector<1x32xf32>
    %get3A_14 = arith.constant 0 : index
    %get3A_15 = arith.constant 0 : index
    %get3A_16 = vector.load %arg6[%get3A_14, %get3A_15] : memref<1x64xf32, #tpu.memory_space<vmem>>, vector<1x64xf32>
    %get3A_17 = arith.constant 0 : index
    %get3A_18 = arith.constant 0 : index
    %get3A_19 = vector.load %arg8[%get3A_17, %get3A_18] : memref<1x128xf32, #tpu.memory_space<vmem>>, vector<1x128xf32>
    %get3A_20 = arith.constant 0 : index
    %get3A_21 = arith.constant 0 : index
    %get3A_22 = vector.load %arg10[%get3A_20, %get3A_21] : memref<1x64xf32, #tpu.memory_space<vmem>>, vector<1x64xf32>
    %get3A_23 = arith.constant 0 : index
    %get3A_24 = arith.constant 0 : index
    %get3A_25 = vector.load %arg11[%get3A_23, %get3A_24] : memref<512x256xf32, #tpu.memory_space<vmem>>, vector<512x256xf32>
    %get3A_26 = arith.constant 0 : index
    %get3A_27 = arith.constant 0 : index
    %get3A_28 = vector.load %arg13[%get3A_26, %get3A_27] : memref<256x256xf32, #tpu.memory_space<vmem>>, vector<256x256xf32>
    %get3A_29 = arith.constant 0 : index
    %get3A_30 = arith.constant 0 : index
    %get3A_31 = vector.load %arg15[%get3A_29, %get3A_30] : memref<256x256xf32, #tpu.memory_space<vmem>>, vector<256x256xf32>
    %get3A_32 = arith.constant 0 : index
    %get3A_33 = arith.constant 0 : index
    %get3A_34 = vector.load %arg17[%get3A_32, %get3A_33] : memref<256x32xf32, #tpu.memory_space<vmem>>, vector<256x32xf32>
    %get3A_35 = arith.constant 0 : index
    %get3A_36 = arith.constant 0 : index
    %get3A_37 = vector.load %arg12[%get3A_35, %get3A_36] : memref<1x256xf32, #tpu.memory_space<vmem>>, vector<1x256xf32>
    %get3A_38 = arith.constant 0 : index
    %get3A_39 = arith.constant 0 : index
    %get3A_40 = vector.load %arg14[%get3A_38, %get3A_39] : memref<1x256xf32, #tpu.memory_space<vmem>>, vector<1x256xf32>
    %get3A_41 = arith.constant 0 : index
    %get3A_42 = arith.constant 0 : index
    %get3A_43 = vector.load %arg16[%get3A_41, %get3A_42] : memref<1x256xf32, #tpu.memory_space<vmem>>, vector<1x256xf32>
    %get3A_44 = arith.constant 0 : index
    %get3A_45 = arith.constant 0 : index
    %get3A_46 = vector.load %arg18[%get3A_44, %get3A_45] : memref<1x32xf32, #tpu.memory_space<vmem>>, vector<1x32xf32>
    %get3A_47 = arith.constant 0 : index
    %get3A_48 = arith.constant 0 : index
    %get3A_49 = arith.constant 0 : index
    %get3A_50 = vector.load %arg1[%get3A_47, %get3A_48, %get3A_49] : memref<1x8192x16xf32, #tpu.memory_space<vmem>>, vector<1x8192x16xf32>
    %get3A_51 = vector.shape_cast %get3A_50 : vector<1x8192x16xf32> to vector<8192x16xf32>
    %get3A_52 = arith.constant 0 : index
    %get3A_53 = arith.constant 0 : index
    %get3A_54 = arith.constant 0 : index
    %get3A_55 = vector.load %arg2[%get3A_52, %get3A_53, %get3A_54] : memref<1x256x8xf32, #tpu.memory_space<vmem>>, vector<1x256x8xf32>
    %get3A_56 = vector.shape_cast %get3A_55 : vector<1x256x8xf32> to vector<256x8xf32>
    %broadcast_in_dim3A = vector.shape_cast %get3A_56 : vector<256x8xf32> to vector<256x1x8xf32>
    %broadcast_in_dim3A_57 = vector.shape_cast %broadcast_in_dim3A : vector<256x1x8xf32> to vector<256x1x8xf32>
    %broadcast_in_dim3A_58 = vector.broadcast %broadcast_in_dim3A_57 : vector<256x1x8xf32> to vector<256x32x8xf32>
    %reshape3A = vector.shape_cast %broadcast_in_dim3A_58 : vector<256x32x8xf32> to vector<8192x8xf32>
    %slice3A = vector.extract_strided_slice %get3A_51 {offsets = [0, 0], sizes = [8192, 8], strides = [1, 1]} : vector<8192x16xf32> to vector<8192x8xf32>
    %sub3A = arith.subf %slice3A, %reshape3A : vector<8192x8xf32>
    %convert_element_type3A = arith.truncf %sub3A : vector<8192x8xf32> to vector<8192x8xbf16>
    %convert_element_type3A_59 = arith.truncf %get3A_1 : vector<8x32xf32> to vector<8x32xbf16>
    %dot_general3A = arith.constant dense<0.000000e+00> : vector<8192x32xf32>
    %dot_general3A_60 = tpu.matmul %convert_element_type3A, %convert_element_type3A_59, %dot_general3A {dimension_numbers = #tpu.dot_dimension_numbers<[1], [0], [0], [1], [0, 0, 1, 1], [], []>, transpose_lhs_hint = false} : vector<8192x8xbf16>, vector<8x32xbf16>, vector<8192x32xf32> -> vector<8192x32xf32>
    %add3A = vector.broadcast %get3A_13 : vector<1x32xf32> to vector<8192x32xf32>
    %add3A_61 = arith.addf %dot_general3A_60, %add3A : vector<8192x32xf32>
    %max3A = arith.constant 0.000000e+00 : f32
    %max3A_62 = vector.broadcast %max3A : f32 to vector<8192x32xf32>
    %max3A_63 = arith.maximumf %add3A_61, %max3A_62 : vector<8192x32xf32>
    %convert_element_type3A_64 = arith.truncf %max3A_63 : vector<8192x32xf32> to vector<8192x32xbf16>
    %convert_element_type3A_65 = arith.truncf %get3A_4 : vector<32x64xf32> to vector<32x64xbf16>
    %dot_general3A_66 = arith.constant dense<0.000000e+00> : vector<8192x64xf32>
    %dot_general3A_67 = tpu.matmul %convert_element_type3A_64, %convert_element_type3A_65, %dot_general3A_66 {dimension_numbers = #tpu.dot_dimension_numbers<[1], [0], [0], [1], [0, 0, 1, 1], [], []>, transpose_lhs_hint = false} : vector<8192x32xbf16>, vector<32x64xbf16>, vector<8192x64xf32> -> vector<8192x64xf32>
    %add3A_68 = vector.broadcast %get3A_16 : vector<1x64xf32> to vector<8192x64xf32>
    %add3A_69 = arith.addf %dot_general3A_67, %add3A_68 : vector<8192x64xf32>
    %max3A_70 = arith.constant 0.000000e+00 : f32
    %max3A_71 = vector.broadcast %max3A_70 : f32 to vector<8192x64xf32>
    %max3A_72 = arith.maximumf %add3A_69, %max3A_71 : vector<8192x64xf32>
    %convert_element_type3A_73 = arith.truncf %max3A_72 : vector<8192x64xf32> to vector<8192x64xbf16>
    %convert_element_type3A_74 = arith.truncf %get3A_7 : vector<64x128xf32> to vector<64x128xbf16>
    %dot_general3A_75 = arith.constant dense<0.000000e+00> : vector<8192x128xf32>
    %dot_general3A_76 = tpu.matmul %convert_element_type3A_73, %convert_element_type3A_74, %dot_general3A_75 {dimension_numbers = #tpu.dot_dimension_numbers<[1], [0], [0], [1], [0, 0, 1, 1], [], []>, transpose_lhs_hint = false} : vector<8192x64xbf16>, vector<64x128xbf16>, vector<8192x128xf32> -> vector<8192x128xf32>
    %add3A_77 = vector.broadcast %get3A_19 : vector<1x128xf32> to vector<8192x128xf32>
    %add3A_78 = arith.addf %dot_general3A_76, %add3A_77 : vector<8192x128xf32>
    %max3A_79 = arith.constant 0.000000e+00 : f32
    %max3A_80 = vector.broadcast %max3A_79 : f32 to vector<8192x128xf32>
    %max3A_81 = arith.maximumf %add3A_78, %max3A_80 : vector<8192x128xf32>
    %convert_element_type3A_82 = arith.truncf %max3A_81 : vector<8192x128xf32> to vector<8192x128xbf16>
    %convert_element_type3A_83 = arith.truncf %get3A_10 : vector<128x64xf32> to vector<128x64xbf16>
    %dot_general3A_84 = arith.constant dense<0.000000e+00> : vector<8192x64xf32>
    %dot_general3A_85 = tpu.matmul %convert_element_type3A_82, %convert_element_type3A_83, %dot_general3A_84 {dimension_numbers = #tpu.dot_dimension_numbers<[1], [0], [0], [1], [0, 0, 1, 1], [], []>, transpose_lhs_hint = false} : vector<8192x128xbf16>, vector<128x64xbf16>, vector<8192x64xf32> -> vector<8192x64xf32>
    %add3A_86 = vector.broadcast %get3A_22 : vector<1x64xf32> to vector<8192x64xf32>
    %add3A_87 = arith.addf %dot_general3A_85, %add3A_86 : vector<8192x64xf32>
    %max3A_88 = arith.constant 0.000000e+00 : f32
    %max3A_89 = vector.broadcast %max3A_88 : f32 to vector<8192x64xf32>
    %max3A_90 = arith.maximumf %add3A_87, %max3A_89 : vector<8192x64xf32>
    %convert_element_type3A_91 = arith.truncf %max3A_90 : vector<8192x64xf32> to vector<8192x64xbf16>
    %convert_element_type3A_92 = arith.extf %convert_element_type3A_91 : vector<8192x64xbf16> to vector<8192x64xf32>
    %slice3A_93 = vector.extract_strided_slice %get3A_51 {offsets = [0, 3], sizes = [8192, 1], strides = [1, 1]} : vector<8192x16xf32> to vector<8192x1xf32>
    %convert_element_type3A_94 = arith.truncf %slice3A_93 : vector<8192x1xf32> to vector<8192x1xbf16>
    %convert_element_type3A_95 = arith.extf %convert_element_type3A_94 : vector<8192x1xbf16> to vector<8192x1xf32>
    %mul3A = vector.broadcast %convert_element_type3A_95 : vector<8192x1xf32> to vector<8192x64xf32>
    %mul3A_96 = arith.mulf %convert_element_type3A_92, %mul3A : vector<8192x64xf32>
    %reshape3A_97 = vector.shape_cast %mul3A_96 : vector<8192x64xf32> to vector<256x32x64xf32>
    %reduce_sum3A = arith.constant dense<0.000000e+00> : vector<256x64xf32>
    %reduce_sum3A_98 = vector.multi_reduction <add>, %reshape3A_97, %reduce_sum3A [1] : vector<256x32x64xf32> to vector<256x64xf32>
    %slice3A_99 = vector.extract_strided_slice %get3A_51 {offsets = [0, 4], sizes = [8192, 1], strides = [1, 1]} : vector<8192x16xf32> to vector<8192x1xf32>
    %convert_element_type3A_100 = arith.truncf %slice3A_99 : vector<8192x1xf32> to vector<8192x1xbf16>
    %convert_element_type3A_101 = arith.extf %convert_element_type3A_100 : vector<8192x1xbf16> to vector<8192x1xf32>
    %mul3A_102 = vector.broadcast %convert_element_type3A_101 : vector<8192x1xf32> to vector<8192x64xf32>
    %mul3A_103 = arith.mulf %convert_element_type3A_92, %mul3A_102 : vector<8192x64xf32>
    %reshape3A_104 = vector.shape_cast %mul3A_103 : vector<8192x64xf32> to vector<256x32x64xf32>
    %reduce_sum3A_105 = arith.constant dense<0.000000e+00> : vector<256x64xf32>
    %reduce_sum3A_106 = vector.multi_reduction <add>, %reshape3A_104, %reduce_sum3A_105 [1] : vector<256x32x64xf32> to vector<256x64xf32>
    %slice3A_107 = vector.extract_strided_slice %get3A_51 {offsets = [0, 5], sizes = [8192, 1], strides = [1, 1]} : vector<8192x16xf32> to vector<8192x1xf32>
    %convert_element_type3A_108 = arith.truncf %slice3A_107 : vector<8192x1xf32> to vector<8192x1xbf16>
    %convert_element_type3A_109 = arith.extf %convert_element_type3A_108 : vector<8192x1xbf16> to vector<8192x1xf32>
    %mul3A_110 = vector.broadcast %convert_element_type3A_109 : vector<8192x1xf32> to vector<8192x64xf32>
    %mul3A_111 = arith.mulf %convert_element_type3A_92, %mul3A_110 : vector<8192x64xf32>
    %reshape3A_112 = vector.shape_cast %mul3A_111 : vector<8192x64xf32> to vector<256x32x64xf32>
    %reduce_sum3A_113 = arith.constant dense<0.000000e+00> : vector<256x64xf32>
    %reduce_sum3A_114 = vector.multi_reduction <add>, %reshape3A_112, %reduce_sum3A_113 [1] : vector<256x32x64xf32> to vector<256x64xf32>
    %slice3A_115 = vector.extract_strided_slice %get3A_51 {offsets = [0, 6], sizes = [8192, 1], strides = [1, 1]} : vector<8192x16xf32> to vector<8192x1xf32>
    %convert_element_type3A_116 = arith.truncf %slice3A_115 : vector<8192x1xf32> to vector<8192x1xbf16>
    %convert_element_type3A_117 = arith.extf %convert_element_type3A_116 : vector<8192x1xbf16> to vector<8192x1xf32>
    %mul3A_118 = vector.broadcast %convert_element_type3A_117 : vector<8192x1xf32> to vector<8192x64xf32>
    %mul3A_119 = arith.mulf %convert_element_type3A_92, %mul3A_118 : vector<8192x64xf32>
    %reshape3A_120 = vector.shape_cast %mul3A_119 : vector<8192x64xf32> to vector<256x32x64xf32>
    %reduce_sum3A_121 = arith.constant dense<0.000000e+00> : vector<256x64xf32>
    %reduce_sum3A_122 = vector.multi_reduction <add>, %reshape3A_120, %reduce_sum3A_121 [1] : vector<256x32x64xf32> to vector<256x64xf32>
    %slice3A_123 = vector.extract_strided_slice %get3A_51 {offsets = [0, 7], sizes = [8192, 1], strides = [1, 1]} : vector<8192x16xf32> to vector<8192x1xf32>
    %convert_element_type3A_124 = arith.truncf %slice3A_123 : vector<8192x1xf32> to vector<8192x1xbf16>
    %convert_element_type3A_125 = arith.extf %convert_element_type3A_124 : vector<8192x1xbf16> to vector<8192x1xf32>
    %mul3A_126 = vector.broadcast %convert_element_type3A_125 : vector<8192x1xf32> to vector<8192x64xf32>
    %mul3A_127 = arith.mulf %convert_element_type3A_92, %mul3A_126 : vector<8192x64xf32>
    %reshape3A_128 = vector.shape_cast %mul3A_127 : vector<8192x64xf32> to vector<256x32x64xf32>
    %reduce_sum3A_129 = arith.constant dense<0.000000e+00> : vector<256x64xf32>
    %reduce_sum3A_130 = vector.multi_reduction <add>, %reshape3A_128, %reduce_sum3A_129 [1] : vector<256x32x64xf32> to vector<256x64xf32>
    %slice3A_131 = vector.extract_strided_slice %get3A_51 {offsets = [0, 8], sizes = [8192, 1], strides = [1, 1]} : vector<8192x16xf32> to vector<8192x1xf32>
    %convert_element_type3A_132 = arith.truncf %slice3A_131 : vector<8192x1xf32> to vector<8192x1xbf16>
    %convert_element_type3A_133 = arith.extf %convert_element_type3A_132 : vector<8192x1xbf16> to vector<8192x1xf32>
    %mul3A_134 = vector.broadcast %convert_element_type3A_133 : vector<8192x1xf32> to vector<8192x64xf32>
    %mul3A_135 = arith.mulf %convert_element_type3A_92, %mul3A_134 : vector<8192x64xf32>
    %reshape3A_136 = vector.shape_cast %mul3A_135 : vector<8192x64xf32> to vector<256x32x64xf32>
    %reduce_sum3A_137 = arith.constant dense<0.000000e+00> : vector<256x64xf32>
    %reduce_sum3A_138 = vector.multi_reduction <add>, %reshape3A_136, %reduce_sum3A_137 [1] : vector<256x32x64xf32> to vector<256x64xf32>
    %slice3A_139 = vector.extract_strided_slice %get3A_51 {offsets = [0, 9], sizes = [8192, 1], strides = [1, 1]} : vector<8192x16xf32> to vector<8192x1xf32>
    %convert_element_type3A_140 = arith.truncf %slice3A_139 : vector<8192x1xf32> to vector<8192x1xbf16>
    %convert_element_type3A_141 = arith.extf %convert_element_type3A_140 : vector<8192x1xbf16> to vector<8192x1xf32>
    %mul3A_142 = vector.broadcast %convert_element_type3A_141 : vector<8192x1xf32> to vector<8192x64xf32>
    %mul3A_143 = arith.mulf %convert_element_type3A_92, %mul3A_142 : vector<8192x64xf32>
    %reshape3A_144 = vector.shape_cast %mul3A_143 : vector<8192x64xf32> to vector<256x32x64xf32>
    %reduce_sum3A_145 = arith.constant dense<0.000000e+00> : vector<256x64xf32>
    %reduce_sum3A_146 = vector.multi_reduction <add>, %reshape3A_144, %reduce_sum3A_145 [1] : vector<256x32x64xf32> to vector<256x64xf32>
    %slice3A_147 = vector.extract_strided_slice %get3A_51 {offsets = [0, 10], sizes = [8192, 1], strides = [1, 1]} : vector<8192x16xf32> to vector<8192x1xf32>
    %convert_element_type3A_148 = arith.truncf %slice3A_147 : vector<8192x1xf32> to vector<8192x1xbf16>
    %convert_element_type3A_149 = arith.extf %convert_element_type3A_148 : vector<8192x1xbf16> to vector<8192x1xf32>
    %mul3A_150 = vector.broadcast %convert_element_type3A_149 : vector<8192x1xf32> to vector<8192x64xf32>
    %mul3A_151 = arith.mulf %convert_element_type3A_92, %mul3A_150 : vector<8192x64xf32>
    %reshape3A_152 = vector.shape_cast %mul3A_151 : vector<8192x64xf32> to vector<256x32x64xf32>
    %reduce_sum3A_153 = arith.constant dense<0.000000e+00> : vector<256x64xf32>
    %reduce_sum3A_154 = vector.multi_reduction <add>, %reshape3A_152, %reduce_sum3A_153 [1] : vector<256x32x64xf32> to vector<256x64xf32>
    %concatenate3A = tpu.concatenate %reduce_sum3A_98, %reduce_sum3A_106, %reduce_sum3A_114, %reduce_sum3A_122, %reduce_sum3A_130, %reduce_sum3A_138, %reduce_sum3A_146, %reduce_sum3A_154 in 1 : vector<256x64xf32>, vector<256x64xf32>, vector<256x64xf32>, vector<256x64xf32>, vector<256x64xf32>, vector<256x64xf32>, vector<256x64xf32>, vector<256x64xf32> -> vector<256x512xf32>
    %mul3A_155 = arith.constant 3.125000e-02 : f32
    %mul3A_156 = vector.broadcast %mul3A_155 : f32 to vector<256x512xf32>
    %mul3A_157 = arith.mulf %concatenate3A, %mul3A_156 : vector<256x512xf32>
    %convert_element_type3A_158 = arith.truncf %mul3A_157 : vector<256x512xf32> to vector<256x512xbf16>
    %convert_element_type3A_159 = arith.truncf %get3A_25 : vector<512x256xf32> to vector<512x256xbf16>
    %dot_general3A_160 = arith.constant dense<0.000000e+00> : vector<256x256xf32>
    %dot_general3A_161 = tpu.matmul %convert_element_type3A_158, %convert_element_type3A_159, %dot_general3A_160 {dimension_numbers = #tpu.dot_dimension_numbers<[1], [0], [0], [1], [0, 0, 1, 1], [], []>, transpose_lhs_hint = false} : vector<256x512xbf16>, vector<512x256xbf16>, vector<256x256xf32> -> vector<256x256xf32>
    %add3A_162 = vector.broadcast %get3A_37 : vector<1x256xf32> to vector<256x256xf32>
    %add3A_163 = arith.addf %dot_general3A_161, %add3A_162 : vector<256x256xf32>
    %reduce_sum3A_164 = arith.constant dense<0.000000e+00> : vector<256xf32>
    %reduce_sum3A_165 = vector.multi_reduction <add>, %add3A_163, %reduce_sum3A_164 [1] : vector<256x256xf32> to vector<256xf32>
    %broadcast_in_dim3A_166 = vector.shape_cast %reduce_sum3A_165 : vector<256xf32> to vector<256x1xf32>
    %div3A = arith.constant 2.560000e+02 : f32
    %div3A_167 = vector.broadcast %div3A : f32 to vector<256x1xf32>
    %div3A_168 = arith.divf %broadcast_in_dim3A_166, %div3A_167 : vector<256x1xf32>
    %jit3A = arith.constant 0 : i32
    %reduce_sum3A_169 = arith.constant dense<0.000000e+00> : vector<256xf32>
    %reduce_sum3A_170 = vector.multi_reduction <add>, %add3A_163, %reduce_sum3A_169 [1] : vector<256x256xf32> to vector<256xf32>
    %broadcast_in_dim3A_171 = vector.shape_cast %reduce_sum3A_170 : vector<256xf32> to vector<256x1xf32>
    %div3A_172 = arith.constant 2.560000e+02 : f32
    %div3A_173 = vector.broadcast %div3A_172 : f32 to vector<256x1xf32>
    %div3A_174 = arith.divf %broadcast_in_dim3A_171, %div3A_173 : vector<256x1xf32>
    %sub3A_175 = vector.broadcast %div3A_174 : vector<256x1xf32> to vector<256x256xf32>
    %sub3A_176 = arith.subf %add3A_163, %sub3A_175 : vector<256x256xf32>
    %square3A = arith.mulf %sub3A_176, %sub3A_176 : vector<256x256xf32>
    %convert_element_type3A_177 = arith.sitofp %jit3A : i32 to f32
    %sub3A_178 = arith.constant 2.560000e+02 : f32
    %sub3A_179 = arith.subf %sub3A_178, %convert_element_type3A_177 : f32
    %reduce_sum3A_180 = arith.constant dense<0.000000e+00> : vector<256xf32>
    %reduce_sum3A_181 = vector.multi_reduction <add>, %square3A, %reduce_sum3A_180 [1] : vector<256x256xf32> to vector<256xf32>
    %broadcast_in_dim3A_182 = vector.shape_cast %reduce_sum3A_181 : vector<256xf32> to vector<256x1xf32>
    %div3A_183 = vector.broadcast %sub3A_179 : f32 to vector<256x1xf32>
    %div3A_184 = arith.divf %broadcast_in_dim3A_182, %div3A_183 : vector<256x1xf32>
    %gt3A = arith.constant 0.000000e+00 : f32
    %gt3A_185 = arith.cmpf ogt, %sub3A_179, %gt3A : f32
    %jit3A_186 = arith.constant 0x7FC00000 : f32
    %broadcast_in_dim3A_187 = vector.broadcast %jit3A_186 : f32 to vector<256x1xf32>
    %select_n3A = arith.select %gt3A_185, %div3A_184, %broadcast_in_dim3A_187 : vector<256x1xf32>
    %sub3A_188 = vector.broadcast %div3A_168 : vector<256x1xf32> to vector<256x256xf32>
    %sub3A_189 = arith.subf %add3A_163, %sub3A_188 : vector<256x256xf32>
    %add3A_190 = arith.constant 9.99999974E-6 : f32
    %add3A_191 = vector.broadcast %add3A_190 : f32 to vector<256x1xf32>
    %add3A_192 = arith.addf %select_n3A, %add3A_191 : vector<256x1xf32>
    %sqrt3A = math.sqrt %add3A_192 : vector<256x1xf32>
    %div3A_193 = vector.broadcast %sqrt3A : vector<256x1xf32> to vector<256x256xf32>
    %div3A_194 = arith.divf %sub3A_189, %div3A_193 : vector<256x256xf32>
    %max3A_195 = arith.constant 0.000000e+00 : f32
    %max3A_196 = vector.broadcast %max3A_195 : f32 to vector<256x256xf32>
    %max3A_197 = arith.maximumf %div3A_194, %max3A_196 : vector<256x256xf32>
    %convert_element_type3A_198 = arith.truncf %max3A_197 : vector<256x256xf32> to vector<256x256xbf16>
    %convert_element_type3A_199 = arith.truncf %get3A_28 : vector<256x256xf32> to vector<256x256xbf16>
    %dot_general3A_200 = arith.constant dense<0.000000e+00> : vector<256x256xf32>
    %dot_general3A_201 = tpu.matmul %convert_element_type3A_198, %convert_element_type3A_199, %dot_general3A_200 {dimension_numbers = #tpu.dot_dimension_numbers<[1], [0], [0], [1], [0, 0, 1, 1], [], []>, transpose_lhs_hint = false} : vector<256x256xbf16>, vector<256x256xbf16>, vector<256x256xf32> -> vector<256x256xf32>
    %add3A_202 = vector.broadcast %get3A_40 : vector<1x256xf32> to vector<256x256xf32>
    %add3A_203 = arith.addf %dot_general3A_201, %add3A_202 : vector<256x256xf32>
    %reduce_sum3A_204 = arith.constant dense<0.000000e+00> : vector<256xf32>
    %reduce_sum3A_205 = vector.multi_reduction <add>, %add3A_203, %reduce_sum3A_204 [1] : vector<256x256xf32> to vector<256xf32>
    %broadcast_in_dim3A_206 = vector.shape_cast %reduce_sum3A_205 : vector<256xf32> to vector<256x1xf32>
    %div3A_207 = arith.constant 2.560000e+02 : f32
    %div3A_208 = vector.broadcast %div3A_207 : f32 to vector<256x1xf32>
    %div3A_209 = arith.divf %broadcast_in_dim3A_206, %div3A_208 : vector<256x1xf32>
    %jit3A_210 = arith.constant 0 : i32
    %reduce_sum3A_211 = arith.constant dense<0.000000e+00> : vector<256xf32>
    %reduce_sum3A_212 = vector.multi_reduction <add>, %add3A_203, %reduce_sum3A_211 [1] : vector<256x256xf32> to vector<256xf32>
    %broadcast_in_dim3A_213 = vector.shape_cast %reduce_sum3A_212 : vector<256xf32> to vector<256x1xf32>
    %div3A_214 = arith.constant 2.560000e+02 : f32
    %div3A_215 = vector.broadcast %div3A_214 : f32 to vector<256x1xf32>
    %div3A_216 = arith.divf %broadcast_in_dim3A_213, %div3A_215 : vector<256x1xf32>
    %sub3A_217 = vector.broadcast %div3A_216 : vector<256x1xf32> to vector<256x256xf32>
    %sub3A_218 = arith.subf %add3A_203, %sub3A_217 : vector<256x256xf32>
    %square3A_219 = arith.mulf %sub3A_218, %sub3A_218 : vector<256x256xf32>
    %convert_element_type3A_220 = arith.sitofp %jit3A_210 : i32 to f32
    %sub3A_221 = arith.constant 2.560000e+02 : f32
    %sub3A_222 = arith.subf %sub3A_221, %convert_element_type3A_220 : f32
    %reduce_sum3A_223 = arith.constant dense<0.000000e+00> : vector<256xf32>
    %reduce_sum3A_224 = vector.multi_reduction <add>, %square3A_219, %reduce_sum3A_223 [1] : vector<256x256xf32> to vector<256xf32>
    %broadcast_in_dim3A_225 = vector.shape_cast %reduce_sum3A_224 : vector<256xf32> to vector<256x1xf32>
    %div3A_226 = vector.broadcast %sub3A_222 : f32 to vector<256x1xf32>
    %div3A_227 = arith.divf %broadcast_in_dim3A_225, %div3A_226 : vector<256x1xf32>
    %gt3A_228 = arith.constant 0.000000e+00 : f32
    %gt3A_229 = arith.cmpf ogt, %sub3A_222, %gt3A_228 : f32
    %jit3A_230 = arith.constant 0x7FC00000 : f32
    %broadcast_in_dim3A_231 = vector.broadcast %jit3A_230 : f32 to vector<256x1xf32>
    %select_n3A_232 = arith.select %gt3A_229, %div3A_227, %broadcast_in_dim3A_231 : vector<256x1xf32>
    %sub3A_233 = vector.broadcast %div3A_209 : vector<256x1xf32> to vector<256x256xf32>
    %sub3A_234 = arith.subf %add3A_203, %sub3A_233 : vector<256x256xf32>
    %add3A_235 = arith.constant 9.99999974E-6 : f32
    %add3A_236 = vector.broadcast %add3A_235 : f32 to vector<256x1xf32>
    %add3A_237 = arith.addf %select_n3A_232, %add3A_236 : vector<256x1xf32>
    %sqrt3A_238 = math.sqrt %add3A_237 : vector<256x1xf32>
    %div3A_239 = vector.broadcast %sqrt3A_238 : vector<256x1xf32> to vector<256x256xf32>
    %div3A_240 = arith.divf %sub3A_234, %div3A_239 : vector<256x256xf32>
    %max3A_241 = arith.constant 0.000000e+00 : f32
    %max3A_242 = vector.broadcast %max3A_241 : f32 to vector<256x256xf32>
    %max3A_243 = arith.maximumf %div3A_240, %max3A_242 : vector<256x256xf32>
    %convert_element_type3A_244 = arith.truncf %max3A_243 : vector<256x256xf32> to vector<256x256xbf16>
    %convert_element_type3A_245 = arith.truncf %get3A_31 : vector<256x256xf32> to vector<256x256xbf16>
    %dot_general3A_246 = arith.constant dense<0.000000e+00> : vector<256x256xf32>
    %dot_general3A_247 = tpu.matmul %convert_element_type3A_244, %convert_element_type3A_245, %dot_general3A_246 {dimension_numbers = #tpu.dot_dimension_numbers<[1], [0], [0], [1], [0, 0, 1, 1], [], []>, transpose_lhs_hint = false} : vector<256x256xbf16>, vector<256x256xbf16>, vector<256x256xf32> -> vector<256x256xf32>
    %add3A_248 = vector.broadcast %get3A_43 : vector<1x256xf32> to vector<256x256xf32>
    %add3A_249 = arith.addf %dot_general3A_247, %add3A_248 : vector<256x256xf32>
    %reduce_sum3A_250 = arith.constant dense<0.000000e+00> : vector<256xf32>
    %reduce_sum3A_251 = vector.multi_reduction <add>, %add3A_249, %reduce_sum3A_250 [1] : vector<256x256xf32> to vector<256xf32>
    %broadcast_in_dim3A_252 = vector.shape_cast %reduce_sum3A_251 : vector<256xf32> to vector<256x1xf32>
    %div3A_253 = arith.constant 2.560000e+02 : f32
    %div3A_254 = vector.broadcast %div3A_253 : f32 to vector<256x1xf32>
    %div3A_255 = arith.divf %broadcast_in_dim3A_252, %div3A_254 : vector<256x1xf32>
    %jit3A_256 = arith.constant 0 : i32
    %reduce_sum3A_257 = arith.constant dense<0.000000e+00> : vector<256xf32>
    %reduce_sum3A_258 = vector.multi_reduction <add>, %add3A_249, %reduce_sum3A_257 [1] : vector<256x256xf32> to vector<256xf32>
    %broadcast_in_dim3A_259 = vector.shape_cast %reduce_sum3A_258 : vector<256xf32> to vector<256x1xf32>
    %div3A_260 = arith.constant 2.560000e+02 : f32
    %div3A_261 = vector.broadcast %div3A_260 : f32 to vector<256x1xf32>
    %div3A_262 = arith.divf %broadcast_in_dim3A_259, %div3A_261 : vector<256x1xf32>
    %sub3A_263 = vector.broadcast %div3A_262 : vector<256x1xf32> to vector<256x256xf32>
    %sub3A_264 = arith.subf %add3A_249, %sub3A_263 : vector<256x256xf32>
    %square3A_265 = arith.mulf %sub3A_264, %sub3A_264 : vector<256x256xf32>
    %convert_element_type3A_266 = arith.sitofp %jit3A_256 : i32 to f32
    %sub3A_267 = arith.constant 2.560000e+02 : f32
    %sub3A_268 = arith.subf %sub3A_267, %convert_element_type3A_266 : f32
    %reduce_sum3A_269 = arith.constant dense<0.000000e+00> : vector<256xf32>
    %reduce_sum3A_270 = vector.multi_reduction <add>, %square3A_265, %reduce_sum3A_269 [1] : vector<256x256xf32> to vector<256xf32>
    %broadcast_in_dim3A_271 = vector.shape_cast %reduce_sum3A_270 : vector<256xf32> to vector<256x1xf32>
    %div3A_272 = vector.broadcast %sub3A_268 : f32 to vector<256x1xf32>
    %div3A_273 = arith.divf %broadcast_in_dim3A_271, %div3A_272 : vector<256x1xf32>
    %gt3A_274 = arith.constant 0.000000e+00 : f32
    %gt3A_275 = arith.cmpf ogt, %sub3A_268, %gt3A_274 : f32
    %jit3A_276 = arith.constant 0x7FC00000 : f32
    %broadcast_in_dim3A_277 = vector.broadcast %jit3A_276 : f32 to vector<256x1xf32>
    %select_n3A_278 = arith.select %gt3A_275, %div3A_273, %broadcast_in_dim3A_277 : vector<256x1xf32>
    %sub3A_279 = vector.broadcast %div3A_255 : vector<256x1xf32> to vector<256x256xf32>
    %sub3A_280 = arith.subf %add3A_249, %sub3A_279 : vector<256x256xf32>
    %add3A_281 = arith.constant 9.99999974E-6 : f32
    %add3A_282 = vector.broadcast %add3A_281 : f32 to vector<256x1xf32>
    %add3A_283 = arith.addf %select_n3A_278, %add3A_282 : vector<256x1xf32>
    %sqrt3A_284 = math.sqrt %add3A_283 : vector<256x1xf32>
    %div3A_285 = vector.broadcast %sqrt3A_284 : vector<256x1xf32> to vector<256x256xf32>
    %div3A_286 = arith.divf %sub3A_280, %div3A_285 : vector<256x256xf32>
    %max3A_287 = arith.constant 0.000000e+00 : f32
    %max3A_288 = vector.broadcast %max3A_287 : f32 to vector<256x256xf32>
    %max3A_289 = arith.maximumf %div3A_286, %max3A_288 : vector<256x256xf32>
    %convert_element_type3A_290 = arith.truncf %max3A_289 : vector<256x256xf32> to vector<256x256xbf16>
    %convert_element_type3A_291 = arith.truncf %get3A_34 : vector<256x32xf32> to vector<256x32xbf16>
    %dot_general3A_292 = arith.constant dense<0.000000e+00> : vector<256x32xf32>
    %dot_general3A_293 = tpu.matmul %convert_element_type3A_290, %convert_element_type3A_291, %dot_general3A_292 {dimension_numbers = #tpu.dot_dimension_numbers<[1], [0], [0], [1], [0, 0, 1, 1], [], []>, transpose_lhs_hint = false} : vector<256x256xbf16>, vector<256x32xbf16>, vector<256x32xf32> -> vector<256x32xf32>
    %add3A_294 = vector.broadcast %get3A_46 : vector<1x32xf32> to vector<256x32xf32>
    %add3A_295 = arith.addf %dot_general3A_293, %add3A_294 : vector<256x32xf32>
    %swap3A = arith.constant 0 : index
    %swap3A_296 = arith.constant 0 : index
    %swap3A_297 = arith.constant 0 : index
    %swap3A_298 = vector.load %arg19[%swap3A, %swap3A_296, %swap3A_297] : memref<1x256x32xf32, #tpu.memory_space<vmem>>, vector<1x256x32xf32>
    %swap3A_299 = vector.shape_cast %swap3A_298 : vector<1x256x32xf32> to vector<256x32xf32>
    %swap3A_300 = vector.shape_cast %add3A_295 : vector<256x32xf32> to vector<1x256x32xf32>
    tpu.vector_store %arg19[%swap3A, %swap3A_296, %swap3A_297], %swap3A_300 {strides = array<i32>} : memref<1x256x32xf32, #tpu.memory_space<vmem>>, vector<1x256x32xf32>,
    return
  }
  func.func @transform_0(%arg0: i32) -> (i32, i32, i32) {
    %c0_i32 = arith.constant 0 : i32
    %c0_i32_0 = arith.constant 0 : i32
    %c0_i32_1 = arith.constant 0 : i32
    return %arg0, %c0_i32, %c0_i32_0 : i32, i32, i32
  }
  func.func @transform_1(%arg0: i32) -> (i32, i32, i32) {
    %c0_i32 = arith.constant 0 : i32
    %c0_i32_0 = arith.constant 0 : i32
    %c0_i32_1 = arith.constant 0 : i32
    return %arg0, %c0_i32, %c0_i32_0 : i32, i32, i32
  }
  func.func @transform_2(%arg0: i32) -> (i32, i32) {
    %c0_i32 = arith.constant 0 : i32
    %c0_i32_0 = arith.constant 0 : i32
    %c0_i32_1 = arith.constant 0 : i32
    return %c0_i32, %c0_i32_0 : i32, i32
  }
  func.func @transform_3(%arg0: i32) -> (i32, i32) {
    %c0_i32 = arith.constant 0 : i32
    %c0_i32_0 = arith.constant 0 : i32
    %c0_i32_1 = arith.constant 0 : i32
    return %c0_i32, %c0_i32_0 : i32, i32
  }
  func.func @transform_4(%arg0: i32) -> (i32, i32) {
    %c0_i32 = arith.constant 0 : i32
    %c0_i32_0 = arith.constant 0 : i32
    %c0_i32_1 = arith.constant 0 : i32
    return %c0_i32, %c0_i32_0 : i32, i32
  }
  func.func @transform_5(%arg0: i32) -> (i32, i32) {
    %c0_i32 = arith.constant 0 : i32
    %c0_i32_0 = arith.constant 0 : i32
    %c0_i32_1 = arith.constant 0 : i32
    return %c0_i32, %c0_i32_0 : i32, i32
  }
  func.func @transform_6(%arg0: i32) -> (i32, i32) {
    %c0_i32 = arith.constant 0 : i32
    %c0_i32_0 = arith.constant 0 : i32
    %c0_i32_1 = arith.constant 0 : i32
    return %c0_i32, %c0_i32_0 : i32, i32
  }
  func.func @transform_7(%arg0: i32) -> (i32, i32) {
    %c0_i32 = arith.constant 0 : i32
    %c0_i32_0 = arith.constant 0 : i32
    %c0_i32_1 = arith.constant 0 : i32
    return %c0_i32, %c0_i32_0 : i32, i32
  }
  func.func @transform_8(%arg0: i32) -> (i32, i32) {
    %c0_i32 = arith.constant 0 : i32
    %c0_i32_0 = arith.constant 0 : i32
    %c0_i32_1 = arith.constant 0 : i32
    return %c0_i32, %c0_i32_0 : i32, i32
  }
  func.func @transform_9(%arg0: i32) -> (i32, i32) {
    %c0_i32 = arith.constant 0 : i32
    %c0_i32_0 = arith.constant 0 : i32
    %c0_i32_1 = arith.constant 0 : i32
    return %c0_i32, %c0_i32_0 : i32, i32
  }
  func.func @transform_10(%arg0: i32) -> (i32, i32) {
    %c0_i32 = arith.constant 0 : i32
    %c0_i32_0 = arith.constant 0 : i32
    %c0_i32_1 = arith.constant 0 : i32
    return %c0_i32, %c0_i32_0 : i32, i32
  }
  func.func @transform_11(%arg0: i32) -> (i32, i32) {
    %c0_i32 = arith.constant 0 : i32
    %c0_i32_0 = arith.constant 0 : i32
    %c0_i32_1 = arith.constant 0 : i32
    return %c0_i32, %c0_i32_0 : i32, i32
  }
  func.func @transform_12(%arg0: i32) -> (i32, i32) {
    %c0_i32 = arith.constant 0 : i32
    %c0_i32_0 = arith.constant 0 : i32
    %c0_i32_1 = arith.constant 0 : i32
    return %c0_i32, %c0_i32_0 : i32, i32
  }
  func.func @transform_13(%arg0: i32) -> (i32, i32) {
    %c0_i32 = arith.constant 0 : i32
    %c0_i32_0 = arith.constant 0 : i32
    %c0_i32_1 = arith.constant 0 : i32
    return %c0_i32, %c0_i32_0 : i32, i32
  }
  func.func @transform_14(%arg0: i32) -> (i32, i32) {
    %c0_i32 = arith.constant 0 : i32
    %c0_i32_0 = arith.constant 0 : i32
    %c0_i32_1 = arith.constant 0 : i32
    return %c0_i32, %c0_i32_0 : i32, i32
  }
  func.func @transform_15(%arg0: i32) -> (i32, i32) {
    %c0_i32 = arith.constant 0 : i32
    %c0_i32_0 = arith.constant 0 : i32
    %c0_i32_1 = arith.constant 0 : i32
    return %c0_i32, %c0_i32_0 : i32, i32
  }
  func.func @transform_16(%arg0: i32) -> (i32, i32) {
    %c0_i32 = arith.constant 0 : i32
    %c0_i32_0 = arith.constant 0 : i32
    %c0_i32_1 = arith.constant 0 : i32
    return %c0_i32, %c0_i32_0 : i32, i32
  }
  func.func @transform_17(%arg0: i32) -> (i32, i32) {
    %c0_i32 = arith.constant 0 : i32
    %c0_i32_0 = arith.constant 0 : i32
    %c0_i32_1 = arith.constant 0 : i32
    return %c0_i32, %c0_i32_0 : i32, i32
  }
  func.func @transform_18(%arg0: i32) -> (i32, i32, i32) {
    %c0_i32 = arith.constant 0 : i32
    %c0_i32_0 = arith.constant 0 : i32
    %c0_i32_1 = arith.constant 0 : i32
    return %arg0, %c0_i32, %c0_i32_0 : i32, i32, i32
  }
}

module attributes {stable_mosaic.version = 14 : i64} {
  func.func @_pc2_body(%arg0: memref<4x2048x8xf32, #tpu.memory_space<vmem>>, %arg1: memref<4x256x8xf32, #tpu.memory_space<vmem>>, %arg2: memref<4x256x32xf32, #tpu.memory_space<vmem>>, %arg3: memref<8x32xf32, #tpu.memory_space<vmem>>, %arg4: memref<1x32xf32, #tpu.memory_space<vmem>>, %arg5: memref<32x64xf32, #tpu.memory_space<vmem>>, %arg6: memref<1x64xf32, #tpu.memory_space<vmem>>, %arg7: memref<64x128xf32, #tpu.memory_space<vmem>>, %arg8: memref<1x128xf32, #tpu.memory_space<vmem>>, %arg9: memref<128x64xf32, #tpu.memory_space<vmem>>, %arg10: memref<1x64xf32, #tpu.memory_space<vmem>>, %arg11: memref<2048x1024xf32, #tpu.memory_space<vmem>>, %arg12: memref<1x1024xf32, #tpu.memory_space<vmem>>, %arg13: memref<1024x512xf32, #tpu.memory_space<vmem>>, %arg14: memref<1x512xf32, #tpu.memory_space<vmem>>, %arg15: memref<512x512xf32, #tpu.memory_space<vmem>>, %arg16: memref<1x512xf32, #tpu.memory_space<vmem>>, %arg17: memref<512x256xf32, #tpu.memory_space<vmem>>, %arg18: memref<1x256xf32, #tpu.memory_space<vmem>>, %arg19: memref<256x1024xf32, #tpu.memory_space<vmem>>, %arg20: memref<1x1024xf32, #tpu.memory_space<vmem>>, %arg21: memref<4x1024xf32, #tpu.memory_space<vmem>>) attributes {dimension_semantics = [], scalar_prefetch = 0 : i64, scratch_operands = 0 : i64, tpu.core_type = #tpu.core_type<tc>} {
    %get3A = arith.constant 0 : index
    %get3A_0 = arith.constant 0 : index
    %get3A_1 = vector.load %arg3[%get3A, %get3A_0] : memref<8x32xf32, #tpu.memory_space<vmem>>, vector<8x32xf32>
    %get3A_2 = arith.constant 0 : index
    %get3A_3 = arith.constant 0 : index
    %get3A_4 = vector.load %arg5[%get3A_2, %get3A_3] : memref<32x64xf32, #tpu.memory_space<vmem>>, vector<32x64xf32>
    %get3A_5 = arith.constant 0 : index
    %get3A_6 = arith.constant 0 : index
    %get3A_7 = vector.load %arg7[%get3A_5, %get3A_6] : memref<64x128xf32, #tpu.memory_space<vmem>>, vector<64x128xf32>
    %get3A_8 = arith.constant 0 : index
    %get3A_9 = arith.constant 0 : index
    %get3A_10 = vector.load %arg9[%get3A_8, %get3A_9] : memref<128x64xf32, #tpu.memory_space<vmem>>, vector<128x64xf32>
    %get3A_11 = arith.constant 0 : index
    %get3A_12 = arith.constant 0 : index
    %get3A_13 = vector.load %arg4[%get3A_11, %get3A_12] : memref<1x32xf32, #tpu.memory_space<vmem>>, vector<1x32xf32>
    %get3A_14 = arith.constant 0 : index
    %get3A_15 = arith.constant 0 : index
    %get3A_16 = vector.load %arg6[%get3A_14, %get3A_15] : memref<1x64xf32, #tpu.memory_space<vmem>>, vector<1x64xf32>
    %get3A_17 = arith.constant 0 : index
    %get3A_18 = arith.constant 0 : index
    %get3A_19 = vector.load %arg8[%get3A_17, %get3A_18] : memref<1x128xf32, #tpu.memory_space<vmem>>, vector<1x128xf32>
    %get3A_20 = arith.constant 0 : index
    %get3A_21 = arith.constant 0 : index
    %get3A_22 = vector.load %arg10[%get3A_20, %get3A_21] : memref<1x64xf32, #tpu.memory_space<vmem>>, vector<1x64xf32>
    %get3A_23 = arith.constant 0 : index
    %get3A_24 = arith.constant 0 : index
    %get3A_25 = vector.load %arg11[%get3A_23, %get3A_24] : memref<2048x1024xf32, #tpu.memory_space<vmem>>, vector<2048x1024xf32>
    %get3A_26 = arith.constant 0 : index
    %get3A_27 = arith.constant 0 : index
    %get3A_28 = vector.load %arg13[%get3A_26, %get3A_27] : memref<1024x512xf32, #tpu.memory_space<vmem>>, vector<1024x512xf32>
    %get3A_29 = arith.constant 0 : index
    %get3A_30 = arith.constant 0 : index
    %get3A_31 = vector.load %arg15[%get3A_29, %get3A_30] : memref<512x512xf32, #tpu.memory_space<vmem>>, vector<512x512xf32>
    %get3A_32 = arith.constant 0 : index
    %get3A_33 = arith.constant 0 : index
    %get3A_34 = vector.load %arg17[%get3A_32, %get3A_33] : memref<512x256xf32, #tpu.memory_space<vmem>>, vector<512x256xf32>
    %get3A_35 = arith.constant 0 : index
    %get3A_36 = arith.constant 0 : index
    %get3A_37 = vector.load %arg12[%get3A_35, %get3A_36] : memref<1x1024xf32, #tpu.memory_space<vmem>>, vector<1x1024xf32>
    %get3A_38 = arith.constant 0 : index
    %get3A_39 = arith.constant 0 : index
    %get3A_40 = vector.load %arg14[%get3A_38, %get3A_39] : memref<1x512xf32, #tpu.memory_space<vmem>>, vector<1x512xf32>
    %get3A_41 = arith.constant 0 : index
    %get3A_42 = arith.constant 0 : index
    %get3A_43 = vector.load %arg16[%get3A_41, %get3A_42] : memref<1x512xf32, #tpu.memory_space<vmem>>, vector<1x512xf32>
    %get3A_44 = arith.constant 0 : index
    %get3A_45 = arith.constant 0 : index
    %get3A_46 = vector.load %arg18[%get3A_44, %get3A_45] : memref<1x256xf32, #tpu.memory_space<vmem>>, vector<1x256xf32>
    %get3A_47 = arith.constant 0 : index
    %get3A_48 = arith.constant 0 : index
    %get3A_49 = vector.load %arg19[%get3A_47, %get3A_48] : memref<256x1024xf32, #tpu.memory_space<vmem>>, vector<256x1024xf32>
    %get3A_50 = arith.constant 0 : index
    %get3A_51 = arith.constant 0 : index
    %get3A_52 = vector.load %arg20[%get3A_50, %get3A_51] : memref<1x1024xf32, #tpu.memory_space<vmem>>, vector<1x1024xf32>
    %get3A_53 = arith.constant 0 : index
    %get3A_54 = arith.constant 0 : index
    %get3A_55 = arith.constant 0 : index
    %get3A_56 = vector.load %arg0[%get3A_53, %get3A_54, %get3A_55] : memref<4x2048x8xf32, #tpu.memory_space<vmem>>, vector<1x2048x8xf32>
    %get3A_57 = vector.shape_cast %get3A_56 : vector<1x2048x8xf32> to vector<2048x8xf32>
    %reduce_sum3A = arith.constant dense<0.000000e+00> : vector<8xf32>
    %reduce_sum3A_58 = vector.multi_reduction <add>, %get3A_57, %reduce_sum3A [0] : vector<2048x8xf32> to vector<8xf32>
    %broadcast_in_dim3A = vector.shape_cast %reduce_sum3A_58 : vector<8xf32> to vector<1x8xf32>
    %div3A = arith.constant 2.048000e+03 : f32
    %div3A_59 = vector.broadcast %div3A : f32 to vector<1x8xf32>
    %div3A_60 = arith.divf %broadcast_in_dim3A, %div3A_59 : vector<1x8xf32>
    %get3A_61 = arith.constant 0 : index
    %get3A_62 = arith.constant 0 : index
    %get3A_63 = arith.constant 0 : index
    %get3A_64 = vector.load %arg1[%get3A_61, %get3A_62, %get3A_63] : memref<4x256x8xf32, #tpu.memory_space<vmem>>, vector<1x256x8xf32>
    %get3A_65 = vector.shape_cast %get3A_64 : vector<1x256x8xf32> to vector<256x8xf32>
    %sub3A = vector.broadcast %div3A_60 : vector<1x8xf32> to vector<256x8xf32>
    %sub3A_66 = arith.subf %get3A_65, %sub3A : vector<256x8xf32>
    %convert_element_type3A = arith.truncf %sub3A_66 : vector<256x8xf32> to vector<256x8xbf16>
    %convert_element_type3A_67 = arith.truncf %get3A_1 : vector<8x32xf32> to vector<8x32xbf16>
    %dot_general3A = arith.constant dense<0.000000e+00> : vector<256x32xf32>
    %dot_general3A_68 = tpu.matmul %convert_element_type3A, %convert_element_type3A_67, %dot_general3A {dimension_numbers = #tpu.dot_dimension_numbers<[1], [0], [0], [1], [0, 0, 1, 1], [], []>, transpose_lhs_hint = false} : vector<256x8xbf16>, vector<8x32xbf16>, vector<256x32xf32> -> vector<256x32xf32>
    %add3A = vector.broadcast %get3A_13 : vector<1x32xf32> to vector<256x32xf32>
    %add3A_69 = arith.addf %dot_general3A_68, %add3A : vector<256x32xf32>
    %max3A = arith.constant 0.000000e+00 : f32
    %max3A_70 = vector.broadcast %max3A : f32 to vector<256x32xf32>
    %max3A_71 = arith.maximumf %add3A_69, %max3A_70 : vector<256x32xf32>
    %convert_element_type3A_72 = arith.truncf %max3A_71 : vector<256x32xf32> to vector<256x32xbf16>
    %convert_element_type3A_73 = arith.truncf %get3A_4 : vector<32x64xf32> to vector<32x64xbf16>
    %dot_general3A_74 = arith.constant dense<0.000000e+00> : vector<256x64xf32>
    %dot_general3A_75 = tpu.matmul %convert_element_type3A_72, %convert_element_type3A_73, %dot_general3A_74 {dimension_numbers = #tpu.dot_dimension_numbers<[1], [0], [0], [1], [0, 0, 1, 1], [], []>, transpose_lhs_hint = false} : vector<256x32xbf16>, vector<32x64xbf16>, vector<256x64xf32> -> vector<256x64xf32>
    %add3A_76 = vector.broadcast %get3A_16 : vector<1x64xf32> to vector<256x64xf32>
    %add3A_77 = arith.addf %dot_general3A_75, %add3A_76 : vector<256x64xf32>
    %max3A_78 = arith.constant 0.000000e+00 : f32
    %max3A_79 = vector.broadcast %max3A_78 : f32 to vector<256x64xf32>
    %max3A_80 = arith.maximumf %add3A_77, %max3A_79 : vector<256x64xf32>
    %convert_element_type3A_81 = arith.truncf %max3A_80 : vector<256x64xf32> to vector<256x64xbf16>
    %convert_element_type3A_82 = arith.truncf %get3A_7 : vector<64x128xf32> to vector<64x128xbf16>
    %dot_general3A_83 = arith.constant dense<0.000000e+00> : vector<256x128xf32>
    %dot_general3A_84 = tpu.matmul %convert_element_type3A_81, %convert_element_type3A_82, %dot_general3A_83 {dimension_numbers = #tpu.dot_dimension_numbers<[1], [0], [0], [1], [0, 0, 1, 1], [], []>, transpose_lhs_hint = false} : vector<256x64xbf16>, vector<64x128xbf16>, vector<256x128xf32> -> vector<256x128xf32>
    %add3A_85 = vector.broadcast %get3A_19 : vector<1x128xf32> to vector<256x128xf32>
    %add3A_86 = arith.addf %dot_general3A_84, %add3A_85 : vector<256x128xf32>
    %max3A_87 = arith.constant 0.000000e+00 : f32
    %max3A_88 = vector.broadcast %max3A_87 : f32 to vector<256x128xf32>
    %max3A_89 = arith.maximumf %add3A_86, %max3A_88 : vector<256x128xf32>
    %convert_element_type3A_90 = arith.truncf %max3A_89 : vector<256x128xf32> to vector<256x128xbf16>
    %convert_element_type3A_91 = arith.truncf %get3A_10 : vector<128x64xf32> to vector<128x64xbf16>
    %dot_general3A_92 = arith.constant dense<0.000000e+00> : vector<256x64xf32>
    %dot_general3A_93 = tpu.matmul %convert_element_type3A_90, %convert_element_type3A_91, %dot_general3A_92 {dimension_numbers = #tpu.dot_dimension_numbers<[1], [0], [0], [1], [0, 0, 1, 1], [], []>, transpose_lhs_hint = false} : vector<256x128xbf16>, vector<128x64xbf16>, vector<256x64xf32> -> vector<256x64xf32>
    %add3A_94 = vector.broadcast %get3A_22 : vector<1x64xf32> to vector<256x64xf32>
    %add3A_95 = arith.addf %dot_general3A_93, %add3A_94 : vector<256x64xf32>
    %max3A_96 = arith.constant 0.000000e+00 : f32
    %max3A_97 = vector.broadcast %max3A_96 : f32 to vector<256x64xf32>
    %max3A_98 = arith.maximumf %add3A_95, %max3A_97 : vector<256x64xf32>
    %get3A_99 = arith.constant 0 : index
    %get3A_100 = arith.constant 0 : index
    %get3A_101 = arith.constant 0 : index
    %get3A_102 = vector.load %arg2[%get3A_99, %get3A_100, %get3A_101] : memref<4x256x32xf32, #tpu.memory_space<vmem>>, vector<1x256x32xf32>
    %get3A_103 = vector.shape_cast %get3A_102 : vector<1x256x32xf32> to vector<256x32xf32>
    %convert_element_type3A_104 = arith.truncf %get3A_103 : vector<256x32xf32> to vector<256x32xbf16>
    %convert_element_type3A_105 = arith.extf %convert_element_type3A_104 : vector<256x32xbf16> to vector<256x32xf32>
    %convert_element_type3A_106 = arith.truncf %max3A_98 : vector<256x64xf32> to vector<256x64xbf16>
    %convert_element_type3A_107 = arith.extf %convert_element_type3A_106 : vector<256x64xbf16> to vector<256x64xf32>
    %concatenate3A = tpu.concatenate %convert_element_type3A_107, %convert_element_type3A_107, %convert_element_type3A_107, %convert_element_type3A_107, %convert_element_type3A_107, %convert_element_type3A_107, %convert_element_type3A_107, %convert_element_type3A_107, %convert_element_type3A_107, %convert_element_type3A_107, %convert_element_type3A_107, %convert_element_type3A_107, %convert_element_type3A_107, %convert_element_type3A_107, %convert_element_type3A_107, %convert_element_type3A_107, %convert_element_type3A_107, %convert_element_type3A_107, %convert_element_type3A_107, %convert_element_type3A_107, %convert_element_type3A_107, %convert_element_type3A_107, %convert_element_type3A_107, %convert_element_type3A_107, %convert_element_type3A_107, %convert_element_type3A_107, %convert_element_type3A_107, %convert_element_type3A_107, %convert_element_type3A_107, %convert_element_type3A_107, %convert_element_type3A_107, %convert_element_type3A_107 in 1 : vector<256x64xf32>, vector<256x64xf32>, vector<256x64xf32>, vector<256x64xf32>, vector<256x64xf32>, vector<256x64xf32>, vector<256x64xf32>, vector<256x64xf32>, vector<256x64xf32>, vector<256x64xf32>, vector<256x64xf32>, vector<256x64xf32>, vector<256x64xf32>, vector<256x64xf32>, vector<256x64xf32>, vector<256x64xf32>, vector<256x64xf32>, vector<256x64xf32>, vector<256x64xf32>, vector<256x64xf32>, vector<256x64xf32>, vector<256x64xf32>, vector<256x64xf32>, vector<256x64xf32>, vector<256x64xf32>, vector<256x64xf32>, vector<256x64xf32>, vector<256x64xf32>, vector<256x64xf32>, vector<256x64xf32>, vector<256x64xf32>, vector<256x64xf32> -> vector<256x2048xf32>
    %slice3A = vector.extract_strided_slice %convert_element_type3A_105 {offsets = [0, 0], sizes = [256, 1], strides = [1, 1]} : vector<256x32xf32> to vector<256x1xf32>
    %broadcast_in_dim3A_108 = vector.shape_cast %slice3A : vector<256x1xf32> to vector<256x1xf32>
    %broadcast_in_dim3A_109 = vector.broadcast %broadcast_in_dim3A_108 : vector<256x1xf32> to vector<256x64xf32>
    %slice3A_110 = vector.extract_strided_slice %convert_element_type3A_105 {offsets = [0, 1], sizes = [256, 1], strides = [1, 1]} : vector<256x32xf32> to vector<256x1xf32>
    %broadcast_in_dim3A_111 = vector.shape_cast %slice3A_110 : vector<256x1xf32> to vector<256x1xf32>
    %broadcast_in_dim3A_112 = vector.broadcast %broadcast_in_dim3A_111 : vector<256x1xf32> to vector<256x64xf32>
    %slice3A_113 = vector.extract_strided_slice %convert_element_type3A_105 {offsets = [0, 2], sizes = [256, 1], strides = [1, 1]} : vector<256x32xf32> to vector<256x1xf32>
    %broadcast_in_dim3A_114 = vector.shape_cast %slice3A_113 : vector<256x1xf32> to vector<256x1xf32>
    %broadcast_in_dim3A_115 = vector.broadcast %broadcast_in_dim3A_114 : vector<256x1xf32> to vector<256x64xf32>
    %slice3A_116 = vector.extract_strided_slice %convert_element_type3A_105 {offsets = [0, 3], sizes = [256, 1], strides = [1, 1]} : vector<256x32xf32> to vector<256x1xf32>
    %broadcast_in_dim3A_117 = vector.shape_cast %slice3A_116 : vector<256x1xf32> to vector<256x1xf32>
    %broadcast_in_dim3A_118 = vector.broadcast %broadcast_in_dim3A_117 : vector<256x1xf32> to vector<256x64xf32>
    %slice3A_119 = vector.extract_strided_slice %convert_element_type3A_105 {offsets = [0, 4], sizes = [256, 1], strides = [1, 1]} : vector<256x32xf32> to vector<256x1xf32>
    %broadcast_in_dim3A_120 = vector.shape_cast %slice3A_119 : vector<256x1xf32> to vector<256x1xf32>
    %broadcast_in_dim3A_121 = vector.broadcast %broadcast_in_dim3A_120 : vector<256x1xf32> to vector<256x64xf32>
    %slice3A_122 = vector.extract_strided_slice %convert_element_type3A_105 {offsets = [0, 5], sizes = [256, 1], strides = [1, 1]} : vector<256x32xf32> to vector<256x1xf32>
    %broadcast_in_dim3A_123 = vector.shape_cast %slice3A_122 : vector<256x1xf32> to vector<256x1xf32>
    %broadcast_in_dim3A_124 = vector.broadcast %broadcast_in_dim3A_123 : vector<256x1xf32> to vector<256x64xf32>
    %slice3A_125 = vector.extract_strided_slice %convert_element_type3A_105 {offsets = [0, 6], sizes = [256, 1], strides = [1, 1]} : vector<256x32xf32> to vector<256x1xf32>
    %broadcast_in_dim3A_126 = vector.shape_cast %slice3A_125 : vector<256x1xf32> to vector<256x1xf32>
    %broadcast_in_dim3A_127 = vector.broadcast %broadcast_in_dim3A_126 : vector<256x1xf32> to vector<256x64xf32>
    %slice3A_128 = vector.extract_strided_slice %convert_element_type3A_105 {offsets = [0, 7], sizes = [256, 1], strides = [1, 1]} : vector<256x32xf32> to vector<256x1xf32>
    %broadcast_in_dim3A_129 = vector.shape_cast %slice3A_128 : vector<256x1xf32> to vector<256x1xf32>
    %broadcast_in_dim3A_130 = vector.broadcast %broadcast_in_dim3A_129 : vector<256x1xf32> to vector<256x64xf32>
    %slice3A_131 = vector.extract_strided_slice %convert_element_type3A_105 {offsets = [0, 8], sizes = [256, 1], strides = [1, 1]} : vector<256x32xf32> to vector<256x1xf32>
    %broadcast_in_dim3A_132 = vector.shape_cast %slice3A_131 : vector<256x1xf32> to vector<256x1xf32>
    %broadcast_in_dim3A_133 = vector.broadcast %broadcast_in_dim3A_132 : vector<256x1xf32> to vector<256x64xf32>
    %slice3A_134 = vector.extract_strided_slice %convert_element_type3A_105 {offsets = [0, 9], sizes = [256, 1], strides = [1, 1]} : vector<256x32xf32> to vector<256x1xf32>
    %broadcast_in_dim3A_135 = vector.shape_cast %slice3A_134 : vector<256x1xf32> to vector<256x1xf32>
    %broadcast_in_dim3A_136 = vector.broadcast %broadcast_in_dim3A_135 : vector<256x1xf32> to vector<256x64xf32>
    %slice3A_137 = vector.extract_strided_slice %convert_element_type3A_105 {offsets = [0, 10], sizes = [256, 1], strides = [1, 1]} : vector<256x32xf32> to vector<256x1xf32>
    %broadcast_in_dim3A_138 = vector.shape_cast %slice3A_137 : vector<256x1xf32> to vector<256x1xf32>
    %broadcast_in_dim3A_139 = vector.broadcast %broadcast_in_dim3A_138 : vector<256x1xf32> to vector<256x64xf32>
    %slice3A_140 = vector.extract_strided_slice %convert_element_type3A_105 {offsets = [0, 11], sizes = [256, 1], strides = [1, 1]} : vector<256x32xf32> to vector<256x1xf32>
    %broadcast_in_dim3A_141 = vector.shape_cast %slice3A_140 : vector<256x1xf32> to vector<256x1xf32>
    %broadcast_in_dim3A_142 = vector.broadcast %broadcast_in_dim3A_141 : vector<256x1xf32> to vector<256x64xf32>
    %slice3A_143 = vector.extract_strided_slice %convert_element_type3A_105 {offsets = [0, 12], sizes = [256, 1], strides = [1, 1]} : vector<256x32xf32> to vector<256x1xf32>
    %broadcast_in_dim3A_144 = vector.shape_cast %slice3A_143 : vector<256x1xf32> to vector<256x1xf32>
    %broadcast_in_dim3A_145 = vector.broadcast %broadcast_in_dim3A_144 : vector<256x1xf32> to vector<256x64xf32>
    %slice3A_146 = vector.extract_strided_slice %convert_element_type3A_105 {offsets = [0, 13], sizes = [256, 1], strides = [1, 1]} : vector<256x32xf32> to vector<256x1xf32>
    %broadcast_in_dim3A_147 = vector.shape_cast %slice3A_146 : vector<256x1xf32> to vector<256x1xf32>
    %broadcast_in_dim3A_148 = vector.broadcast %broadcast_in_dim3A_147 : vector<256x1xf32> to vector<256x64xf32>
    %slice3A_149 = vector.extract_strided_slice %convert_element_type3A_105 {offsets = [0, 14], sizes = [256, 1], strides = [1, 1]} : vector<256x32xf32> to vector<256x1xf32>
    %broadcast_in_dim3A_150 = vector.shape_cast %slice3A_149 : vector<256x1xf32> to vector<256x1xf32>
    %broadcast_in_dim3A_151 = vector.broadcast %broadcast_in_dim3A_150 : vector<256x1xf32> to vector<256x64xf32>
    %slice3A_152 = vector.extract_strided_slice %convert_element_type3A_105 {offsets = [0, 15], sizes = [256, 1], strides = [1, 1]} : vector<256x32xf32> to vector<256x1xf32>
    %broadcast_in_dim3A_153 = vector.shape_cast %slice3A_152 : vector<256x1xf32> to vector<256x1xf32>
    %broadcast_in_dim3A_154 = vector.broadcast %broadcast_in_dim3A_153 : vector<256x1xf32> to vector<256x64xf32>
    %slice3A_155 = vector.extract_strided_slice %convert_element_type3A_105 {offsets = [0, 16], sizes = [256, 1], strides = [1, 1]} : vector<256x32xf32> to vector<256x1xf32>
    %broadcast_in_dim3A_156 = vector.shape_cast %slice3A_155 : vector<256x1xf32> to vector<256x1xf32>
    %broadcast_in_dim3A_157 = vector.broadcast %broadcast_in_dim3A_156 : vector<256x1xf32> to vector<256x64xf32>
    %slice3A_158 = vector.extract_strided_slice %convert_element_type3A_105 {offsets = [0, 17], sizes = [256, 1], strides = [1, 1]} : vector<256x32xf32> to vector<256x1xf32>
    %broadcast_in_dim3A_159 = vector.shape_cast %slice3A_158 : vector<256x1xf32> to vector<256x1xf32>
    %broadcast_in_dim3A_160 = vector.broadcast %broadcast_in_dim3A_159 : vector<256x1xf32> to vector<256x64xf32>
    %slice3A_161 = vector.extract_strided_slice %convert_element_type3A_105 {offsets = [0, 18], sizes = [256, 1], strides = [1, 1]} : vector<256x32xf32> to vector<256x1xf32>
    %broadcast_in_dim3A_162 = vector.shape_cast %slice3A_161 : vector<256x1xf32> to vector<256x1xf32>
    %broadcast_in_dim3A_163 = vector.broadcast %broadcast_in_dim3A_162 : vector<256x1xf32> to vector<256x64xf32>
    %slice3A_164 = vector.extract_strided_slice %convert_element_type3A_105 {offsets = [0, 19], sizes = [256, 1], strides = [1, 1]} : vector<256x32xf32> to vector<256x1xf32>
    %broadcast_in_dim3A_165 = vector.shape_cast %slice3A_164 : vector<256x1xf32> to vector<256x1xf32>
    %broadcast_in_dim3A_166 = vector.broadcast %broadcast_in_dim3A_165 : vector<256x1xf32> to vector<256x64xf32>
    %slice3A_167 = vector.extract_strided_slice %convert_element_type3A_105 {offsets = [0, 20], sizes = [256, 1], strides = [1, 1]} : vector<256x32xf32> to vector<256x1xf32>
    %broadcast_in_dim3A_168 = vector.shape_cast %slice3A_167 : vector<256x1xf32> to vector<256x1xf32>
    %broadcast_in_dim3A_169 = vector.broadcast %broadcast_in_dim3A_168 : vector<256x1xf32> to vector<256x64xf32>
    %slice3A_170 = vector.extract_strided_slice %convert_element_type3A_105 {offsets = [0, 21], sizes = [256, 1], strides = [1, 1]} : vector<256x32xf32> to vector<256x1xf32>
    %broadcast_in_dim3A_171 = vector.shape_cast %slice3A_170 : vector<256x1xf32> to vector<256x1xf32>
    %broadcast_in_dim3A_172 = vector.broadcast %broadcast_in_dim3A_171 : vector<256x1xf32> to vector<256x64xf32>
    %slice3A_173 = vector.extract_strided_slice %convert_element_type3A_105 {offsets = [0, 22], sizes = [256, 1], strides = [1, 1]} : vector<256x32xf32> to vector<256x1xf32>
    %broadcast_in_dim3A_174 = vector.shape_cast %slice3A_173 : vector<256x1xf32> to vector<256x1xf32>
    %broadcast_in_dim3A_175 = vector.broadcast %broadcast_in_dim3A_174 : vector<256x1xf32> to vector<256x64xf32>
    %slice3A_176 = vector.extract_strided_slice %convert_element_type3A_105 {offsets = [0, 23], sizes = [256, 1], strides = [1, 1]} : vector<256x32xf32> to vector<256x1xf32>
    %broadcast_in_dim3A_177 = vector.shape_cast %slice3A_176 : vector<256x1xf32> to vector<256x1xf32>
    %broadcast_in_dim3A_178 = vector.broadcast %broadcast_in_dim3A_177 : vector<256x1xf32> to vector<256x64xf32>
    %slice3A_179 = vector.extract_strided_slice %convert_element_type3A_105 {offsets = [0, 24], sizes = [256, 1], strides = [1, 1]} : vector<256x32xf32> to vector<256x1xf32>
    %broadcast_in_dim3A_180 = vector.shape_cast %slice3A_179 : vector<256x1xf32> to vector<256x1xf32>
    %broadcast_in_dim3A_181 = vector.broadcast %broadcast_in_dim3A_180 : vector<256x1xf32> to vector<256x64xf32>
    %slice3A_182 = vector.extract_strided_slice %convert_element_type3A_105 {offsets = [0, 25], sizes = [256, 1], strides = [1, 1]} : vector<256x32xf32> to vector<256x1xf32>
    %broadcast_in_dim3A_183 = vector.shape_cast %slice3A_182 : vector<256x1xf32> to vector<256x1xf32>
    %broadcast_in_dim3A_184 = vector.broadcast %broadcast_in_dim3A_183 : vector<256x1xf32> to vector<256x64xf32>
    %slice3A_185 = vector.extract_strided_slice %convert_element_type3A_105 {offsets = [0, 26], sizes = [256, 1], strides = [1, 1]} : vector<256x32xf32> to vector<256x1xf32>
    %broadcast_in_dim3A_186 = vector.shape_cast %slice3A_185 : vector<256x1xf32> to vector<256x1xf32>
    %broadcast_in_dim3A_187 = vector.broadcast %broadcast_in_dim3A_186 : vector<256x1xf32> to vector<256x64xf32>
    %slice3A_188 = vector.extract_strided_slice %convert_element_type3A_105 {offsets = [0, 27], sizes = [256, 1], strides = [1, 1]} : vector<256x32xf32> to vector<256x1xf32>
    %broadcast_in_dim3A_189 = vector.shape_cast %slice3A_188 : vector<256x1xf32> to vector<256x1xf32>
    %broadcast_in_dim3A_190 = vector.broadcast %broadcast_in_dim3A_189 : vector<256x1xf32> to vector<256x64xf32>
    %slice3A_191 = vector.extract_strided_slice %convert_element_type3A_105 {offsets = [0, 28], sizes = [256, 1], strides = [1, 1]} : vector<256x32xf32> to vector<256x1xf32>
    %broadcast_in_dim3A_192 = vector.shape_cast %slice3A_191 : vector<256x1xf32> to vector<256x1xf32>
    %broadcast_in_dim3A_193 = vector.broadcast %broadcast_in_dim3A_192 : vector<256x1xf32> to vector<256x64xf32>
    %slice3A_194 = vector.extract_strided_slice %convert_element_type3A_105 {offsets = [0, 29], sizes = [256, 1], strides = [1, 1]} : vector<256x32xf32> to vector<256x1xf32>
    %broadcast_in_dim3A_195 = vector.shape_cast %slice3A_194 : vector<256x1xf32> to vector<256x1xf32>
    %broadcast_in_dim3A_196 = vector.broadcast %broadcast_in_dim3A_195 : vector<256x1xf32> to vector<256x64xf32>
    %slice3A_197 = vector.extract_strided_slice %convert_element_type3A_105 {offsets = [0, 30], sizes = [256, 1], strides = [1, 1]} : vector<256x32xf32> to vector<256x1xf32>
    %broadcast_in_dim3A_198 = vector.shape_cast %slice3A_197 : vector<256x1xf32> to vector<256x1xf32>
    %broadcast_in_dim3A_199 = vector.broadcast %broadcast_in_dim3A_198 : vector<256x1xf32> to vector<256x64xf32>
    %slice3A_200 = vector.extract_strided_slice %convert_element_type3A_105 {offsets = [0, 31], sizes = [256, 1], strides = [1, 1]} : vector<256x32xf32> to vector<256x1xf32>
    %broadcast_in_dim3A_201 = vector.shape_cast %slice3A_200 : vector<256x1xf32> to vector<256x1xf32>
    %broadcast_in_dim3A_202 = vector.broadcast %broadcast_in_dim3A_201 : vector<256x1xf32> to vector<256x64xf32>
    %concatenate3A_203 = tpu.concatenate %broadcast_in_dim3A_109, %broadcast_in_dim3A_112, %broadcast_in_dim3A_115, %broadcast_in_dim3A_118, %broadcast_in_dim3A_121, %broadcast_in_dim3A_124, %broadcast_in_dim3A_127, %broadcast_in_dim3A_130, %broadcast_in_dim3A_133, %broadcast_in_dim3A_136, %broadcast_in_dim3A_139, %broadcast_in_dim3A_142, %broadcast_in_dim3A_145, %broadcast_in_dim3A_148, %broadcast_in_dim3A_151, %broadcast_in_dim3A_154, %broadcast_in_dim3A_157, %broadcast_in_dim3A_160, %broadcast_in_dim3A_163, %broadcast_in_dim3A_166, %broadcast_in_dim3A_169, %broadcast_in_dim3A_172, %broadcast_in_dim3A_175, %broadcast_in_dim3A_178, %broadcast_in_dim3A_181, %broadcast_in_dim3A_184, %broadcast_in_dim3A_187, %broadcast_in_dim3A_190, %broadcast_in_dim3A_193, %broadcast_in_dim3A_196, %broadcast_in_dim3A_199, %broadcast_in_dim3A_202 in 1 : vector<256x64xf32>, vector<256x64xf32>, vector<256x64xf32>, vector<256x64xf32>, vector<256x64xf32>, vector<256x64xf32>, vector<256x64xf32>, vector<256x64xf32>, vector<256x64xf32>, vector<256x64xf32>, vector<256x64xf32>, vector<256x64xf32>, vector<256x64xf32>, vector<256x64xf32>, vector<256x64xf32>, vector<256x64xf32>, vector<256x64xf32>, vector<256x64xf32>, vector<256x64xf32>, vector<256x64xf32>, vector<256x64xf32>, vector<256x64xf32>, vector<256x64xf32>, vector<256x64xf32>, vector<256x64xf32>, vector<256x64xf32>, vector<256x64xf32>, vector<256x64xf32>, vector<256x64xf32>, vector<256x64xf32>, vector<256x64xf32>, vector<256x64xf32> -> vector<256x2048xf32>
    %mul3A = arith.mulf %concatenate3A_203, %concatenate3A : vector<256x2048xf32>
    %reduce_sum3A_204 = arith.constant dense<0.000000e+00> : vector<2048xf32>
    %reduce_sum3A_205 = vector.multi_reduction <add>, %mul3A, %reduce_sum3A_204 [0] : vector<256x2048xf32> to vector<2048xf32>
    %broadcast_in_dim3A_206 = vector.shape_cast %reduce_sum3A_205 : vector<2048xf32> to vector<1x2048xf32>
    %get3A_207 = arith.constant 1 : index
    %get3A_208 = arith.constant 0 : index
    %get3A_209 = arith.constant 0 : index
    %get3A_210 = vector.load %arg0[%get3A_207, %get3A_208, %get3A_209] : memref<4x2048x8xf32, #tpu.memory_space<vmem>>, vector<1x2048x8xf32>
    %get3A_211 = vector.shape_cast %get3A_210 : vector<1x2048x8xf32> to vector<2048x8xf32>
    %reduce_sum3A_212 = arith.constant dense<0.000000e+00> : vector<8xf32>
    %reduce_sum3A_213 = vector.multi_reduction <add>, %get3A_211, %reduce_sum3A_212 [0] : vector<2048x8xf32> to vector<8xf32>
    %broadcast_in_dim3A_214 = vector.shape_cast %reduce_sum3A_213 : vector<8xf32> to vector<1x8xf32>
    %div3A_215 = arith.constant 2.048000e+03 : f32
    %div3A_216 = vector.broadcast %div3A_215 : f32 to vector<1x8xf32>
    %div3A_217 = arith.divf %broadcast_in_dim3A_214, %div3A_216 : vector<1x8xf32>
    %get3A_218 = arith.constant 1 : index
    %get3A_219 = arith.constant 0 : index
    %get3A_220 = arith.constant 0 : index
    %get3A_221 = vector.load %arg1[%get3A_218, %get3A_219, %get3A_220] : memref<4x256x8xf32, #tpu.memory_space<vmem>>, vector<1x256x8xf32>
    %get3A_222 = vector.shape_cast %get3A_221 : vector<1x256x8xf32> to vector<256x8xf32>
    %sub3A_223 = vector.broadcast %div3A_217 : vector<1x8xf32> to vector<256x8xf32>
    %sub3A_224 = arith.subf %get3A_222, %sub3A_223 : vector<256x8xf32>
    %convert_element_type3A_225 = arith.truncf %sub3A_224 : vector<256x8xf32> to vector<256x8xbf16>
    %convert_element_type3A_226 = arith.truncf %get3A_1 : vector<8x32xf32> to vector<8x32xbf16>
    %dot_general3A_227 = arith.constant dense<0.000000e+00> : vector<256x32xf32>
    %dot_general3A_228 = tpu.matmul %convert_element_type3A_225, %convert_element_type3A_226, %dot_general3A_227 {dimension_numbers = #tpu.dot_dimension_numbers<[1], [0], [0], [1], [0, 0, 1, 1], [], []>, transpose_lhs_hint = false} : vector<256x8xbf16>, vector<8x32xbf16>, vector<256x32xf32> -> vector<256x32xf32>
    %add3A_229 = vector.broadcast %get3A_13 : vector<1x32xf32> to vector<256x32xf32>
    %add3A_230 = arith.addf %dot_general3A_228, %add3A_229 : vector<256x32xf32>
    %max3A_231 = arith.constant 0.000000e+00 : f32
    %max3A_232 = vector.broadcast %max3A_231 : f32 to vector<256x32xf32>
    %max3A_233 = arith.maximumf %add3A_230, %max3A_232 : vector<256x32xf32>
    %convert_element_type3A_234 = arith.truncf %max3A_233 : vector<256x32xf32> to vector<256x32xbf16>
    %convert_element_type3A_235 = arith.truncf %get3A_4 : vector<32x64xf32> to vector<32x64xbf16>
    %dot_general3A_236 = arith.constant dense<0.000000e+00> : vector<256x64xf32>
    %dot_general3A_237 = tpu.matmul %convert_element_type3A_234, %convert_element_type3A_235, %dot_general3A_236 {dimension_numbers = #tpu.dot_dimension_numbers<[1], [0], [0], [1], [0, 0, 1, 1], [], []>, transpose_lhs_hint = false} : vector<256x32xbf16>, vector<32x64xbf16>, vector<256x64xf32> -> vector<256x64xf32>
    %add3A_238 = vector.broadcast %get3A_16 : vector<1x64xf32> to vector<256x64xf32>
    %add3A_239 = arith.addf %dot_general3A_237, %add3A_238 : vector<256x64xf32>
    %max3A_240 = arith.constant 0.000000e+00 : f32
    %max3A_241 = vector.broadcast %max3A_240 : f32 to vector<256x64xf32>
    %max3A_242 = arith.maximumf %add3A_239, %max3A_241 : vector<256x64xf32>
    %convert_element_type3A_243 = arith.truncf %max3A_242 : vector<256x64xf32> to vector<256x64xbf16>
    %convert_element_type3A_244 = arith.truncf %get3A_7 : vector<64x128xf32> to vector<64x128xbf16>
    %dot_general3A_245 = arith.constant dense<0.000000e+00> : vector<256x128xf32>
    %dot_general3A_246 = tpu.matmul %convert_element_type3A_243, %convert_element_type3A_244, %dot_general3A_245 {dimension_numbers = #tpu.dot_dimension_numbers<[1], [0], [0], [1], [0, 0, 1, 1], [], []>, transpose_lhs_hint = false} : vector<256x64xbf16>, vector<64x128xbf16>, vector<256x128xf32> -> vector<256x128xf32>
    %add3A_247 = vector.broadcast %get3A_19 : vector<1x128xf32> to vector<256x128xf32>
    %add3A_248 = arith.addf %dot_general3A_246, %add3A_247 : vector<256x128xf32>
    %max3A_249 = arith.constant 0.000000e+00 : f32
    %max3A_250 = vector.broadcast %max3A_249 : f32 to vector<256x128xf32>
    %max3A_251 = arith.maximumf %add3A_248, %max3A_250 : vector<256x128xf32>
    %convert_element_type3A_252 = arith.truncf %max3A_251 : vector<256x128xf32> to vector<256x128xbf16>
    %convert_element_type3A_253 = arith.truncf %get3A_10 : vector<128x64xf32> to vector<128x64xbf16>
    %dot_general3A_254 = arith.constant dense<0.000000e+00> : vector<256x64xf32>
    %dot_general3A_255 = tpu.matmul %convert_element_type3A_252, %convert_element_type3A_253, %dot_general3A_254 {dimension_numbers = #tpu.dot_dimension_numbers<[1], [0], [0], [1], [0, 0, 1, 1], [], []>, transpose_lhs_hint = false} : vector<256x128xbf16>, vector<128x64xbf16>, vector<256x64xf32> -> vector<256x64xf32>
    %add3A_256 = vector.broadcast %get3A_22 : vector<1x64xf32> to vector<256x64xf32>
    %add3A_257 = arith.addf %dot_general3A_255, %add3A_256 : vector<256x64xf32>
    %max3A_258 = arith.constant 0.000000e+00 : f32
    %max3A_259 = vector.broadcast %max3A_258 : f32 to vector<256x64xf32>
    %max3A_260 = arith.maximumf %add3A_257, %max3A_259 : vector<256x64xf32>
    %get3A_261 = arith.constant 1 : index
    %get3A_262 = arith.constant 0 : index
    %get3A_263 = arith.constant 0 : index
    %get3A_264 = vector.load %arg2[%get3A_261, %get3A_262, %get3A_263] : memref<4x256x32xf32, #tpu.memory_space<vmem>>, vector<1x256x32xf32>
    %get3A_265 = vector.shape_cast %get3A_264 : vector<1x256x32xf32> to vector<256x32xf32>
    %convert_element_type3A_266 = arith.truncf %get3A_265 : vector<256x32xf32> to vector<256x32xbf16>
    %convert_element_type3A_267 = arith.extf %convert_element_type3A_266 : vector<256x32xbf16> to vector<256x32xf32>
    %convert_element_type3A_268 = arith.truncf %max3A_260 : vector<256x64xf32> to vector<256x64xbf16>
    %convert_element_type3A_269 = arith.extf %convert_element_type3A_268 : vector<256x64xbf16> to vector<256x64xf32>
    %concatenate3A_270 = tpu.concatenate %convert_element_type3A_269, %convert_element_type3A_269, %convert_element_type3A_269, %convert_element_type3A_269, %convert_element_type3A_269, %convert_element_type3A_269, %convert_element_type3A_269, %convert_element_type3A_269, %convert_element_type3A_269, %convert_element_type3A_269, %convert_element_type3A_269, %convert_element_type3A_269, %convert_element_type3A_269, %convert_element_type3A_269, %convert_element_type3A_269, %convert_element_type3A_269, %convert_element_type3A_269, %convert_element_type3A_269, %convert_element_type3A_269, %convert_element_type3A_269, %convert_element_type3A_269, %convert_element_type3A_269, %convert_element_type3A_269, %convert_element_type3A_269, %convert_element_type3A_269, %convert_element_type3A_269, %convert_element_type3A_269, %convert_element_type3A_269, %convert_element_type3A_269, %convert_element_type3A_269, %convert_element_type3A_269, %convert_element_type3A_269 in 1 : vector<256x64xf32>, vector<256x64xf32>, vector<256x64xf32>, vector<256x64xf32>, vector<256x64xf32>, vector<256x64xf32>, vector<256x64xf32>, vector<256x64xf32>, vector<256x64xf32>, vector<256x64xf32>, vector<256x64xf32>, vector<256x64xf32>, vector<256x64xf32>, vector<256x64xf32>, vector<256x64xf32>, vector<256x64xf32>, vector<256x64xf32>, vector<256x64xf32>, vector<256x64xf32>, vector<256x64xf32>, vector<256x64xf32>, vector<256x64xf32>, vector<256x64xf32>, vector<256x64xf32>, vector<256x64xf32>, vector<256x64xf32>, vector<256x64xf32>, vector<256x64xf32>, vector<256x64xf32>, vector<256x64xf32>, vector<256x64xf32>, vector<256x64xf32> -> vector<256x2048xf32>
    %slice3A_271 = vector.extract_strided_slice %convert_element_type3A_267 {offsets = [0, 0], sizes = [256, 1], strides = [1, 1]} : vector<256x32xf32> to vector<256x1xf32>
    %broadcast_in_dim3A_272 = vector.shape_cast %slice3A_271 : vector<256x1xf32> to vector<256x1xf32>
    %broadcast_in_dim3A_273 = vector.broadcast %broadcast_in_dim3A_272 : vector<256x1xf32> to vector<256x64xf32>
    %slice3A_274 = vector.extract_strided_slice %convert_element_type3A_267 {offsets = [0, 1], sizes = [256, 1], strides = [1, 1]} : vector<256x32xf32> to vector<256x1xf32>
    %broadcast_in_dim3A_275 = vector.shape_cast %slice3A_274 : vector<256x1xf32> to vector<256x1xf32>
    %broadcast_in_dim3A_276 = vector.broadcast %broadcast_in_dim3A_275 : vector<256x1xf32> to vector<256x64xf32>
    %slice3A_277 = vector.extract_strided_slice %convert_element_type3A_267 {offsets = [0, 2], sizes = [256, 1], strides = [1, 1]} : vector<256x32xf32> to vector<256x1xf32>
    %broadcast_in_dim3A_278 = vector.shape_cast %slice3A_277 : vector<256x1xf32> to vector<256x1xf32>
    %broadcast_in_dim3A_279 = vector.broadcast %broadcast_in_dim3A_278 : vector<256x1xf32> to vector<256x64xf32>
    %slice3A_280 = vector.extract_strided_slice %convert_element_type3A_267 {offsets = [0, 3], sizes = [256, 1], strides = [1, 1]} : vector<256x32xf32> to vector<256x1xf32>
    %broadcast_in_dim3A_281 = vector.shape_cast %slice3A_280 : vector<256x1xf32> to vector<256x1xf32>
    %broadcast_in_dim3A_282 = vector.broadcast %broadcast_in_dim3A_281 : vector<256x1xf32> to vector<256x64xf32>
    %slice3A_283 = vector.extract_strided_slice %convert_element_type3A_267 {offsets = [0, 4], sizes = [256, 1], strides = [1, 1]} : vector<256x32xf32> to vector<256x1xf32>
    %broadcast_in_dim3A_284 = vector.shape_cast %slice3A_283 : vector<256x1xf32> to vector<256x1xf32>
    %broadcast_in_dim3A_285 = vector.broadcast %broadcast_in_dim3A_284 : vector<256x1xf32> to vector<256x64xf32>
    %slice3A_286 = vector.extract_strided_slice %convert_element_type3A_267 {offsets = [0, 5], sizes = [256, 1], strides = [1, 1]} : vector<256x32xf32> to vector<256x1xf32>
    %broadcast_in_dim3A_287 = vector.shape_cast %slice3A_286 : vector<256x1xf32> to vector<256x1xf32>
    %broadcast_in_dim3A_288 = vector.broadcast %broadcast_in_dim3A_287 : vector<256x1xf32> to vector<256x64xf32>
    %slice3A_289 = vector.extract_strided_slice %convert_element_type3A_267 {offsets = [0, 6], sizes = [256, 1], strides = [1, 1]} : vector<256x32xf32> to vector<256x1xf32>
    %broadcast_in_dim3A_290 = vector.shape_cast %slice3A_289 : vector<256x1xf32> to vector<256x1xf32>
    %broadcast_in_dim3A_291 = vector.broadcast %broadcast_in_dim3A_290 : vector<256x1xf32> to vector<256x64xf32>
    %slice3A_292 = vector.extract_strided_slice %convert_element_type3A_267 {offsets = [0, 7], sizes = [256, 1], strides = [1, 1]} : vector<256x32xf32> to vector<256x1xf32>
    %broadcast_in_dim3A_293 = vector.shape_cast %slice3A_292 : vector<256x1xf32> to vector<256x1xf32>
    %broadcast_in_dim3A_294 = vector.broadcast %broadcast_in_dim3A_293 : vector<256x1xf32> to vector<256x64xf32>
    %slice3A_295 = vector.extract_strided_slice %convert_element_type3A_267 {offsets = [0, 8], sizes = [256, 1], strides = [1, 1]} : vector<256x32xf32> to vector<256x1xf32>
    %broadcast_in_dim3A_296 = vector.shape_cast %slice3A_295 : vector<256x1xf32> to vector<256x1xf32>
    %broadcast_in_dim3A_297 = vector.broadcast %broadcast_in_dim3A_296 : vector<256x1xf32> to vector<256x64xf32>
    %slice3A_298 = vector.extract_strided_slice %convert_element_type3A_267 {offsets = [0, 9], sizes = [256, 1], strides = [1, 1]} : vector<256x32xf32> to vector<256x1xf32>
    %broadcast_in_dim3A_299 = vector.shape_cast %slice3A_298 : vector<256x1xf32> to vector<256x1xf32>
    %broadcast_in_dim3A_300 = vector.broadcast %broadcast_in_dim3A_299 : vector<256x1xf32> to vector<256x64xf32>
    %slice3A_301 = vector.extract_strided_slice %convert_element_type3A_267 {offsets = [0, 10], sizes = [256, 1], strides = [1, 1]} : vector<256x32xf32> to vector<256x1xf32>
    %broadcast_in_dim3A_302 = vector.shape_cast %slice3A_301 : vector<256x1xf32> to vector<256x1xf32>
    %broadcast_in_dim3A_303 = vector.broadcast %broadcast_in_dim3A_302 : vector<256x1xf32> to vector<256x64xf32>
    %slice3A_304 = vector.extract_strided_slice %convert_element_type3A_267 {offsets = [0, 11], sizes = [256, 1], strides = [1, 1]} : vector<256x32xf32> to vector<256x1xf32>
    %broadcast_in_dim3A_305 = vector.shape_cast %slice3A_304 : vector<256x1xf32> to vector<256x1xf32>
    %broadcast_in_dim3A_306 = vector.broadcast %broadcast_in_dim3A_305 : vector<256x1xf32> to vector<256x64xf32>
    %slice3A_307 = vector.extract_strided_slice %convert_element_type3A_267 {offsets = [0, 12], sizes = [256, 1], strides = [1, 1]} : vector<256x32xf32> to vector<256x1xf32>
    %broadcast_in_dim3A_308 = vector.shape_cast %slice3A_307 : vector<256x1xf32> to vector<256x1xf32>
    %broadcast_in_dim3A_309 = vector.broadcast %broadcast_in_dim3A_308 : vector<256x1xf32> to vector<256x64xf32>
    %slice3A_310 = vector.extract_strided_slice %convert_element_type3A_267 {offsets = [0, 13], sizes = [256, 1], strides = [1, 1]} : vector<256x32xf32> to vector<256x1xf32>
    %broadcast_in_dim3A_311 = vector.shape_cast %slice3A_310 : vector<256x1xf32> to vector<256x1xf32>
    %broadcast_in_dim3A_312 = vector.broadcast %broadcast_in_dim3A_311 : vector<256x1xf32> to vector<256x64xf32>
    %slice3A_313 = vector.extract_strided_slice %convert_element_type3A_267 {offsets = [0, 14], sizes = [256, 1], strides = [1, 1]} : vector<256x32xf32> to vector<256x1xf32>
    %broadcast_in_dim3A_314 = vector.shape_cast %slice3A_313 : vector<256x1xf32> to vector<256x1xf32>
    %broadcast_in_dim3A_315 = vector.broadcast %broadcast_in_dim3A_314 : vector<256x1xf32> to vector<256x64xf32>
    %slice3A_316 = vector.extract_strided_slice %convert_element_type3A_267 {offsets = [0, 15], sizes = [256, 1], strides = [1, 1]} : vector<256x32xf32> to vector<256x1xf32>
    %broadcast_in_dim3A_317 = vector.shape_cast %slice3A_316 : vector<256x1xf32> to vector<256x1xf32>
    %broadcast_in_dim3A_318 = vector.broadcast %broadcast_in_dim3A_317 : vector<256x1xf32> to vector<256x64xf32>
    %slice3A_319 = vector.extract_strided_slice %convert_element_type3A_267 {offsets = [0, 16], sizes = [256, 1], strides = [1, 1]} : vector<256x32xf32> to vector<256x1xf32>
    %broadcast_in_dim3A_320 = vector.shape_cast %slice3A_319 : vector<256x1xf32> to vector<256x1xf32>
    %broadcast_in_dim3A_321 = vector.broadcast %broadcast_in_dim3A_320 : vector<256x1xf32> to vector<256x64xf32>
    %slice3A_322 = vector.extract_strided_slice %convert_element_type3A_267 {offsets = [0, 17], sizes = [256, 1], strides = [1, 1]} : vector<256x32xf32> to vector<256x1xf32>
    %broadcast_in_dim3A_323 = vector.shape_cast %slice3A_322 : vector<256x1xf32> to vector<256x1xf32>
    %broadcast_in_dim3A_324 = vector.broadcast %broadcast_in_dim3A_323 : vector<256x1xf32> to vector<256x64xf32>
    %slice3A_325 = vector.extract_strided_slice %convert_element_type3A_267 {offsets = [0, 18], sizes = [256, 1], strides = [1, 1]} : vector<256x32xf32> to vector<256x1xf32>
    %broadcast_in_dim3A_326 = vector.shape_cast %slice3A_325 : vector<256x1xf32> to vector<256x1xf32>
    %broadcast_in_dim3A_327 = vector.broadcast %broadcast_in_dim3A_326 : vector<256x1xf32> to vector<256x64xf32>
    %slice3A_328 = vector.extract_strided_slice %convert_element_type3A_267 {offsets = [0, 19], sizes = [256, 1], strides = [1, 1]} : vector<256x32xf32> to vector<256x1xf32>
    %broadcast_in_dim3A_329 = vector.shape_cast %slice3A_328 : vector<256x1xf32> to vector<256x1xf32>
    %broadcast_in_dim3A_330 = vector.broadcast %broadcast_in_dim3A_329 : vector<256x1xf32> to vector<256x64xf32>
    %slice3A_331 = vector.extract_strided_slice %convert_element_type3A_267 {offsets = [0, 20], sizes = [256, 1], strides = [1, 1]} : vector<256x32xf32> to vector<256x1xf32>
    %broadcast_in_dim3A_332 = vector.shape_cast %slice3A_331 : vector<256x1xf32> to vector<256x1xf32>
    %broadcast_in_dim3A_333 = vector.broadcast %broadcast_in_dim3A_332 : vector<256x1xf32> to vector<256x64xf32>
    %slice3A_334 = vector.extract_strided_slice %convert_element_type3A_267 {offsets = [0, 21], sizes = [256, 1], strides = [1, 1]} : vector<256x32xf32> to vector<256x1xf32>
    %broadcast_in_dim3A_335 = vector.shape_cast %slice3A_334 : vector<256x1xf32> to vector<256x1xf32>
    %broadcast_in_dim3A_336 = vector.broadcast %broadcast_in_dim3A_335 : vector<256x1xf32> to vector<256x64xf32>
    %slice3A_337 = vector.extract_strided_slice %convert_element_type3A_267 {offsets = [0, 22], sizes = [256, 1], strides = [1, 1]} : vector<256x32xf32> to vector<256x1xf32>
    %broadcast_in_dim3A_338 = vector.shape_cast %slice3A_337 : vector<256x1xf32> to vector<256x1xf32>
    %broadcast_in_dim3A_339 = vector.broadcast %broadcast_in_dim3A_338 : vector<256x1xf32> to vector<256x64xf32>
    %slice3A_340 = vector.extract_strided_slice %convert_element_type3A_267 {offsets = [0, 23], sizes = [256, 1], strides = [1, 1]} : vector<256x32xf32> to vector<256x1xf32>
    %broadcast_in_dim3A_341 = vector.shape_cast %slice3A_340 : vector<256x1xf32> to vector<256x1xf32>
    %broadcast_in_dim3A_342 = vector.broadcast %broadcast_in_dim3A_341 : vector<256x1xf32> to vector<256x64xf32>
    %slice3A_343 = vector.extract_strided_slice %convert_element_type3A_267 {offsets = [0, 24], sizes = [256, 1], strides = [1, 1]} : vector<256x32xf32> to vector<256x1xf32>
    %broadcast_in_dim3A_344 = vector.shape_cast %slice3A_343 : vector<256x1xf32> to vector<256x1xf32>
    %broadcast_in_dim3A_345 = vector.broadcast %broadcast_in_dim3A_344 : vector<256x1xf32> to vector<256x64xf32>
    %slice3A_346 = vector.extract_strided_slice %convert_element_type3A_267 {offsets = [0, 25], sizes = [256, 1], strides = [1, 1]} : vector<256x32xf32> to vector<256x1xf32>
    %broadcast_in_dim3A_347 = vector.shape_cast %slice3A_346 : vector<256x1xf32> to vector<256x1xf32>
    %broadcast_in_dim3A_348 = vector.broadcast %broadcast_in_dim3A_347 : vector<256x1xf32> to vector<256x64xf32>
    %slice3A_349 = vector.extract_strided_slice %convert_element_type3A_267 {offsets = [0, 26], sizes = [256, 1], strides = [1, 1]} : vector<256x32xf32> to vector<256x1xf32>
    %broadcast_in_dim3A_350 = vector.shape_cast %slice3A_349 : vector<256x1xf32> to vector<256x1xf32>
    %broadcast_in_dim3A_351 = vector.broadcast %broadcast_in_dim3A_350 : vector<256x1xf32> to vector<256x64xf32>
    %slice3A_352 = vector.extract_strided_slice %convert_element_type3A_267 {offsets = [0, 27], sizes = [256, 1], strides = [1, 1]} : vector<256x32xf32> to vector<256x1xf32>
    %broadcast_in_dim3A_353 = vector.shape_cast %slice3A_352 : vector<256x1xf32> to vector<256x1xf32>
    %broadcast_in_dim3A_354 = vector.broadcast %broadcast_in_dim3A_353 : vector<256x1xf32> to vector<256x64xf32>
    %slice3A_355 = vector.extract_strided_slice %convert_element_type3A_267 {offsets = [0, 28], sizes = [256, 1], strides = [1, 1]} : vector<256x32xf32> to vector<256x1xf32>
    %broadcast_in_dim3A_356 = vector.shape_cast %slice3A_355 : vector<256x1xf32> to vector<256x1xf32>
    %broadcast_in_dim3A_357 = vector.broadcast %broadcast_in_dim3A_356 : vector<256x1xf32> to vector<256x64xf32>
    %slice3A_358 = vector.extract_strided_slice %convert_element_type3A_267 {offsets = [0, 29], sizes = [256, 1], strides = [1, 1]} : vector<256x32xf32> to vector<256x1xf32>
    %broadcast_in_dim3A_359 = vector.shape_cast %slice3A_358 : vector<256x1xf32> to vector<256x1xf32>
    %broadcast_in_dim3A_360 = vector.broadcast %broadcast_in_dim3A_359 : vector<256x1xf32> to vector<256x64xf32>
    %slice3A_361 = vector.extract_strided_slice %convert_element_type3A_267 {offsets = [0, 30], sizes = [256, 1], strides = [1, 1]} : vector<256x32xf32> to vector<256x1xf32>
    %broadcast_in_dim3A_362 = vector.shape_cast %slice3A_361 : vector<256x1xf32> to vector<256x1xf32>
    %broadcast_in_dim3A_363 = vector.broadcast %broadcast_in_dim3A_362 : vector<256x1xf32> to vector<256x64xf32>
    %slice3A_364 = vector.extract_strided_slice %convert_element_type3A_267 {offsets = [0, 31], sizes = [256, 1], strides = [1, 1]} : vector<256x32xf32> to vector<256x1xf32>
    %broadcast_in_dim3A_365 = vector.shape_cast %slice3A_364 : vector<256x1xf32> to vector<256x1xf32>
    %broadcast_in_dim3A_366 = vector.broadcast %broadcast_in_dim3A_365 : vector<256x1xf32> to vector<256x64xf32>
    %concatenate3A_367 = tpu.concatenate %broadcast_in_dim3A_273, %broadcast_in_dim3A_276, %broadcast_in_dim3A_279, %broadcast_in_dim3A_282, %broadcast_in_dim3A_285, %broadcast_in_dim3A_288, %broadcast_in_dim3A_291, %broadcast_in_dim3A_294, %broadcast_in_dim3A_297, %broadcast_in_dim3A_300, %broadcast_in_dim3A_303, %broadcast_in_dim3A_306, %broadcast_in_dim3A_309, %broadcast_in_dim3A_312, %broadcast_in_dim3A_315, %broadcast_in_dim3A_318, %broadcast_in_dim3A_321, %broadcast_in_dim3A_324, %broadcast_in_dim3A_327, %broadcast_in_dim3A_330, %broadcast_in_dim3A_333, %broadcast_in_dim3A_336, %broadcast_in_dim3A_339, %broadcast_in_dim3A_342, %broadcast_in_dim3A_345, %broadcast_in_dim3A_348, %broadcast_in_dim3A_351, %broadcast_in_dim3A_354, %broadcast_in_dim3A_357, %broadcast_in_dim3A_360, %broadcast_in_dim3A_363, %broadcast_in_dim3A_366 in 1 : vector<256x64xf32>, vector<256x64xf32>, vector<256x64xf32>, vector<256x64xf32>, vector<256x64xf32>, vector<256x64xf32>, vector<256x64xf32>, vector<256x64xf32>, vector<256x64xf32>, vector<256x64xf32>, vector<256x64xf32>, vector<256x64xf32>, vector<256x64xf32>, vector<256x64xf32>, vector<256x64xf32>, vector<256x64xf32>, vector<256x64xf32>, vector<256x64xf32>, vector<256x64xf32>, vector<256x64xf32>, vector<256x64xf32>, vector<256x64xf32>, vector<256x64xf32>, vector<256x64xf32>, vector<256x64xf32>, vector<256x64xf32>, vector<256x64xf32>, vector<256x64xf32>, vector<256x64xf32>, vector<256x64xf32>, vector<256x64xf32>, vector<256x64xf32> -> vector<256x2048xf32>
    %mul3A_368 = arith.mulf %concatenate3A_367, %concatenate3A_270 : vector<256x2048xf32>
    %reduce_sum3A_369 = arith.constant dense<0.000000e+00> : vector<2048xf32>
    %reduce_sum3A_370 = vector.multi_reduction <add>, %mul3A_368, %reduce_sum3A_369 [0] : vector<256x2048xf32> to vector<2048xf32>
    %broadcast_in_dim3A_371 = vector.shape_cast %reduce_sum3A_370 : vector<2048xf32> to vector<1x2048xf32>
    %get3A_372 = arith.constant 2 : index
    %get3A_373 = arith.constant 0 : index
    %get3A_374 = arith.constant 0 : index
    %get3A_375 = vector.load %arg0[%get3A_372, %get3A_373, %get3A_374] : memref<4x2048x8xf32, #tpu.memory_space<vmem>>, vector<1x2048x8xf32>
    %get3A_376 = vector.shape_cast %get3A_375 : vector<1x2048x8xf32> to vector<2048x8xf32>
    %reduce_sum3A_377 = arith.constant dense<0.000000e+00> : vector<8xf32>
    %reduce_sum3A_378 = vector.multi_reduction <add>, %get3A_376, %reduce_sum3A_377 [0] : vector<2048x8xf32> to vector<8xf32>
    %broadcast_in_dim3A_379 = vector.shape_cast %reduce_sum3A_378 : vector<8xf32> to vector<1x8xf32>
    %div3A_380 = arith.constant 2.048000e+03 : f32
    %div3A_381 = vector.broadcast %div3A_380 : f32 to vector<1x8xf32>
    %div3A_382 = arith.divf %broadcast_in_dim3A_379, %div3A_381 : vector<1x8xf32>
    %get3A_383 = arith.constant 2 : index
    %get3A_384 = arith.constant 0 : index
    %get3A_385 = arith.constant 0 : index
    %get3A_386 = vector.load %arg1[%get3A_383, %get3A_384, %get3A_385] : memref<4x256x8xf32, #tpu.memory_space<vmem>>, vector<1x256x8xf32>
    %get3A_387 = vector.shape_cast %get3A_386 : vector<1x256x8xf32> to vector<256x8xf32>
    %sub3A_388 = vector.broadcast %div3A_382 : vector<1x8xf32> to vector<256x8xf32>
    %sub3A_389 = arith.subf %get3A_387, %sub3A_388 : vector<256x8xf32>
    %convert_element_type3A_390 = arith.truncf %sub3A_389 : vector<256x8xf32> to vector<256x8xbf16>
    %convert_element_type3A_391 = arith.truncf %get3A_1 : vector<8x32xf32> to vector<8x32xbf16>
    %dot_general3A_392 = arith.constant dense<0.000000e+00> : vector<256x32xf32>
    %dot_general3A_393 = tpu.matmul %convert_element_type3A_390, %convert_element_type3A_391, %dot_general3A_392 {dimension_numbers = #tpu.dot_dimension_numbers<[1], [0], [0], [1], [0, 0, 1, 1], [], []>, transpose_lhs_hint = false} : vector<256x8xbf16>, vector<8x32xbf16>, vector<256x32xf32> -> vector<256x32xf32>
    %add3A_394 = vector.broadcast %get3A_13 : vector<1x32xf32> to vector<256x32xf32>
    %add3A_395 = arith.addf %dot_general3A_393, %add3A_394 : vector<256x32xf32>
    %max3A_396 = arith.constant 0.000000e+00 : f32
    %max3A_397 = vector.broadcast %max3A_396 : f32 to vector<256x32xf32>
    %max3A_398 = arith.maximumf %add3A_395, %max3A_397 : vector<256x32xf32>
    %convert_element_type3A_399 = arith.truncf %max3A_398 : vector<256x32xf32> to vector<256x32xbf16>
    %convert_element_type3A_400 = arith.truncf %get3A_4 : vector<32x64xf32> to vector<32x64xbf16>
    %dot_general3A_401 = arith.constant dense<0.000000e+00> : vector<256x64xf32>
    %dot_general3A_402 = tpu.matmul %convert_element_type3A_399, %convert_element_type3A_400, %dot_general3A_401 {dimension_numbers = #tpu.dot_dimension_numbers<[1], [0], [0], [1], [0, 0, 1, 1], [], []>, transpose_lhs_hint = false} : vector<256x32xbf16>, vector<32x64xbf16>, vector<256x64xf32> -> vector<256x64xf32>
    %add3A_403 = vector.broadcast %get3A_16 : vector<1x64xf32> to vector<256x64xf32>
    %add3A_404 = arith.addf %dot_general3A_402, %add3A_403 : vector<256x64xf32>
    %max3A_405 = arith.constant 0.000000e+00 : f32
    %max3A_406 = vector.broadcast %max3A_405 : f32 to vector<256x64xf32>
    %max3A_407 = arith.maximumf %add3A_404, %max3A_406 : vector<256x64xf32>
    %convert_element_type3A_408 = arith.truncf %max3A_407 : vector<256x64xf32> to vector<256x64xbf16>
    %convert_element_type3A_409 = arith.truncf %get3A_7 : vector<64x128xf32> to vector<64x128xbf16>
    %dot_general3A_410 = arith.constant dense<0.000000e+00> : vector<256x128xf32>
    %dot_general3A_411 = tpu.matmul %convert_element_type3A_408, %convert_element_type3A_409, %dot_general3A_410 {dimension_numbers = #tpu.dot_dimension_numbers<[1], [0], [0], [1], [0, 0, 1, 1], [], []>, transpose_lhs_hint = false} : vector<256x64xbf16>, vector<64x128xbf16>, vector<256x128xf32> -> vector<256x128xf32>
    %add3A_412 = vector.broadcast %get3A_19 : vector<1x128xf32> to vector<256x128xf32>
    %add3A_413 = arith.addf %dot_general3A_411, %add3A_412 : vector<256x128xf32>
    %max3A_414 = arith.constant 0.000000e+00 : f32
    %max3A_415 = vector.broadcast %max3A_414 : f32 to vector<256x128xf32>
    %max3A_416 = arith.maximumf %add3A_413, %max3A_415 : vector<256x128xf32>
    %convert_element_type3A_417 = arith.truncf %max3A_416 : vector<256x128xf32> to vector<256x128xbf16>
    %convert_element_type3A_418 = arith.truncf %get3A_10 : vector<128x64xf32> to vector<128x64xbf16>
    %dot_general3A_419 = arith.constant dense<0.000000e+00> : vector<256x64xf32>
    %dot_general3A_420 = tpu.matmul %convert_element_type3A_417, %convert_element_type3A_418, %dot_general3A_419 {dimension_numbers = #tpu.dot_dimension_numbers<[1], [0], [0], [1], [0, 0, 1, 1], [], []>, transpose_lhs_hint = false} : vector<256x128xbf16>, vector<128x64xbf16>, vector<256x64xf32> -> vector<256x64xf32>
    %add3A_421 = vector.broadcast %get3A_22 : vector<1x64xf32> to vector<256x64xf32>
    %add3A_422 = arith.addf %dot_general3A_420, %add3A_421 : vector<256x64xf32>
    %max3A_423 = arith.constant 0.000000e+00 : f32
    %max3A_424 = vector.broadcast %max3A_423 : f32 to vector<256x64xf32>
    %max3A_425 = arith.maximumf %add3A_422, %max3A_424 : vector<256x64xf32>
    %get3A_426 = arith.constant 2 : index
    %get3A_427 = arith.constant 0 : index
    %get3A_428 = arith.constant 0 : index
    %get3A_429 = vector.load %arg2[%get3A_426, %get3A_427, %get3A_428] : memref<4x256x32xf32, #tpu.memory_space<vmem>>, vector<1x256x32xf32>
    %get3A_430 = vector.shape_cast %get3A_429 : vector<1x256x32xf32> to vector<256x32xf32>
    %convert_element_type3A_431 = arith.truncf %get3A_430 : vector<256x32xf32> to vector<256x32xbf16>
    %convert_element_type3A_432 = arith.extf %convert_element_type3A_431 : vector<256x32xbf16> to vector<256x32xf32>
    %convert_element_type3A_433 = arith.truncf %max3A_425 : vector<256x64xf32> to vector<256x64xbf16>
    %convert_element_type3A_434 = arith.extf %convert_element_type3A_433 : vector<256x64xbf16> to vector<256x64xf32>
    %concatenate3A_435 = tpu.concatenate %convert_element_type3A_434, %convert_element_type3A_434, %convert_element_type3A_434, %convert_element_type3A_434, %convert_element_type3A_434, %convert_element_type3A_434, %convert_element_type3A_434, %convert_element_type3A_434, %convert_element_type3A_434, %convert_element_type3A_434, %convert_element_type3A_434, %convert_element_type3A_434, %convert_element_type3A_434, %convert_element_type3A_434, %convert_element_type3A_434, %convert_element_type3A_434, %convert_element_type3A_434, %convert_element_type3A_434, %convert_element_type3A_434, %convert_element_type3A_434, %convert_element_type3A_434, %convert_element_type3A_434, %convert_element_type3A_434, %convert_element_type3A_434, %convert_element_type3A_434, %convert_element_type3A_434, %convert_element_type3A_434, %convert_element_type3A_434, %convert_element_type3A_434, %convert_element_type3A_434, %convert_element_type3A_434, %convert_element_type3A_434 in 1 : vector<256x64xf32>, vector<256x64xf32>, vector<256x64xf32>, vector<256x64xf32>, vector<256x64xf32>, vector<256x64xf32>, vector<256x64xf32>, vector<256x64xf32>, vector<256x64xf32>, vector<256x64xf32>, vector<256x64xf32>, vector<256x64xf32>, vector<256x64xf32>, vector<256x64xf32>, vector<256x64xf32>, vector<256x64xf32>, vector<256x64xf32>, vector<256x64xf32>, vector<256x64xf32>, vector<256x64xf32>, vector<256x64xf32>, vector<256x64xf32>, vector<256x64xf32>, vector<256x64xf32>, vector<256x64xf32>, vector<256x64xf32>, vector<256x64xf32>, vector<256x64xf32>, vector<256x64xf32>, vector<256x64xf32>, vector<256x64xf32>, vector<256x64xf32> -> vector<256x2048xf32>
    %slice3A_436 = vector.extract_strided_slice %convert_element_type3A_432 {offsets = [0, 0], sizes = [256, 1], strides = [1, 1]} : vector<256x32xf32> to vector<256x1xf32>
    %broadcast_in_dim3A_437 = vector.shape_cast %slice3A_436 : vector<256x1xf32> to vector<256x1xf32>
    %broadcast_in_dim3A_438 = vector.broadcast %broadcast_in_dim3A_437 : vector<256x1xf32> to vector<256x64xf32>
    %slice3A_439 = vector.extract_strided_slice %convert_element_type3A_432 {offsets = [0, 1], sizes = [256, 1], strides = [1, 1]} : vector<256x32xf32> to vector<256x1xf32>
    %broadcast_in_dim3A_440 = vector.shape_cast %slice3A_439 : vector<256x1xf32> to vector<256x1xf32>
    %broadcast_in_dim3A_441 = vector.broadcast %broadcast_in_dim3A_440 : vector<256x1xf32> to vector<256x64xf32>
    %slice3A_442 = vector.extract_strided_slice %convert_element_type3A_432 {offsets = [0, 2], sizes = [256, 1], strides = [1, 1]} : vector<256x32xf32> to vector<256x1xf32>
    %broadcast_in_dim3A_443 = vector.shape_cast %slice3A_442 : vector<256x1xf32> to vector<256x1xf32>
    %broadcast_in_dim3A_444 = vector.broadcast %broadcast_in_dim3A_443 : vector<256x1xf32> to vector<256x64xf32>
    %slice3A_445 = vector.extract_strided_slice %convert_element_type3A_432 {offsets = [0, 3], sizes = [256, 1], strides = [1, 1]} : vector<256x32xf32> to vector<256x1xf32>
    %broadcast_in_dim3A_446 = vector.shape_cast %slice3A_445 : vector<256x1xf32> to vector<256x1xf32>
    %broadcast_in_dim3A_447 = vector.broadcast %broadcast_in_dim3A_446 : vector<256x1xf32> to vector<256x64xf32>
    %slice3A_448 = vector.extract_strided_slice %convert_element_type3A_432 {offsets = [0, 4], sizes = [256, 1], strides = [1, 1]} : vector<256x32xf32> to vector<256x1xf32>
    %broadcast_in_dim3A_449 = vector.shape_cast %slice3A_448 : vector<256x1xf32> to vector<256x1xf32>
    %broadcast_in_dim3A_450 = vector.broadcast %broadcast_in_dim3A_449 : vector<256x1xf32> to vector<256x64xf32>
    %slice3A_451 = vector.extract_strided_slice %convert_element_type3A_432 {offsets = [0, 5], sizes = [256, 1], strides = [1, 1]} : vector<256x32xf32> to vector<256x1xf32>
    %broadcast_in_dim3A_452 = vector.shape_cast %slice3A_451 : vector<256x1xf32> to vector<256x1xf32>
    %broadcast_in_dim3A_453 = vector.broadcast %broadcast_in_dim3A_452 : vector<256x1xf32> to vector<256x64xf32>
    %slice3A_454 = vector.extract_strided_slice %convert_element_type3A_432 {offsets = [0, 6], sizes = [256, 1], strides = [1, 1]} : vector<256x32xf32> to vector<256x1xf32>
    %broadcast_in_dim3A_455 = vector.shape_cast %slice3A_454 : vector<256x1xf32> to vector<256x1xf32>
    %broadcast_in_dim3A_456 = vector.broadcast %broadcast_in_dim3A_455 : vector<256x1xf32> to vector<256x64xf32>
    %slice3A_457 = vector.extract_strided_slice %convert_element_type3A_432 {offsets = [0, 7], sizes = [256, 1], strides = [1, 1]} : vector<256x32xf32> to vector<256x1xf32>
    %broadcast_in_dim3A_458 = vector.shape_cast %slice3A_457 : vector<256x1xf32> to vector<256x1xf32>
    %broadcast_in_dim3A_459 = vector.broadcast %broadcast_in_dim3A_458 : vector<256x1xf32> to vector<256x64xf32>
    %slice3A_460 = vector.extract_strided_slice %convert_element_type3A_432 {offsets = [0, 8], sizes = [256, 1], strides = [1, 1]} : vector<256x32xf32> to vector<256x1xf32>
    %broadcast_in_dim3A_461 = vector.shape_cast %slice3A_460 : vector<256x1xf32> to vector<256x1xf32>
    %broadcast_in_dim3A_462 = vector.broadcast %broadcast_in_dim3A_461 : vector<256x1xf32> to vector<256x64xf32>
    %slice3A_463 = vector.extract_strided_slice %convert_element_type3A_432 {offsets = [0, 9], sizes = [256, 1], strides = [1, 1]} : vector<256x32xf32> to vector<256x1xf32>
    %broadcast_in_dim3A_464 = vector.shape_cast %slice3A_463 : vector<256x1xf32> to vector<256x1xf32>
    %broadcast_in_dim3A_465 = vector.broadcast %broadcast_in_dim3A_464 : vector<256x1xf32> to vector<256x64xf32>
    %slice3A_466 = vector.extract_strided_slice %convert_element_type3A_432 {offsets = [0, 10], sizes = [256, 1], strides = [1, 1]} : vector<256x32xf32> to vector<256x1xf32>
    %broadcast_in_dim3A_467 = vector.shape_cast %slice3A_466 : vector<256x1xf32> to vector<256x1xf32>
    %broadcast_in_dim3A_468 = vector.broadcast %broadcast_in_dim3A_467 : vector<256x1xf32> to vector<256x64xf32>
    %slice3A_469 = vector.extract_strided_slice %convert_element_type3A_432 {offsets = [0, 11], sizes = [256, 1], strides = [1, 1]} : vector<256x32xf32> to vector<256x1xf32>
    %broadcast_in_dim3A_470 = vector.shape_cast %slice3A_469 : vector<256x1xf32> to vector<256x1xf32>
    %broadcast_in_dim3A_471 = vector.broadcast %broadcast_in_dim3A_470 : vector<256x1xf32> to vector<256x64xf32>
    %slice3A_472 = vector.extract_strided_slice %convert_element_type3A_432 {offsets = [0, 12], sizes = [256, 1], strides = [1, 1]} : vector<256x32xf32> to vector<256x1xf32>
    %broadcast_in_dim3A_473 = vector.shape_cast %slice3A_472 : vector<256x1xf32> to vector<256x1xf32>
    %broadcast_in_dim3A_474 = vector.broadcast %broadcast_in_dim3A_473 : vector<256x1xf32> to vector<256x64xf32>
    %slice3A_475 = vector.extract_strided_slice %convert_element_type3A_432 {offsets = [0, 13], sizes = [256, 1], strides = [1, 1]} : vector<256x32xf32> to vector<256x1xf32>
    %broadcast_in_dim3A_476 = vector.shape_cast %slice3A_475 : vector<256x1xf32> to vector<256x1xf32>
    %broadcast_in_dim3A_477 = vector.broadcast %broadcast_in_dim3A_476 : vector<256x1xf32> to vector<256x64xf32>
    %slice3A_478 = vector.extract_strided_slice %convert_element_type3A_432 {offsets = [0, 14], sizes = [256, 1], strides = [1, 1]} : vector<256x32xf32> to vector<256x1xf32>
    %broadcast_in_dim3A_479 = vector.shape_cast %slice3A_478 : vector<256x1xf32> to vector<256x1xf32>
    %broadcast_in_dim3A_480 = vector.broadcast %broadcast_in_dim3A_479 : vector<256x1xf32> to vector<256x64xf32>
    %slice3A_481 = vector.extract_strided_slice %convert_element_type3A_432 {offsets = [0, 15], sizes = [256, 1], strides = [1, 1]} : vector<256x32xf32> to vector<256x1xf32>
    %broadcast_in_dim3A_482 = vector.shape_cast %slice3A_481 : vector<256x1xf32> to vector<256x1xf32>
    %broadcast_in_dim3A_483 = vector.broadcast %broadcast_in_dim3A_482 : vector<256x1xf32> to vector<256x64xf32>
    %slice3A_484 = vector.extract_strided_slice %convert_element_type3A_432 {offsets = [0, 16], sizes = [256, 1], strides = [1, 1]} : vector<256x32xf32> to vector<256x1xf32>
    %broadcast_in_dim3A_485 = vector.shape_cast %slice3A_484 : vector<256x1xf32> to vector<256x1xf32>
    %broadcast_in_dim3A_486 = vector.broadcast %broadcast_in_dim3A_485 : vector<256x1xf32> to vector<256x64xf32>
    %slice3A_487 = vector.extract_strided_slice %convert_element_type3A_432 {offsets = [0, 17], sizes = [256, 1], strides = [1, 1]} : vector<256x32xf32> to vector<256x1xf32>
    %broadcast_in_dim3A_488 = vector.shape_cast %slice3A_487 : vector<256x1xf32> to vector<256x1xf32>
    %broadcast_in_dim3A_489 = vector.broadcast %broadcast_in_dim3A_488 : vector<256x1xf32> to vector<256x64xf32>
    %slice3A_490 = vector.extract_strided_slice %convert_element_type3A_432 {offsets = [0, 18], sizes = [256, 1], strides = [1, 1]} : vector<256x32xf32> to vector<256x1xf32>
    %broadcast_in_dim3A_491 = vector.shape_cast %slice3A_490 : vector<256x1xf32> to vector<256x1xf32>
    %broadcast_in_dim3A_492 = vector.broadcast %broadcast_in_dim3A_491 : vector<256x1xf32> to vector<256x64xf32>
    %slice3A_493 = vector.extract_strided_slice %convert_element_type3A_432 {offsets = [0, 19], sizes = [256, 1], strides = [1, 1]} : vector<256x32xf32> to vector<256x1xf32>
    %broadcast_in_dim3A_494 = vector.shape_cast %slice3A_493 : vector<256x1xf32> to vector<256x1xf32>
    %broadcast_in_dim3A_495 = vector.broadcast %broadcast_in_dim3A_494 : vector<256x1xf32> to vector<256x64xf32>
    %slice3A_496 = vector.extract_strided_slice %convert_element_type3A_432 {offsets = [0, 20], sizes = [256, 1], strides = [1, 1]} : vector<256x32xf32> to vector<256x1xf32>
    %broadcast_in_dim3A_497 = vector.shape_cast %slice3A_496 : vector<256x1xf32> to vector<256x1xf32>
    %broadcast_in_dim3A_498 = vector.broadcast %broadcast_in_dim3A_497 : vector<256x1xf32> to vector<256x64xf32>
    %slice3A_499 = vector.extract_strided_slice %convert_element_type3A_432 {offsets = [0, 21], sizes = [256, 1], strides = [1, 1]} : vector<256x32xf32> to vector<256x1xf32>
    %broadcast_in_dim3A_500 = vector.shape_cast %slice3A_499 : vector<256x1xf32> to vector<256x1xf32>
    %broadcast_in_dim3A_501 = vector.broadcast %broadcast_in_dim3A_500 : vector<256x1xf32> to vector<256x64xf32>
    %slice3A_502 = vector.extract_strided_slice %convert_element_type3A_432 {offsets = [0, 22], sizes = [256, 1], strides = [1, 1]} : vector<256x32xf32> to vector<256x1xf32>
    %broadcast_in_dim3A_503 = vector.shape_cast %slice3A_502 : vector<256x1xf32> to vector<256x1xf32>
    %broadcast_in_dim3A_504 = vector.broadcast %broadcast_in_dim3A_503 : vector<256x1xf32> to vector<256x64xf32>
    %slice3A_505 = vector.extract_strided_slice %convert_element_type3A_432 {offsets = [0, 23], sizes = [256, 1], strides = [1, 1]} : vector<256x32xf32> to vector<256x1xf32>
    %broadcast_in_dim3A_506 = vector.shape_cast %slice3A_505 : vector<256x1xf32> to vector<256x1xf32>
    %broadcast_in_dim3A_507 = vector.broadcast %broadcast_in_dim3A_506 : vector<256x1xf32> to vector<256x64xf32>
    %slice3A_508 = vector.extract_strided_slice %convert_element_type3A_432 {offsets = [0, 24], sizes = [256, 1], strides = [1, 1]} : vector<256x32xf32> to vector<256x1xf32>
    %broadcast_in_dim3A_509 = vector.shape_cast %slice3A_508 : vector<256x1xf32> to vector<256x1xf32>
    %broadcast_in_dim3A_510 = vector.broadcast %broadcast_in_dim3A_509 : vector<256x1xf32> to vector<256x64xf32>
    %slice3A_511 = vector.extract_strided_slice %convert_element_type3A_432 {offsets = [0, 25], sizes = [256, 1], strides = [1, 1]} : vector<256x32xf32> to vector<256x1xf32>
    %broadcast_in_dim3A_512 = vector.shape_cast %slice3A_511 : vector<256x1xf32> to vector<256x1xf32>
    %broadcast_in_dim3A_513 = vector.broadcast %broadcast_in_dim3A_512 : vector<256x1xf32> to vector<256x64xf32>
    %slice3A_514 = vector.extract_strided_slice %convert_element_type3A_432 {offsets = [0, 26], sizes = [256, 1], strides = [1, 1]} : vector<256x32xf32> to vector<256x1xf32>
    %broadcast_in_dim3A_515 = vector.shape_cast %slice3A_514 : vector<256x1xf32> to vector<256x1xf32>
    %broadcast_in_dim3A_516 = vector.broadcast %broadcast_in_dim3A_515 : vector<256x1xf32> to vector<256x64xf32>
    %slice3A_517 = vector.extract_strided_slice %convert_element_type3A_432 {offsets = [0, 27], sizes = [256, 1], strides = [1, 1]} : vector<256x32xf32> to vector<256x1xf32>
    %broadcast_in_dim3A_518 = vector.shape_cast %slice3A_517 : vector<256x1xf32> to vector<256x1xf32>
    %broadcast_in_dim3A_519 = vector.broadcast %broadcast_in_dim3A_518 : vector<256x1xf32> to vector<256x64xf32>
    %slice3A_520 = vector.extract_strided_slice %convert_element_type3A_432 {offsets = [0, 28], sizes = [256, 1], strides = [1, 1]} : vector<256x32xf32> to vector<256x1xf32>
    %broadcast_in_dim3A_521 = vector.shape_cast %slice3A_520 : vector<256x1xf32> to vector<256x1xf32>
    %broadcast_in_dim3A_522 = vector.broadcast %broadcast_in_dim3A_521 : vector<256x1xf32> to vector<256x64xf32>
    %slice3A_523 = vector.extract_strided_slice %convert_element_type3A_432 {offsets = [0, 29], sizes = [256, 1], strides = [1, 1]} : vector<256x32xf32> to vector<256x1xf32>
    %broadcast_in_dim3A_524 = vector.shape_cast %slice3A_523 : vector<256x1xf32> to vector<256x1xf32>
    %broadcast_in_dim3A_525 = vector.broadcast %broadcast_in_dim3A_524 : vector<256x1xf32> to vector<256x64xf32>
    %slice3A_526 = vector.extract_strided_slice %convert_element_type3A_432 {offsets = [0, 30], sizes = [256, 1], strides = [1, 1]} : vector<256x32xf32> to vector<256x1xf32>
    %broadcast_in_dim3A_527 = vector.shape_cast %slice3A_526 : vector<256x1xf32> to vector<256x1xf32>
    %broadcast_in_dim3A_528 = vector.broadcast %broadcast_in_dim3A_527 : vector<256x1xf32> to vector<256x64xf32>
    %slice3A_529 = vector.extract_strided_slice %convert_element_type3A_432 {offsets = [0, 31], sizes = [256, 1], strides = [1, 1]} : vector<256x32xf32> to vector<256x1xf32>
    %broadcast_in_dim3A_530 = vector.shape_cast %slice3A_529 : vector<256x1xf32> to vector<256x1xf32>
    %broadcast_in_dim3A_531 = vector.broadcast %broadcast_in_dim3A_530 : vector<256x1xf32> to vector<256x64xf32>
    %concatenate3A_532 = tpu.concatenate %broadcast_in_dim3A_438, %broadcast_in_dim3A_441, %broadcast_in_dim3A_444, %broadcast_in_dim3A_447, %broadcast_in_dim3A_450, %broadcast_in_dim3A_453, %broadcast_in_dim3A_456, %broadcast_in_dim3A_459, %broadcast_in_dim3A_462, %broadcast_in_dim3A_465, %broadcast_in_dim3A_468, %broadcast_in_dim3A_471, %broadcast_in_dim3A_474, %broadcast_in_dim3A_477, %broadcast_in_dim3A_480, %broadcast_in_dim3A_483, %broadcast_in_dim3A_486, %broadcast_in_dim3A_489, %broadcast_in_dim3A_492, %broadcast_in_dim3A_495, %broadcast_in_dim3A_498, %broadcast_in_dim3A_501, %broadcast_in_dim3A_504, %broadcast_in_dim3A_507, %broadcast_in_dim3A_510, %broadcast_in_dim3A_513, %broadcast_in_dim3A_516, %broadcast_in_dim3A_519, %broadcast_in_dim3A_522, %broadcast_in_dim3A_525, %broadcast_in_dim3A_528, %broadcast_in_dim3A_531 in 1 : vector<256x64xf32>, vector<256x64xf32>, vector<256x64xf32>, vector<256x64xf32>, vector<256x64xf32>, vector<256x64xf32>, vector<256x64xf32>, vector<256x64xf32>, vector<256x64xf32>, vector<256x64xf32>, vector<256x64xf32>, vector<256x64xf32>, vector<256x64xf32>, vector<256x64xf32>, vector<256x64xf32>, vector<256x64xf32>, vector<256x64xf32>, vector<256x64xf32>, vector<256x64xf32>, vector<256x64xf32>, vector<256x64xf32>, vector<256x64xf32>, vector<256x64xf32>, vector<256x64xf32>, vector<256x64xf32>, vector<256x64xf32>, vector<256x64xf32>, vector<256x64xf32>, vector<256x64xf32>, vector<256x64xf32>, vector<256x64xf32>, vector<256x64xf32> -> vector<256x2048xf32>
    %mul3A_533 = arith.mulf %concatenate3A_532, %concatenate3A_435 : vector<256x2048xf32>
    %reduce_sum3A_534 = arith.constant dense<0.000000e+00> : vector<2048xf32>
    %reduce_sum3A_535 = vector.multi_reduction <add>, %mul3A_533, %reduce_sum3A_534 [0] : vector<256x2048xf32> to vector<2048xf32>
    %broadcast_in_dim3A_536 = vector.shape_cast %reduce_sum3A_535 : vector<2048xf32> to vector<1x2048xf32>
    %get3A_537 = arith.constant 3 : index
    %get3A_538 = arith.constant 0 : index
    %get3A_539 = arith.constant 0 : index
    %get3A_540 = vector.load %arg0[%get3A_537, %get3A_538, %get3A_539] : memref<4x2048x8xf32, #tpu.memory_space<vmem>>, vector<1x2048x8xf32>
    %get3A_541 = vector.shape_cast %get3A_540 : vector<1x2048x8xf32> to vector<2048x8xf32>
    %reduce_sum3A_542 = arith.constant dense<0.000000e+00> : vector<8xf32>
    %reduce_sum3A_543 = vector.multi_reduction <add>, %get3A_541, %reduce_sum3A_542 [0] : vector<2048x8xf32> to vector<8xf32>
    %broadcast_in_dim3A_544 = vector.shape_cast %reduce_sum3A_543 : vector<8xf32> to vector<1x8xf32>
    %div3A_545 = arith.constant 2.048000e+03 : f32
    %div3A_546 = vector.broadcast %div3A_545 : f32 to vector<1x8xf32>
    %div3A_547 = arith.divf %broadcast_in_dim3A_544, %div3A_546 : vector<1x8xf32>
    %get3A_548 = arith.constant 3 : index
    %get3A_549 = arith.constant 0 : index
    %get3A_550 = arith.constant 0 : index
    %get3A_551 = vector.load %arg1[%get3A_548, %get3A_549, %get3A_550] : memref<4x256x8xf32, #tpu.memory_space<vmem>>, vector<1x256x8xf32>
    %get3A_552 = vector.shape_cast %get3A_551 : vector<1x256x8xf32> to vector<256x8xf32>
    %sub3A_553 = vector.broadcast %div3A_547 : vector<1x8xf32> to vector<256x8xf32>
    %sub3A_554 = arith.subf %get3A_552, %sub3A_553 : vector<256x8xf32>
    %convert_element_type3A_555 = arith.truncf %sub3A_554 : vector<256x8xf32> to vector<256x8xbf16>
    %convert_element_type3A_556 = arith.truncf %get3A_1 : vector<8x32xf32> to vector<8x32xbf16>
    %dot_general3A_557 = arith.constant dense<0.000000e+00> : vector<256x32xf32>
    %dot_general3A_558 = tpu.matmul %convert_element_type3A_555, %convert_element_type3A_556, %dot_general3A_557 {dimension_numbers = #tpu.dot_dimension_numbers<[1], [0], [0], [1], [0, 0, 1, 1], [], []>, transpose_lhs_hint = false} : vector<256x8xbf16>, vector<8x32xbf16>, vector<256x32xf32> -> vector<256x32xf32>
    %add3A_559 = vector.broadcast %get3A_13 : vector<1x32xf32> to vector<256x32xf32>
    %add3A_560 = arith.addf %dot_general3A_558, %add3A_559 : vector<256x32xf32>
    %max3A_561 = arith.constant 0.000000e+00 : f32
    %max3A_562 = vector.broadcast %max3A_561 : f32 to vector<256x32xf32>
    %max3A_563 = arith.maximumf %add3A_560, %max3A_562 : vector<256x32xf32>
    %convert_element_type3A_564 = arith.truncf %max3A_563 : vector<256x32xf32> to vector<256x32xbf16>
    %convert_element_type3A_565 = arith.truncf %get3A_4 : vector<32x64xf32> to vector<32x64xbf16>
    %dot_general3A_566 = arith.constant dense<0.000000e+00> : vector<256x64xf32>
    %dot_general3A_567 = tpu.matmul %convert_element_type3A_564, %convert_element_type3A_565, %dot_general3A_566 {dimension_numbers = #tpu.dot_dimension_numbers<[1], [0], [0], [1], [0, 0, 1, 1], [], []>, transpose_lhs_hint = false} : vector<256x32xbf16>, vector<32x64xbf16>, vector<256x64xf32> -> vector<256x64xf32>
    %add3A_568 = vector.broadcast %get3A_16 : vector<1x64xf32> to vector<256x64xf32>
    %add3A_569 = arith.addf %dot_general3A_567, %add3A_568 : vector<256x64xf32>
    %max3A_570 = arith.constant 0.000000e+00 : f32
    %max3A_571 = vector.broadcast %max3A_570 : f32 to vector<256x64xf32>
    %max3A_572 = arith.maximumf %add3A_569, %max3A_571 : vector<256x64xf32>
    %convert_element_type3A_573 = arith.truncf %max3A_572 : vector<256x64xf32> to vector<256x64xbf16>
    %convert_element_type3A_574 = arith.truncf %get3A_7 : vector<64x128xf32> to vector<64x128xbf16>
    %dot_general3A_575 = arith.constant dense<0.000000e+00> : vector<256x128xf32>
    %dot_general3A_576 = tpu.matmul %convert_element_type3A_573, %convert_element_type3A_574, %dot_general3A_575 {dimension_numbers = #tpu.dot_dimension_numbers<[1], [0], [0], [1], [0, 0, 1, 1], [], []>, transpose_lhs_hint = false} : vector<256x64xbf16>, vector<64x128xbf16>, vector<256x128xf32> -> vector<256x128xf32>
    %add3A_577 = vector.broadcast %get3A_19 : vector<1x128xf32> to vector<256x128xf32>
    %add3A_578 = arith.addf %dot_general3A_576, %add3A_577 : vector<256x128xf32>
    %max3A_579 = arith.constant 0.000000e+00 : f32
    %max3A_580 = vector.broadcast %max3A_579 : f32 to vector<256x128xf32>
    %max3A_581 = arith.maximumf %add3A_578, %max3A_580 : vector<256x128xf32>
    %convert_element_type3A_582 = arith.truncf %max3A_581 : vector<256x128xf32> to vector<256x128xbf16>
    %convert_element_type3A_583 = arith.truncf %get3A_10 : vector<128x64xf32> to vector<128x64xbf16>
    %dot_general3A_584 = arith.constant dense<0.000000e+00> : vector<256x64xf32>
    %dot_general3A_585 = tpu.matmul %convert_element_type3A_582, %convert_element_type3A_583, %dot_general3A_584 {dimension_numbers = #tpu.dot_dimension_numbers<[1], [0], [0], [1], [0, 0, 1, 1], [], []>, transpose_lhs_hint = false} : vector<256x128xbf16>, vector<128x64xbf16>, vector<256x64xf32> -> vector<256x64xf32>
    %add3A_586 = vector.broadcast %get3A_22 : vector<1x64xf32> to vector<256x64xf32>
    %add3A_587 = arith.addf %dot_general3A_585, %add3A_586 : vector<256x64xf32>
    %max3A_588 = arith.constant 0.000000e+00 : f32
    %max3A_589 = vector.broadcast %max3A_588 : f32 to vector<256x64xf32>
    %max3A_590 = arith.maximumf %add3A_587, %max3A_589 : vector<256x64xf32>
    %get3A_591 = arith.constant 3 : index
    %get3A_592 = arith.constant 0 : index
    %get3A_593 = arith.constant 0 : index
    %get3A_594 = vector.load %arg2[%get3A_591, %get3A_592, %get3A_593] : memref<4x256x32xf32, #tpu.memory_space<vmem>>, vector<1x256x32xf32>
    %get3A_595 = vector.shape_cast %get3A_594 : vector<1x256x32xf32> to vector<256x32xf32>
    %convert_element_type3A_596 = arith.truncf %get3A_595 : vector<256x32xf32> to vector<256x32xbf16>
    %convert_element_type3A_597 = arith.extf %convert_element_type3A_596 : vector<256x32xbf16> to vector<256x32xf32>
    %convert_element_type3A_598 = arith.truncf %max3A_590 : vector<256x64xf32> to vector<256x64xbf16>
    %convert_element_type3A_599 = arith.extf %convert_element_type3A_598 : vector<256x64xbf16> to vector<256x64xf32>
    %concatenate3A_600 = tpu.concatenate %convert_element_type3A_599, %convert_element_type3A_599, %convert_element_type3A_599, %convert_element_type3A_599, %convert_element_type3A_599, %convert_element_type3A_599, %convert_element_type3A_599, %convert_element_type3A_599, %convert_element_type3A_599, %convert_element_type3A_599, %convert_element_type3A_599, %convert_element_type3A_599, %convert_element_type3A_599, %convert_element_type3A_599, %convert_element_type3A_599, %convert_element_type3A_599, %convert_element_type3A_599, %convert_element_type3A_599, %convert_element_type3A_599, %convert_element_type3A_599, %convert_element_type3A_599, %convert_element_type3A_599, %convert_element_type3A_599, %convert_element_type3A_599, %convert_element_type3A_599, %convert_element_type3A_599, %convert_element_type3A_599, %convert_element_type3A_599, %convert_element_type3A_599, %convert_element_type3A_599, %convert_element_type3A_599, %convert_element_type3A_599 in 1 : vector<256x64xf32>, vector<256x64xf32>, vector<256x64xf32>, vector<256x64xf32>, vector<256x64xf32>, vector<256x64xf32>, vector<256x64xf32>, vector<256x64xf32>, vector<256x64xf32>, vector<256x64xf32>, vector<256x64xf32>, vector<256x64xf32>, vector<256x64xf32>, vector<256x64xf32>, vector<256x64xf32>, vector<256x64xf32>, vector<256x64xf32>, vector<256x64xf32>, vector<256x64xf32>, vector<256x64xf32>, vector<256x64xf32>, vector<256x64xf32>, vector<256x64xf32>, vector<256x64xf32>, vector<256x64xf32>, vector<256x64xf32>, vector<256x64xf32>, vector<256x64xf32>, vector<256x64xf32>, vector<256x64xf32>, vector<256x64xf32>, vector<256x64xf32> -> vector<256x2048xf32>
    %slice3A_601 = vector.extract_strided_slice %convert_element_type3A_597 {offsets = [0, 0], sizes = [256, 1], strides = [1, 1]} : vector<256x32xf32> to vector<256x1xf32>
    %broadcast_in_dim3A_602 = vector.shape_cast %slice3A_601 : vector<256x1xf32> to vector<256x1xf32>
    %broadcast_in_dim3A_603 = vector.broadcast %broadcast_in_dim3A_602 : vector<256x1xf32> to vector<256x64xf32>
    %slice3A_604 = vector.extract_strided_slice %convert_element_type3A_597 {offsets = [0, 1], sizes = [256, 1], strides = [1, 1]} : vector<256x32xf32> to vector<256x1xf32>
    %broadcast_in_dim3A_605 = vector.shape_cast %slice3A_604 : vector<256x1xf32> to vector<256x1xf32>
    %broadcast_in_dim3A_606 = vector.broadcast %broadcast_in_dim3A_605 : vector<256x1xf32> to vector<256x64xf32>
    %slice3A_607 = vector.extract_strided_slice %convert_element_type3A_597 {offsets = [0, 2], sizes = [256, 1], strides = [1, 1]} : vector<256x32xf32> to vector<256x1xf32>
    %broadcast_in_dim3A_608 = vector.shape_cast %slice3A_607 : vector<256x1xf32> to vector<256x1xf32>
    %broadcast_in_dim3A_609 = vector.broadcast %broadcast_in_dim3A_608 : vector<256x1xf32> to vector<256x64xf32>
    %slice3A_610 = vector.extract_strided_slice %convert_element_type3A_597 {offsets = [0, 3], sizes = [256, 1], strides = [1, 1]} : vector<256x32xf32> to vector<256x1xf32>
    %broadcast_in_dim3A_611 = vector.shape_cast %slice3A_610 : vector<256x1xf32> to vector<256x1xf32>
    %broadcast_in_dim3A_612 = vector.broadcast %broadcast_in_dim3A_611 : vector<256x1xf32> to vector<256x64xf32>
    %slice3A_613 = vector.extract_strided_slice %convert_element_type3A_597 {offsets = [0, 4], sizes = [256, 1], strides = [1, 1]} : vector<256x32xf32> to vector<256x1xf32>
    %broadcast_in_dim3A_614 = vector.shape_cast %slice3A_613 : vector<256x1xf32> to vector<256x1xf32>
    %broadcast_in_dim3A_615 = vector.broadcast %broadcast_in_dim3A_614 : vector<256x1xf32> to vector<256x64xf32>
    %slice3A_616 = vector.extract_strided_slice %convert_element_type3A_597 {offsets = [0, 5], sizes = [256, 1], strides = [1, 1]} : vector<256x32xf32> to vector<256x1xf32>
    %broadcast_in_dim3A_617 = vector.shape_cast %slice3A_616 : vector<256x1xf32> to vector<256x1xf32>
    %broadcast_in_dim3A_618 = vector.broadcast %broadcast_in_dim3A_617 : vector<256x1xf32> to vector<256x64xf32>
    %slice3A_619 = vector.extract_strided_slice %convert_element_type3A_597 {offsets = [0, 6], sizes = [256, 1], strides = [1, 1]} : vector<256x32xf32> to vector<256x1xf32>
    %broadcast_in_dim3A_620 = vector.shape_cast %slice3A_619 : vector<256x1xf32> to vector<256x1xf32>
    %broadcast_in_dim3A_621 = vector.broadcast %broadcast_in_dim3A_620 : vector<256x1xf32> to vector<256x64xf32>
    %slice3A_622 = vector.extract_strided_slice %convert_element_type3A_597 {offsets = [0, 7], sizes = [256, 1], strides = [1, 1]} : vector<256x32xf32> to vector<256x1xf32>
    %broadcast_in_dim3A_623 = vector.shape_cast %slice3A_622 : vector<256x1xf32> to vector<256x1xf32>
    %broadcast_in_dim3A_624 = vector.broadcast %broadcast_in_dim3A_623 : vector<256x1xf32> to vector<256x64xf32>
    %slice3A_625 = vector.extract_strided_slice %convert_element_type3A_597 {offsets = [0, 8], sizes = [256, 1], strides = [1, 1]} : vector<256x32xf32> to vector<256x1xf32>
    %broadcast_in_dim3A_626 = vector.shape_cast %slice3A_625 : vector<256x1xf32> to vector<256x1xf32>
    %broadcast_in_dim3A_627 = vector.broadcast %broadcast_in_dim3A_626 : vector<256x1xf32> to vector<256x64xf32>
    %slice3A_628 = vector.extract_strided_slice %convert_element_type3A_597 {offsets = [0, 9], sizes = [256, 1], strides = [1, 1]} : vector<256x32xf32> to vector<256x1xf32>
    %broadcast_in_dim3A_629 = vector.shape_cast %slice3A_628 : vector<256x1xf32> to vector<256x1xf32>
    %broadcast_in_dim3A_630 = vector.broadcast %broadcast_in_dim3A_629 : vector<256x1xf32> to vector<256x64xf32>
    %slice3A_631 = vector.extract_strided_slice %convert_element_type3A_597 {offsets = [0, 10], sizes = [256, 1], strides = [1, 1]} : vector<256x32xf32> to vector<256x1xf32>
    %broadcast_in_dim3A_632 = vector.shape_cast %slice3A_631 : vector<256x1xf32> to vector<256x1xf32>
    %broadcast_in_dim3A_633 = vector.broadcast %broadcast_in_dim3A_632 : vector<256x1xf32> to vector<256x64xf32>
    %slice3A_634 = vector.extract_strided_slice %convert_element_type3A_597 {offsets = [0, 11], sizes = [256, 1], strides = [1, 1]} : vector<256x32xf32> to vector<256x1xf32>
    %broadcast_in_dim3A_635 = vector.shape_cast %slice3A_634 : vector<256x1xf32> to vector<256x1xf32>
    %broadcast_in_dim3A_636 = vector.broadcast %broadcast_in_dim3A_635 : vector<256x1xf32> to vector<256x64xf32>
    %slice3A_637 = vector.extract_strided_slice %convert_element_type3A_597 {offsets = [0, 12], sizes = [256, 1], strides = [1, 1]} : vector<256x32xf32> to vector<256x1xf32>
    %broadcast_in_dim3A_638 = vector.shape_cast %slice3A_637 : vector<256x1xf32> to vector<256x1xf32>
    %broadcast_in_dim3A_639 = vector.broadcast %broadcast_in_dim3A_638 : vector<256x1xf32> to vector<256x64xf32>
    %slice3A_640 = vector.extract_strided_slice %convert_element_type3A_597 {offsets = [0, 13], sizes = [256, 1], strides = [1, 1]} : vector<256x32xf32> to vector<256x1xf32>
    %broadcast_in_dim3A_641 = vector.shape_cast %slice3A_640 : vector<256x1xf32> to vector<256x1xf32>
    %broadcast_in_dim3A_642 = vector.broadcast %broadcast_in_dim3A_641 : vector<256x1xf32> to vector<256x64xf32>
    %slice3A_643 = vector.extract_strided_slice %convert_element_type3A_597 {offsets = [0, 14], sizes = [256, 1], strides = [1, 1]} : vector<256x32xf32> to vector<256x1xf32>
    %broadcast_in_dim3A_644 = vector.shape_cast %slice3A_643 : vector<256x1xf32> to vector<256x1xf32>
    %broadcast_in_dim3A_645 = vector.broadcast %broadcast_in_dim3A_644 : vector<256x1xf32> to vector<256x64xf32>
    %slice3A_646 = vector.extract_strided_slice %convert_element_type3A_597 {offsets = [0, 15], sizes = [256, 1], strides = [1, 1]} : vector<256x32xf32> to vector<256x1xf32>
    %broadcast_in_dim3A_647 = vector.shape_cast %slice3A_646 : vector<256x1xf32> to vector<256x1xf32>
    %broadcast_in_dim3A_648 = vector.broadcast %broadcast_in_dim3A_647 : vector<256x1xf32> to vector<256x64xf32>
    %slice3A_649 = vector.extract_strided_slice %convert_element_type3A_597 {offsets = [0, 16], sizes = [256, 1], strides = [1, 1]} : vector<256x32xf32> to vector<256x1xf32>
    %broadcast_in_dim3A_650 = vector.shape_cast %slice3A_649 : vector<256x1xf32> to vector<256x1xf32>
    %broadcast_in_dim3A_651 = vector.broadcast %broadcast_in_dim3A_650 : vector<256x1xf32> to vector<256x64xf32>
    %slice3A_652 = vector.extract_strided_slice %convert_element_type3A_597 {offsets = [0, 17], sizes = [256, 1], strides = [1, 1]} : vector<256x32xf32> to vector<256x1xf32>
    %broadcast_in_dim3A_653 = vector.shape_cast %slice3A_652 : vector<256x1xf32> to vector<256x1xf32>
    %broadcast_in_dim3A_654 = vector.broadcast %broadcast_in_dim3A_653 : vector<256x1xf32> to vector<256x64xf32>
    %slice3A_655 = vector.extract_strided_slice %convert_element_type3A_597 {offsets = [0, 18], sizes = [256, 1], strides = [1, 1]} : vector<256x32xf32> to vector<256x1xf32>
    %broadcast_in_dim3A_656 = vector.shape_cast %slice3A_655 : vector<256x1xf32> to vector<256x1xf32>
    %broadcast_in_dim3A_657 = vector.broadcast %broadcast_in_dim3A_656 : vector<256x1xf32> to vector<256x64xf32>
    %slice3A_658 = vector.extract_strided_slice %convert_element_type3A_597 {offsets = [0, 19], sizes = [256, 1], strides = [1, 1]} : vector<256x32xf32> to vector<256x1xf32>
    %broadcast_in_dim3A_659 = vector.shape_cast %slice3A_658 : vector<256x1xf32> to vector<256x1xf32>
    %broadcast_in_dim3A_660 = vector.broadcast %broadcast_in_dim3A_659 : vector<256x1xf32> to vector<256x64xf32>
    %slice3A_661 = vector.extract_strided_slice %convert_element_type3A_597 {offsets = [0, 20], sizes = [256, 1], strides = [1, 1]} : vector<256x32xf32> to vector<256x1xf32>
    %broadcast_in_dim3A_662 = vector.shape_cast %slice3A_661 : vector<256x1xf32> to vector<256x1xf32>
    %broadcast_in_dim3A_663 = vector.broadcast %broadcast_in_dim3A_662 : vector<256x1xf32> to vector<256x64xf32>
    %slice3A_664 = vector.extract_strided_slice %convert_element_type3A_597 {offsets = [0, 21], sizes = [256, 1], strides = [1, 1]} : vector<256x32xf32> to vector<256x1xf32>
    %broadcast_in_dim3A_665 = vector.shape_cast %slice3A_664 : vector<256x1xf32> to vector<256x1xf32>
    %broadcast_in_dim3A_666 = vector.broadcast %broadcast_in_dim3A_665 : vector<256x1xf32> to vector<256x64xf32>
    %slice3A_667 = vector.extract_strided_slice %convert_element_type3A_597 {offsets = [0, 22], sizes = [256, 1], strides = [1, 1]} : vector<256x32xf32> to vector<256x1xf32>
    %broadcast_in_dim3A_668 = vector.shape_cast %slice3A_667 : vector<256x1xf32> to vector<256x1xf32>
    %broadcast_in_dim3A_669 = vector.broadcast %broadcast_in_dim3A_668 : vector<256x1xf32> to vector<256x64xf32>
    %slice3A_670 = vector.extract_strided_slice %convert_element_type3A_597 {offsets = [0, 23], sizes = [256, 1], strides = [1, 1]} : vector<256x32xf32> to vector<256x1xf32>
    %broadcast_in_dim3A_671 = vector.shape_cast %slice3A_670 : vector<256x1xf32> to vector<256x1xf32>
    %broadcast_in_dim3A_672 = vector.broadcast %broadcast_in_dim3A_671 : vector<256x1xf32> to vector<256x64xf32>
    %slice3A_673 = vector.extract_strided_slice %convert_element_type3A_597 {offsets = [0, 24], sizes = [256, 1], strides = [1, 1]} : vector<256x32xf32> to vector<256x1xf32>
    %broadcast_in_dim3A_674 = vector.shape_cast %slice3A_673 : vector<256x1xf32> to vector<256x1xf32>
    %broadcast_in_dim3A_675 = vector.broadcast %broadcast_in_dim3A_674 : vector<256x1xf32> to vector<256x64xf32>
    %slice3A_676 = vector.extract_strided_slice %convert_element_type3A_597 {offsets = [0, 25], sizes = [256, 1], strides = [1, 1]} : vector<256x32xf32> to vector<256x1xf32>
    %broadcast_in_dim3A_677 = vector.shape_cast %slice3A_676 : vector<256x1xf32> to vector<256x1xf32>
    %broadcast_in_dim3A_678 = vector.broadcast %broadcast_in_dim3A_677 : vector<256x1xf32> to vector<256x64xf32>
    %slice3A_679 = vector.extract_strided_slice %convert_element_type3A_597 {offsets = [0, 26], sizes = [256, 1], strides = [1, 1]} : vector<256x32xf32> to vector<256x1xf32>
    %broadcast_in_dim3A_680 = vector.shape_cast %slice3A_679 : vector<256x1xf32> to vector<256x1xf32>
    %broadcast_in_dim3A_681 = vector.broadcast %broadcast_in_dim3A_680 : vector<256x1xf32> to vector<256x64xf32>
    %slice3A_682 = vector.extract_strided_slice %convert_element_type3A_597 {offsets = [0, 27], sizes = [256, 1], strides = [1, 1]} : vector<256x32xf32> to vector<256x1xf32>
    %broadcast_in_dim3A_683 = vector.shape_cast %slice3A_682 : vector<256x1xf32> to vector<256x1xf32>
    %broadcast_in_dim3A_684 = vector.broadcast %broadcast_in_dim3A_683 : vector<256x1xf32> to vector<256x64xf32>
    %slice3A_685 = vector.extract_strided_slice %convert_element_type3A_597 {offsets = [0, 28], sizes = [256, 1], strides = [1, 1]} : vector<256x32xf32> to vector<256x1xf32>
    %broadcast_in_dim3A_686 = vector.shape_cast %slice3A_685 : vector<256x1xf32> to vector<256x1xf32>
    %broadcast_in_dim3A_687 = vector.broadcast %broadcast_in_dim3A_686 : vector<256x1xf32> to vector<256x64xf32>
    %slice3A_688 = vector.extract_strided_slice %convert_element_type3A_597 {offsets = [0, 29], sizes = [256, 1], strides = [1, 1]} : vector<256x32xf32> to vector<256x1xf32>
    %broadcast_in_dim3A_689 = vector.shape_cast %slice3A_688 : vector<256x1xf32> to vector<256x1xf32>
    %broadcast_in_dim3A_690 = vector.broadcast %broadcast_in_dim3A_689 : vector<256x1xf32> to vector<256x64xf32>
    %slice3A_691 = vector.extract_strided_slice %convert_element_type3A_597 {offsets = [0, 30], sizes = [256, 1], strides = [1, 1]} : vector<256x32xf32> to vector<256x1xf32>
    %broadcast_in_dim3A_692 = vector.shape_cast %slice3A_691 : vector<256x1xf32> to vector<256x1xf32>
    %broadcast_in_dim3A_693 = vector.broadcast %broadcast_in_dim3A_692 : vector<256x1xf32> to vector<256x64xf32>
    %slice3A_694 = vector.extract_strided_slice %convert_element_type3A_597 {offsets = [0, 31], sizes = [256, 1], strides = [1, 1]} : vector<256x32xf32> to vector<256x1xf32>
    %broadcast_in_dim3A_695 = vector.shape_cast %slice3A_694 : vector<256x1xf32> to vector<256x1xf32>
    %broadcast_in_dim3A_696 = vector.broadcast %broadcast_in_dim3A_695 : vector<256x1xf32> to vector<256x64xf32>
    %concatenate3A_697 = tpu.concatenate %broadcast_in_dim3A_603, %broadcast_in_dim3A_606, %broadcast_in_dim3A_609, %broadcast_in_dim3A_612, %broadcast_in_dim3A_615, %broadcast_in_dim3A_618, %broadcast_in_dim3A_621, %broadcast_in_dim3A_624, %broadcast_in_dim3A_627, %broadcast_in_dim3A_630, %broadcast_in_dim3A_633, %broadcast_in_dim3A_636, %broadcast_in_dim3A_639, %broadcast_in_dim3A_642, %broadcast_in_dim3A_645, %broadcast_in_dim3A_648, %broadcast_in_dim3A_651, %broadcast_in_dim3A_654, %broadcast_in_dim3A_657, %broadcast_in_dim3A_660, %broadcast_in_dim3A_663, %broadcast_in_dim3A_666, %broadcast_in_dim3A_669, %broadcast_in_dim3A_672, %broadcast_in_dim3A_675, %broadcast_in_dim3A_678, %broadcast_in_dim3A_681, %broadcast_in_dim3A_684, %broadcast_in_dim3A_687, %broadcast_in_dim3A_690, %broadcast_in_dim3A_693, %broadcast_in_dim3A_696 in 1 : vector<256x64xf32>, vector<256x64xf32>, vector<256x64xf32>, vector<256x64xf32>, vector<256x64xf32>, vector<256x64xf32>, vector<256x64xf32>, vector<256x64xf32>, vector<256x64xf32>, vector<256x64xf32>, vector<256x64xf32>, vector<256x64xf32>, vector<256x64xf32>, vector<256x64xf32>, vector<256x64xf32>, vector<256x64xf32>, vector<256x64xf32>, vector<256x64xf32>, vector<256x64xf32>, vector<256x64xf32>, vector<256x64xf32>, vector<256x64xf32>, vector<256x64xf32>, vector<256x64xf32>, vector<256x64xf32>, vector<256x64xf32>, vector<256x64xf32>, vector<256x64xf32>, vector<256x64xf32>, vector<256x64xf32>, vector<256x64xf32>, vector<256x64xf32> -> vector<256x2048xf32>
    %mul3A_698 = arith.mulf %concatenate3A_697, %concatenate3A_600 : vector<256x2048xf32>
    %reduce_sum3A_699 = arith.constant dense<0.000000e+00> : vector<2048xf32>
    %reduce_sum3A_700 = vector.multi_reduction <add>, %mul3A_698, %reduce_sum3A_699 [0] : vector<256x2048xf32> to vector<2048xf32>
    %broadcast_in_dim3A_701 = vector.shape_cast %reduce_sum3A_700 : vector<2048xf32> to vector<1x2048xf32>
    %concatenate3A_702 = tpu.concatenate %broadcast_in_dim3A_206, %broadcast_in_dim3A_371, %broadcast_in_dim3A_536, %broadcast_in_dim3A_701 in 0 : vector<1x2048xf32>, vector<1x2048xf32>, vector<1x2048xf32>, vector<1x2048xf32> -> vector<4x2048xf32>
    %mul3A_703 = arith.constant 3.906250e-03 : f32
    %mul3A_704 = vector.broadcast %mul3A_703 : f32 to vector<4x2048xf32>
    %mul3A_705 = arith.mulf %concatenate3A_702, %mul3A_704 : vector<4x2048xf32>
    %convert_element_type3A_706 = arith.truncf %mul3A_705 : vector<4x2048xf32> to vector<4x2048xbf16>
    %convert_element_type3A_707 = arith.truncf %get3A_25 : vector<2048x1024xf32> to vector<2048x1024xbf16>
    %dot_general3A_708 = arith.constant dense<0.000000e+00> : vector<4x1024xf32>
    %dot_general3A_709 = tpu.matmul %convert_element_type3A_706, %convert_element_type3A_707, %dot_general3A_708 {dimension_numbers = #tpu.dot_dimension_numbers<[1], [0], [0], [1], [0, 0, 1, 1], [], []>, transpose_lhs_hint = false} : vector<4x2048xbf16>, vector<2048x1024xbf16>, vector<4x1024xf32> -> vector<4x1024xf32>
    %add3A_710 = vector.broadcast %get3A_37 : vector<1x1024xf32> to vector<4x1024xf32>
    %add3A_711 = arith.addf %dot_general3A_709, %add3A_710 : vector<4x1024xf32>
    %reduce_sum3A_712 = arith.constant dense<0.000000e+00> : vector<4xf32>
    %reduce_sum3A_713 = vector.multi_reduction <add>, %add3A_711, %reduce_sum3A_712 [1] : vector<4x1024xf32> to vector<4xf32>
    %broadcast_in_dim3A_714 = vector.shape_cast %reduce_sum3A_713 : vector<4xf32> to vector<4x1xf32>
    %div3A_715 = arith.constant 1.024000e+03 : f32
    %div3A_716 = vector.broadcast %div3A_715 : f32 to vector<4x1xf32>
    %div3A_717 = arith.divf %broadcast_in_dim3A_714, %div3A_716 : vector<4x1xf32>
    %jit3A = arith.constant 0 : i32
    %reduce_sum3A_718 = arith.constant dense<0.000000e+00> : vector<4xf32>
    %reduce_sum3A_719 = vector.multi_reduction <add>, %add3A_711, %reduce_sum3A_718 [1] : vector<4x1024xf32> to vector<4xf32>
    %broadcast_in_dim3A_720 = vector.shape_cast %reduce_sum3A_719 : vector<4xf32> to vector<4x1xf32>
    %div3A_721 = arith.constant 1.024000e+03 : f32
    %div3A_722 = vector.broadcast %div3A_721 : f32 to vector<4x1xf32>
    %div3A_723 = arith.divf %broadcast_in_dim3A_720, %div3A_722 : vector<4x1xf32>
    %sub3A_724 = vector.broadcast %div3A_723 : vector<4x1xf32> to vector<4x1024xf32>
    %sub3A_725 = arith.subf %add3A_711, %sub3A_724 : vector<4x1024xf32>
    %square3A = arith.mulf %sub3A_725, %sub3A_725 : vector<4x1024xf32>
    %convert_element_type3A_726 = arith.sitofp %jit3A : i32 to f32
    %sub3A_727 = arith.constant 1.024000e+03 : f32
    %sub3A_728 = arith.subf %sub3A_727, %convert_element_type3A_726 : f32
    %reduce_sum3A_729 = arith.constant dense<0.000000e+00> : vector<4xf32>
    %reduce_sum3A_730 = vector.multi_reduction <add>, %square3A, %reduce_sum3A_729 [1] : vector<4x1024xf32> to vector<4xf32>
    %broadcast_in_dim3A_731 = vector.shape_cast %reduce_sum3A_730 : vector<4xf32> to vector<4x1xf32>
    %div3A_732 = vector.broadcast %sub3A_728 : f32 to vector<4x1xf32>
    %div3A_733 = arith.divf %broadcast_in_dim3A_731, %div3A_732 : vector<4x1xf32>
    %gt3A = arith.constant 0.000000e+00 : f32
    %gt3A_734 = arith.cmpf ogt, %sub3A_728, %gt3A : f32
    %jit3A_735 = arith.constant 0x7FC00000 : f32
    %broadcast_in_dim3A_736 = vector.broadcast %jit3A_735 : f32 to vector<4x1xf32>
    %select_n3A = arith.select %gt3A_734, %div3A_733, %broadcast_in_dim3A_736 : vector<4x1xf32>
    %sub3A_737 = vector.broadcast %div3A_717 : vector<4x1xf32> to vector<4x1024xf32>
    %sub3A_738 = arith.subf %add3A_711, %sub3A_737 : vector<4x1024xf32>
    %add3A_739 = arith.constant 9.99999974E-6 : f32
    %add3A_740 = vector.broadcast %add3A_739 : f32 to vector<4x1xf32>
    %add3A_741 = arith.addf %select_n3A, %add3A_740 : vector<4x1xf32>
    %sqrt3A = math.sqrt %add3A_741 : vector<4x1xf32>
    %div3A_742 = vector.broadcast %sqrt3A : vector<4x1xf32> to vector<4x1024xf32>
    %div3A_743 = arith.divf %sub3A_738, %div3A_742 : vector<4x1024xf32>
    %max3A_744 = arith.constant 0.000000e+00 : f32
    %max3A_745 = vector.broadcast %max3A_744 : f32 to vector<4x1024xf32>
    %max3A_746 = arith.maximumf %div3A_743, %max3A_745 : vector<4x1024xf32>
    %convert_element_type3A_747 = arith.truncf %max3A_746 : vector<4x1024xf32> to vector<4x1024xbf16>
    %convert_element_type3A_748 = arith.truncf %get3A_28 : vector<1024x512xf32> to vector<1024x512xbf16>
    %dot_general3A_749 = arith.constant dense<0.000000e+00> : vector<4x512xf32>
    %dot_general3A_750 = tpu.matmul %convert_element_type3A_747, %convert_element_type3A_748, %dot_general3A_749 {dimension_numbers = #tpu.dot_dimension_numbers<[1], [0], [0], [1], [0, 0, 1, 1], [], []>, transpose_lhs_hint = false} : vector<4x1024xbf16>, vector<1024x512xbf16>, vector<4x512xf32> -> vector<4x512xf32>
    %add3A_751 = vector.broadcast %get3A_40 : vector<1x512xf32> to vector<4x512xf32>
    %add3A_752 = arith.addf %dot_general3A_750, %add3A_751 : vector<4x512xf32>
    %reduce_sum3A_753 = arith.constant dense<0.000000e+00> : vector<4xf32>
    %reduce_sum3A_754 = vector.multi_reduction <add>, %add3A_752, %reduce_sum3A_753 [1] : vector<4x512xf32> to vector<4xf32>
    %broadcast_in_dim3A_755 = vector.shape_cast %reduce_sum3A_754 : vector<4xf32> to vector<4x1xf32>
    %div3A_756 = arith.constant 5.120000e+02 : f32
    %div3A_757 = vector.broadcast %div3A_756 : f32 to vector<4x1xf32>
    %div3A_758 = arith.divf %broadcast_in_dim3A_755, %div3A_757 : vector<4x1xf32>
    %jit3A_759 = arith.constant 0 : i32
    %reduce_sum3A_760 = arith.constant dense<0.000000e+00> : vector<4xf32>
    %reduce_sum3A_761 = vector.multi_reduction <add>, %add3A_752, %reduce_sum3A_760 [1] : vector<4x512xf32> to vector<4xf32>
    %broadcast_in_dim3A_762 = vector.shape_cast %reduce_sum3A_761 : vector<4xf32> to vector<4x1xf32>
    %div3A_763 = arith.constant 5.120000e+02 : f32
    %div3A_764 = vector.broadcast %div3A_763 : f32 to vector<4x1xf32>
    %div3A_765 = arith.divf %broadcast_in_dim3A_762, %div3A_764 : vector<4x1xf32>
    %sub3A_766 = vector.broadcast %div3A_765 : vector<4x1xf32> to vector<4x512xf32>
    %sub3A_767 = arith.subf %add3A_752, %sub3A_766 : vector<4x512xf32>
    %square3A_768 = arith.mulf %sub3A_767, %sub3A_767 : vector<4x512xf32>
    %convert_element_type3A_769 = arith.sitofp %jit3A_759 : i32 to f32
    %sub3A_770 = arith.constant 5.120000e+02 : f32
    %sub3A_771 = arith.subf %sub3A_770, %convert_element_type3A_769 : f32
    %reduce_sum3A_772 = arith.constant dense<0.000000e+00> : vector<4xf32>
    %reduce_sum3A_773 = vector.multi_reduction <add>, %square3A_768, %reduce_sum3A_772 [1] : vector<4x512xf32> to vector<4xf32>
    %broadcast_in_dim3A_774 = vector.shape_cast %reduce_sum3A_773 : vector<4xf32> to vector<4x1xf32>
    %div3A_775 = vector.broadcast %sub3A_771 : f32 to vector<4x1xf32>
    %div3A_776 = arith.divf %broadcast_in_dim3A_774, %div3A_775 : vector<4x1xf32>
    %gt3A_777 = arith.constant 0.000000e+00 : f32
    %gt3A_778 = arith.cmpf ogt, %sub3A_771, %gt3A_777 : f32
    %jit3A_779 = arith.constant 0x7FC00000 : f32
    %broadcast_in_dim3A_780 = vector.broadcast %jit3A_779 : f32 to vector<4x1xf32>
    %select_n3A_781 = arith.select %gt3A_778, %div3A_776, %broadcast_in_dim3A_780 : vector<4x1xf32>
    %sub3A_782 = vector.broadcast %div3A_758 : vector<4x1xf32> to vector<4x512xf32>
    %sub3A_783 = arith.subf %add3A_752, %sub3A_782 : vector<4x512xf32>
    %add3A_784 = arith.constant 9.99999974E-6 : f32
    %add3A_785 = vector.broadcast %add3A_784 : f32 to vector<4x1xf32>
    %add3A_786 = arith.addf %select_n3A_781, %add3A_785 : vector<4x1xf32>
    %sqrt3A_787 = math.sqrt %add3A_786 : vector<4x1xf32>
    %div3A_788 = vector.broadcast %sqrt3A_787 : vector<4x1xf32> to vector<4x512xf32>
    %div3A_789 = arith.divf %sub3A_783, %div3A_788 : vector<4x512xf32>
    %max3A_790 = arith.constant 0.000000e+00 : f32
    %max3A_791 = vector.broadcast %max3A_790 : f32 to vector<4x512xf32>
    %max3A_792 = arith.maximumf %div3A_789, %max3A_791 : vector<4x512xf32>
    %convert_element_type3A_793 = arith.truncf %max3A_792 : vector<4x512xf32> to vector<4x512xbf16>
    %convert_element_type3A_794 = arith.truncf %get3A_31 : vector<512x512xf32> to vector<512x512xbf16>
    %dot_general3A_795 = arith.constant dense<0.000000e+00> : vector<4x512xf32>
    %dot_general3A_796 = tpu.matmul %convert_element_type3A_793, %convert_element_type3A_794, %dot_general3A_795 {dimension_numbers = #tpu.dot_dimension_numbers<[1], [0], [0], [1], [0, 0, 1, 1], [], []>, transpose_lhs_hint = false} : vector<4x512xbf16>, vector<512x512xbf16>, vector<4x512xf32> -> vector<4x512xf32>
    %add3A_797 = vector.broadcast %get3A_43 : vector<1x512xf32> to vector<4x512xf32>
    %add3A_798 = arith.addf %dot_general3A_796, %add3A_797 : vector<4x512xf32>
    %reduce_sum3A_799 = arith.constant dense<0.000000e+00> : vector<4xf32>
    %reduce_sum3A_800 = vector.multi_reduction <add>, %add3A_798, %reduce_sum3A_799 [1] : vector<4x512xf32> to vector<4xf32>
    %broadcast_in_dim3A_801 = vector.shape_cast %reduce_sum3A_800 : vector<4xf32> to vector<4x1xf32>
    %div3A_802 = arith.constant 5.120000e+02 : f32
    %div3A_803 = vector.broadcast %div3A_802 : f32 to vector<4x1xf32>
    %div3A_804 = arith.divf %broadcast_in_dim3A_801, %div3A_803 : vector<4x1xf32>
    %jit3A_805 = arith.constant 0 : i32
    %reduce_sum3A_806 = arith.constant dense<0.000000e+00> : vector<4xf32>
    %reduce_sum3A_807 = vector.multi_reduction <add>, %add3A_798, %reduce_sum3A_806 [1] : vector<4x512xf32> to vector<4xf32>
    %broadcast_in_dim3A_808 = vector.shape_cast %reduce_sum3A_807 : vector<4xf32> to vector<4x1xf32>
    %div3A_809 = arith.constant 5.120000e+02 : f32
    %div3A_810 = vector.broadcast %div3A_809 : f32 to vector<4x1xf32>
    %div3A_811 = arith.divf %broadcast_in_dim3A_808, %div3A_810 : vector<4x1xf32>
    %sub3A_812 = vector.broadcast %div3A_811 : vector<4x1xf32> to vector<4x512xf32>
    %sub3A_813 = arith.subf %add3A_798, %sub3A_812 : vector<4x512xf32>
    %square3A_814 = arith.mulf %sub3A_813, %sub3A_813 : vector<4x512xf32>
    %convert_element_type3A_815 = arith.sitofp %jit3A_805 : i32 to f32
    %sub3A_816 = arith.constant 5.120000e+02 : f32
    %sub3A_817 = arith.subf %sub3A_816, %convert_element_type3A_815 : f32
    %reduce_sum3A_818 = arith.constant dense<0.000000e+00> : vector<4xf32>
    %reduce_sum3A_819 = vector.multi_reduction <add>, %square3A_814, %reduce_sum3A_818 [1] : vector<4x512xf32> to vector<4xf32>
    %broadcast_in_dim3A_820 = vector.shape_cast %reduce_sum3A_819 : vector<4xf32> to vector<4x1xf32>
    %div3A_821 = vector.broadcast %sub3A_817 : f32 to vector<4x1xf32>
    %div3A_822 = arith.divf %broadcast_in_dim3A_820, %div3A_821 : vector<4x1xf32>
    %gt3A_823 = arith.constant 0.000000e+00 : f32
    %gt3A_824 = arith.cmpf ogt, %sub3A_817, %gt3A_823 : f32
    %jit3A_825 = arith.constant 0x7FC00000 : f32
    %broadcast_in_dim3A_826 = vector.broadcast %jit3A_825 : f32 to vector<4x1xf32>
    %select_n3A_827 = arith.select %gt3A_824, %div3A_822, %broadcast_in_dim3A_826 : vector<4x1xf32>
    %sub3A_828 = vector.broadcast %div3A_804 : vector<4x1xf32> to vector<4x512xf32>
    %sub3A_829 = arith.subf %add3A_798, %sub3A_828 : vector<4x512xf32>
    %add3A_830 = arith.constant 9.99999974E-6 : f32
    %add3A_831 = vector.broadcast %add3A_830 : f32 to vector<4x1xf32>
    %add3A_832 = arith.addf %select_n3A_827, %add3A_831 : vector<4x1xf32>
    %sqrt3A_833 = math.sqrt %add3A_832 : vector<4x1xf32>
    %div3A_834 = vector.broadcast %sqrt3A_833 : vector<4x1xf32> to vector<4x512xf32>
    %div3A_835 = arith.divf %sub3A_829, %div3A_834 : vector<4x512xf32>
    %max3A_836 = arith.constant 0.000000e+00 : f32
    %max3A_837 = vector.broadcast %max3A_836 : f32 to vector<4x512xf32>
    %max3A_838 = arith.maximumf %div3A_835, %max3A_837 : vector<4x512xf32>
    %convert_element_type3A_839 = arith.truncf %max3A_838 : vector<4x512xf32> to vector<4x512xbf16>
    %convert_element_type3A_840 = arith.truncf %get3A_34 : vector<512x256xf32> to vector<512x256xbf16>
    %dot_general3A_841 = arith.constant dense<0.000000e+00> : vector<4x256xf32>
    %dot_general3A_842 = tpu.matmul %convert_element_type3A_839, %convert_element_type3A_840, %dot_general3A_841 {dimension_numbers = #tpu.dot_dimension_numbers<[1], [0], [0], [1], [0, 0, 1, 1], [], []>, transpose_lhs_hint = false} : vector<4x512xbf16>, vector<512x256xbf16>, vector<4x256xf32> -> vector<4x256xf32>
    %add3A_843 = vector.broadcast %get3A_46 : vector<1x256xf32> to vector<4x256xf32>
    %add3A_844 = arith.addf %dot_general3A_842, %add3A_843 : vector<4x256xf32>
    %convert_element_type3A_845 = arith.truncf %add3A_844 : vector<4x256xf32> to vector<4x256xbf16>
    %convert_element_type3A_846 = arith.truncf %get3A_49 : vector<256x1024xf32> to vector<256x1024xbf16>
    %dot_general3A_847 = arith.constant dense<0.000000e+00> : vector<4x1024xf32>
    %dot_general3A_848 = tpu.matmul %convert_element_type3A_845, %convert_element_type3A_846, %dot_general3A_847 {dimension_numbers = #tpu.dot_dimension_numbers<[1], [0], [0], [1], [0, 0, 1, 1], [], []>, transpose_lhs_hint = false} : vector<4x256xbf16>, vector<256x1024xbf16>, vector<4x1024xf32> -> vector<4x1024xf32>
    %add3A_849 = vector.broadcast %get3A_52 : vector<1x1024xf32> to vector<4x1024xf32>
    %add3A_850 = arith.addf %dot_general3A_848, %add3A_849 : vector<4x1024xf32>
    %swap3A = arith.constant 0 : index
    %swap3A_851 = arith.constant 0 : index
    %swap3A_852 = vector.load %arg21[%swap3A, %swap3A_851] : memref<4x1024xf32, #tpu.memory_space<vmem>>, vector<4x1024xf32>
    tpu.vector_store %arg21[%swap3A, %swap3A_851], %add3A_850 {strides = array<i32>} : memref<4x1024xf32, #tpu.memory_space<vmem>>, vector<4x1024xf32>,
    return
  }
}

module attributes {stable_mosaic.version = 14 : i64} {
  func.func @_dec_body(%arg0: i32, %arg1: i32, %arg2: memref<1x512x32xf32, #tpu.memory_space<vmem>>, %arg3: memref<1x1x1024xf32, #tpu.memory_space<vmem>>, %arg4: memref<32x1024xf32, #tpu.memory_space<vmem>>, %arg5: memref<1x1024xf32, #tpu.memory_space<vmem>>, %arg6: memref<1024x1024xf32, #tpu.memory_space<vmem>>, %arg7: memref<1x1024xf32, #tpu.memory_space<vmem>>, %arg8: memref<1024x512xf32, #tpu.memory_space<vmem>>, %arg9: memref<1x512xf32, #tpu.memory_space<vmem>>, %arg10: memref<512x512xf32, #tpu.memory_space<vmem>>, %arg11: memref<1x512xf32, #tpu.memory_space<vmem>>, %arg12: memref<512x256xf32, #tpu.memory_space<vmem>>, %arg13: memref<1x256xf32, #tpu.memory_space<vmem>>, %arg14: memref<256x256xf32, #tpu.memory_space<vmem>>, %arg15: memref<1x256xf32, #tpu.memory_space<vmem>>, %arg16: memref<256x128xf32, #tpu.memory_space<vmem>>, %arg17: memref<1x128xf32, #tpu.memory_space<vmem>>, %arg18: memref<128x3xf32, #tpu.memory_space<vmem>>, %arg19: memref<1x3xf32, #tpu.memory_space<vmem>>, %arg20: memref<1x512x3xf32, #tpu.memory_space<vmem>>) attributes {dimension_semantics = [#tpu.dimension_semantics<arbitrary>, #tpu.dimension_semantics<arbitrary>], iteration_bounds = array<i64: 4, 2>, scalar_prefetch = 0 : i64, scratch_operands = 0 : i64, tpu.core_type = #tpu.core_type<tc>, window_params = [{transform_indices = @transform_0, window_bounds = array<i64: 1, 512, 32>}, {transform_indices = @transform_1, window_bounds = array<i64: 1, 1, 1024>}, {pipeline_mode = #tpu.pipeline_mode<synchronous>, transform_indices = @transform_2, window_bounds = array<i64: 32, 1024>}, {pipeline_mode = #tpu.pipeline_mode<synchronous>, transform_indices = @transform_3, window_bounds = array<i64: 1, 1024>}, {pipeline_mode = #tpu.pipeline_mode<synchronous>, transform_indices = @transform_4, window_bounds = array<i64: 1024, 1024>}, {pipeline_mode = #tpu.pipeline_mode<synchronous>, transform_indices = @transform_5, window_bounds = array<i64: 1, 1024>}, {pipeline_mode = #tpu.pipeline_mode<synchronous>, transform_indices = @transform_6, window_bounds = array<i64: 1024, 512>}, {pipeline_mode = #tpu.pipeline_mode<synchronous>, transform_indices = @transform_7, window_bounds = array<i64: 1, 512>}, {pipeline_mode = #tpu.pipeline_mode<synchronous>, transform_indices = @transform_8, window_bounds = array<i64: 512, 512>}, {pipeline_mode = #tpu.pipeline_mode<synchronous>, transform_indices = @transform_9, window_bounds = array<i64: 1, 512>}, {pipeline_mode = #tpu.pipeline_mode<synchronous>, transform_indices = @transform_10, window_bounds = array<i64: 512, 256>}, {pipeline_mode = #tpu.pipeline_mode<synchronous>, transform_indices = @transform_11, window_bounds = array<i64: 1, 256>}, {pipeline_mode = #tpu.pipeline_mode<synchronous>, transform_indices = @transform_12, window_bounds = array<i64: 256, 256>}, {pipeline_mode = #tpu.pipeline_mode<synchronous>, transform_indices = @transform_13, window_bounds = array<i64: 1, 256>}, {pipeline_mode = #tpu.pipeline_mode<synchronous>, transform_indices = @transform_14, window_bounds = array<i64: 256, 128>}, {pipeline_mode = #tpu.pipeline_mode<synchronous>, transform_indices = @transform_15, window_bounds = array<i64: 1, 128>}, {pipeline_mode = #tpu.pipeline_mode<synchronous>, transform_indices = @transform_16, window_bounds = array<i64: 128, 3>}, {pipeline_mode = #tpu.pipeline_mode<synchronous>, transform_indices = @transform_17, window_bounds = array<i64: 1, 3>}, {transform_indices = @transform_18, window_bounds = array<i64: 1, 512, 3>}]} {
    %get3A = arith.constant 0 : index
    %get3A_0 = arith.constant 0 : index
    %get3A_1 = vector.load %arg4[%get3A, %get3A_0] : memref<32x1024xf32, #tpu.memory_space<vmem>>, vector<32x1024xf32>
    %get3A_2 = arith.constant 0 : index
    %get3A_3 = arith.constant 0 : index
    %get3A_4 = vector.load %arg6[%get3A_2, %get3A_3] : memref<1024x1024xf32, #tpu.memory_space<vmem>>, vector<1024x1024xf32>
    %get3A_5 = arith.constant 0 : index
    %get3A_6 = arith.constant 0 : index
    %get3A_7 = vector.load %arg8[%get3A_5, %get3A_6] : memref<1024x512xf32, #tpu.memory_space<vmem>>, vector<1024x512xf32>
    %get3A_8 = arith.constant 0 : index
    %get3A_9 = arith.constant 0 : index
    %get3A_10 = vector.load %arg10[%get3A_8, %get3A_9] : memref<512x512xf32, #tpu.memory_space<vmem>>, vector<512x512xf32>
    %get3A_11 = arith.constant 0 : index
    %get3A_12 = arith.constant 0 : index
    %get3A_13 = vector.load %arg12[%get3A_11, %get3A_12] : memref<512x256xf32, #tpu.memory_space<vmem>>, vector<512x256xf32>
    %get3A_14 = arith.constant 0 : index
    %get3A_15 = arith.constant 0 : index
    %get3A_16 = vector.load %arg14[%get3A_14, %get3A_15] : memref<256x256xf32, #tpu.memory_space<vmem>>, vector<256x256xf32>
    %get3A_17 = arith.constant 0 : index
    %get3A_18 = arith.constant 0 : index
    %get3A_19 = vector.load %arg16[%get3A_17, %get3A_18] : memref<256x128xf32, #tpu.memory_space<vmem>>, vector<256x128xf32>
    %get3A_20 = arith.constant 0 : index
    %get3A_21 = arith.constant 0 : index
    %get3A_22 = vector.load %arg18[%get3A_20, %get3A_21] : memref<128x3xf32, #tpu.memory_space<vmem>>, vector<128x3xf32>
    %get3A_23 = arith.constant 0 : index
    %get3A_24 = arith.constant 0 : index
    %get3A_25 = vector.load %arg7[%get3A_23, %get3A_24] : memref<1x1024xf32, #tpu.memory_space<vmem>>, vector<1x1024xf32>
    %get3A_26 = arith.constant 0 : index
    %get3A_27 = arith.constant 0 : index
    %get3A_28 = vector.load %arg9[%get3A_26, %get3A_27] : memref<1x512xf32, #tpu.memory_space<vmem>>, vector<1x512xf32>
    %get3A_29 = arith.constant 0 : index
    %get3A_30 = arith.constant 0 : index
    %get3A_31 = vector.load %arg11[%get3A_29, %get3A_30] : memref<1x512xf32, #tpu.memory_space<vmem>>, vector<1x512xf32>
    %get3A_32 = arith.constant 0 : index
    %get3A_33 = arith.constant 0 : index
    %get3A_34 = vector.load %arg13[%get3A_32, %get3A_33] : memref<1x256xf32, #tpu.memory_space<vmem>>, vector<1x256xf32>
    %get3A_35 = arith.constant 0 : index
    %get3A_36 = arith.constant 0 : index
    %get3A_37 = vector.load %arg15[%get3A_35, %get3A_36] : memref<1x256xf32, #tpu.memory_space<vmem>>, vector<1x256xf32>
    %get3A_38 = arith.constant 0 : index
    %get3A_39 = arith.constant 0 : index
    %get3A_40 = vector.load %arg17[%get3A_38, %get3A_39] : memref<1x128xf32, #tpu.memory_space<vmem>>, vector<1x128xf32>
    %get3A_41 = arith.constant 0 : index
    %get3A_42 = arith.constant 0 : index
    %get3A_43 = vector.load %arg19[%get3A_41, %get3A_42] : memref<1x3xf32, #tpu.memory_space<vmem>>, vector<1x3xf32>
    %get3A_44 = arith.constant 0 : index
    %get3A_45 = arith.constant 0 : index
    %get3A_46 = arith.constant 0 : index
    %get3A_47 = vector.load %arg2[%get3A_44, %get3A_45, %get3A_46] : memref<1x512x32xf32, #tpu.memory_space<vmem>>, vector<1x512x32xf32>
    %get3A_48 = vector.shape_cast %get3A_47 : vector<1x512x32xf32> to vector<512x32xf32>
    %convert_element_type3A = arith.truncf %get3A_48 : vector<512x32xf32> to vector<512x32xbf16>
    %convert_element_type3A_49 = arith.truncf %get3A_1 : vector<32x1024xf32> to vector<32x1024xbf16>
    %dot_general3A = arith.constant dense<0.000000e+00> : vector<512x1024xf32>
    %dot_general3A_50 = tpu.matmul %convert_element_type3A, %convert_element_type3A_49, %dot_general3A {dimension_numbers = #tpu.dot_dimension_numbers<[1], [0], [0], [1], [0, 0, 1, 1], [], []>, transpose_lhs_hint = false} : vector<512x32xbf16>, vector<32x1024xbf16>, vector<512x1024xf32> -> vector<512x1024xf32>
    %get3A_51 = arith.constant 0 : index
    %get3A_52 = arith.constant 0 : index
    %get3A_53 = arith.constant 0 : index
    %get3A_54 = vector.load %arg3[%get3A_51, %get3A_52, %get3A_53] : memref<1x1x1024xf32, #tpu.memory_space<vmem>>, vector<1x1x1024xf32>
    %get3A_55 = vector.shape_cast %get3A_54 : vector<1x1x1024xf32> to vector<1x1024xf32>
    %add3A = vector.broadcast %get3A_55 : vector<1x1024xf32> to vector<512x1024xf32>
    %add3A_56 = arith.addf %dot_general3A_50, %add3A : vector<512x1024xf32>
    %max3A = arith.constant 0.000000e+00 : f32
    %max3A_57 = vector.broadcast %max3A : f32 to vector<512x1024xf32>
    %max3A_58 = arith.maximumf %add3A_56, %max3A_57 : vector<512x1024xf32>
    %convert_element_type3A_59 = arith.truncf %max3A_58 : vector<512x1024xf32> to vector<512x1024xbf16>
    %convert_element_type3A_60 = arith.truncf %get3A_4 : vector<1024x1024xf32> to vector<1024x1024xbf16>
    %dot_general3A_61 = arith.constant dense<0.000000e+00> : vector<512x1024xf32>
    %dot_general3A_62 = tpu.matmul %convert_element_type3A_59, %convert_element_type3A_60, %dot_general3A_61 {dimension_numbers = #tpu.dot_dimension_numbers<[1], [0], [0], [1], [0, 0, 1, 1], [], []>, transpose_lhs_hint = false} : vector<512x1024xbf16>, vector<1024x1024xbf16>, vector<512x1024xf32> -> vector<512x1024xf32>
    %add3A_63 = vector.broadcast %get3A_25 : vector<1x1024xf32> to vector<512x1024xf32>
    %add3A_64 = arith.addf %dot_general3A_62, %add3A_63 : vector<512x1024xf32>
    %max3A_65 = arith.constant 0.000000e+00 : f32
    %max3A_66 = vector.broadcast %max3A_65 : f32 to vector<512x1024xf32>
    %max3A_67 = arith.maximumf %add3A_64, %max3A_66 : vector<512x1024xf32>
    %convert_element_type3A_68 = arith.truncf %max3A_67 : vector<512x1024xf32> to vector<512x1024xbf16>
    %convert_element_type3A_69 = arith.truncf %get3A_7 : vector<1024x512xf32> to vector<1024x512xbf16>
    %dot_general3A_70 = arith.constant dense<0.000000e+00> : vector<512x512xf32>
    %dot_general3A_71 = tpu.matmul %convert_element_type3A_68, %convert_element_type3A_69, %dot_general3A_70 {dimension_numbers = #tpu.dot_dimension_numbers<[1], [0], [0], [1], [0, 0, 1, 1], [], []>, transpose_lhs_hint = false} : vector<512x1024xbf16>, vector<1024x512xbf16>, vector<512x512xf32> -> vector<512x512xf32>
    %add3A_72 = vector.broadcast %get3A_28 : vector<1x512xf32> to vector<512x512xf32>
    %add3A_73 = arith.addf %dot_general3A_71, %add3A_72 : vector<512x512xf32>
    %max3A_74 = arith.constant 0.000000e+00 : f32
    %max3A_75 = vector.broadcast %max3A_74 : f32 to vector<512x512xf32>
    %max3A_76 = arith.maximumf %add3A_73, %max3A_75 : vector<512x512xf32>
    %convert_element_type3A_77 = arith.truncf %max3A_76 : vector<512x512xf32> to vector<512x512xbf16>
    %convert_element_type3A_78 = arith.truncf %get3A_10 : vector<512x512xf32> to vector<512x512xbf16>
    %dot_general3A_79 = arith.constant dense<0.000000e+00> : vector<512x512xf32>
    %dot_general3A_80 = tpu.matmul %convert_element_type3A_77, %convert_element_type3A_78, %dot_general3A_79 {dimension_numbers = #tpu.dot_dimension_numbers<[1], [0], [0], [1], [0, 0, 1, 1], [], []>, transpose_lhs_hint = false} : vector<512x512xbf16>, vector<512x512xbf16>, vector<512x512xf32> -> vector<512x512xf32>
    %add3A_81 = vector.broadcast %get3A_31 : vector<1x512xf32> to vector<512x512xf32>
    %add3A_82 = arith.addf %dot_general3A_80, %add3A_81 : vector<512x512xf32>
    %max3A_83 = arith.constant 0.000000e+00 : f32
    %max3A_84 = vector.broadcast %max3A_83 : f32 to vector<512x512xf32>
    %max3A_85 = arith.maximumf %add3A_82, %max3A_84 : vector<512x512xf32>
    %convert_element_type3A_86 = arith.truncf %max3A_85 : vector<512x512xf32> to vector<512x512xbf16>
    %convert_element_type3A_87 = arith.truncf %get3A_13 : vector<512x256xf32> to vector<512x256xbf16>
    %dot_general3A_88 = arith.constant dense<0.000000e+00> : vector<512x256xf32>
    %dot_general3A_89 = tpu.matmul %convert_element_type3A_86, %convert_element_type3A_87, %dot_general3A_88 {dimension_numbers = #tpu.dot_dimension_numbers<[1], [0], [0], [1], [0, 0, 1, 1], [], []>, transpose_lhs_hint = false} : vector<512x512xbf16>, vector<512x256xbf16>, vector<512x256xf32> -> vector<512x256xf32>
    %add3A_90 = vector.broadcast %get3A_34 : vector<1x256xf32> to vector<512x256xf32>
    %add3A_91 = arith.addf %dot_general3A_89, %add3A_90 : vector<512x256xf32>
    %max3A_92 = arith.constant 0.000000e+00 : f32
    %max3A_93 = vector.broadcast %max3A_92 : f32 to vector<512x256xf32>
    %max3A_94 = arith.maximumf %add3A_91, %max3A_93 : vector<512x256xf32>
    %convert_element_type3A_95 = arith.truncf %max3A_94 : vector<512x256xf32> to vector<512x256xbf16>
    %convert_element_type3A_96 = arith.truncf %get3A_16 : vector<256x256xf32> to vector<256x256xbf16>
    %dot_general3A_97 = arith.constant dense<0.000000e+00> : vector<512x256xf32>
    %dot_general3A_98 = tpu.matmul %convert_element_type3A_95, %convert_element_type3A_96, %dot_general3A_97 {dimension_numbers = #tpu.dot_dimension_numbers<[1], [0], [0], [1], [0, 0, 1, 1], [], []>, transpose_lhs_hint = false} : vector<512x256xbf16>, vector<256x256xbf16>, vector<512x256xf32> -> vector<512x256xf32>
    %add3A_99 = vector.broadcast %get3A_37 : vector<1x256xf32> to vector<512x256xf32>
    %add3A_100 = arith.addf %dot_general3A_98, %add3A_99 : vector<512x256xf32>
    %max3A_101 = arith.constant 0.000000e+00 : f32
    %max3A_102 = vector.broadcast %max3A_101 : f32 to vector<512x256xf32>
    %max3A_103 = arith.maximumf %add3A_100, %max3A_102 : vector<512x256xf32>
    %convert_element_type3A_104 = arith.truncf %max3A_103 : vector<512x256xf32> to vector<512x256xbf16>
    %convert_element_type3A_105 = arith.truncf %get3A_19 : vector<256x128xf32> to vector<256x128xbf16>
    %dot_general3A_106 = arith.constant dense<0.000000e+00> : vector<512x128xf32>
    %dot_general3A_107 = tpu.matmul %convert_element_type3A_104, %convert_element_type3A_105, %dot_general3A_106 {dimension_numbers = #tpu.dot_dimension_numbers<[1], [0], [0], [1], [0, 0, 1, 1], [], []>, transpose_lhs_hint = false} : vector<512x256xbf16>, vector<256x128xbf16>, vector<512x128xf32> -> vector<512x128xf32>
    %add3A_108 = vector.broadcast %get3A_40 : vector<1x128xf32> to vector<512x128xf32>
    %add3A_109 = arith.addf %dot_general3A_107, %add3A_108 : vector<512x128xf32>
    %max3A_110 = arith.constant 0.000000e+00 : f32
    %max3A_111 = vector.broadcast %max3A_110 : f32 to vector<512x128xf32>
    %max3A_112 = arith.maximumf %add3A_109, %max3A_111 : vector<512x128xf32>
    %convert_element_type3A_113 = arith.truncf %max3A_112 : vector<512x128xf32> to vector<512x128xbf16>
    %convert_element_type3A_114 = arith.truncf %get3A_22 : vector<128x3xf32> to vector<128x3xbf16>
    %dot_general3A_115 = arith.constant dense<0.000000e+00> : vector<512x3xf32>
    %dot_general3A_116 = tpu.matmul %convert_element_type3A_113, %convert_element_type3A_114, %dot_general3A_115 {dimension_numbers = #tpu.dot_dimension_numbers<[1], [0], [0], [1], [0, 0, 1, 1], [], []>, transpose_lhs_hint = false} : vector<512x128xbf16>, vector<128x3xbf16>, vector<512x3xf32> -> vector<512x3xf32>
    %add3A_117 = vector.broadcast %get3A_43 : vector<1x3xf32> to vector<512x3xf32>
    %add3A_118 = arith.addf %dot_general3A_116, %add3A_117 : vector<512x3xf32>
    %swap3A = arith.constant 0 : index
    %swap3A_119 = arith.constant 0 : index
    %swap3A_120 = arith.constant 0 : index
    %swap3A_121 = vector.load %arg20[%swap3A, %swap3A_119, %swap3A_120] : memref<1x512x3xf32, #tpu.memory_space<vmem>>, vector<1x512x3xf32>
    %swap3A_122 = vector.shape_cast %swap3A_121 : vector<1x512x3xf32> to vector<512x3xf32>
    %swap3A_123 = vector.shape_cast %add3A_118 : vector<512x3xf32> to vector<1x512x3xf32>
    tpu.vector_store %arg20[%swap3A, %swap3A_119, %swap3A_120], %swap3A_123 {strides = array<i32>} : memref<1x512x3xf32, #tpu.memory_space<vmem>>, vector<1x512x3xf32>,
    return
  }
  func.func @transform_0(%arg0: i32, %arg1: i32) -> (i32, i32, i32) {
    %c0_i32 = arith.constant 0 : i32
    %c0_i32_0 = arith.constant 0 : i32
    return %arg0, %arg1, %c0_i32 : i32, i32, i32
  }
  func.func @transform_1(%arg0: i32, %arg1: i32) -> (i32, i32, i32) {
    %c0_i32 = arith.constant 0 : i32
    %c0_i32_0 = arith.constant 0 : i32
    %c0_i32_1 = arith.constant 0 : i32
    return %arg0, %c0_i32, %c0_i32_0 : i32, i32, i32
  }
  func.func @transform_2(%arg0: i32, %arg1: i32) -> (i32, i32) {
    %c0_i32 = arith.constant 0 : i32
    %c0_i32_0 = arith.constant 0 : i32
    %c0_i32_1 = arith.constant 0 : i32
    return %c0_i32, %c0_i32_0 : i32, i32
  }
  func.func @transform_3(%arg0: i32, %arg1: i32) -> (i32, i32) {
    %c0_i32 = arith.constant 0 : i32
    %c0_i32_0 = arith.constant 0 : i32
    %c0_i32_1 = arith.constant 0 : i32
    return %c0_i32, %c0_i32_0 : i32, i32
  }
  func.func @transform_4(%arg0: i32, %arg1: i32) -> (i32, i32) {
    %c0_i32 = arith.constant 0 : i32
    %c0_i32_0 = arith.constant 0 : i32
    %c0_i32_1 = arith.constant 0 : i32
    return %c0_i32, %c0_i32_0 : i32, i32
  }
  func.func @transform_5(%arg0: i32, %arg1: i32) -> (i32, i32) {
    %c0_i32 = arith.constant 0 : i32
    %c0_i32_0 = arith.constant 0 : i32
    %c0_i32_1 = arith.constant 0 : i32
    return %c0_i32, %c0_i32_0 : i32, i32
  }
  func.func @transform_6(%arg0: i32, %arg1: i32) -> (i32, i32) {
    %c0_i32 = arith.constant 0 : i32
    %c0_i32_0 = arith.constant 0 : i32
    %c0_i32_1 = arith.constant 0 : i32
    return %c0_i32, %c0_i32_0 : i32, i32
  }
  func.func @transform_7(%arg0: i32, %arg1: i32) -> (i32, i32) {
    %c0_i32 = arith.constant 0 : i32
    %c0_i32_0 = arith.constant 0 : i32
    %c0_i32_1 = arith.constant 0 : i32
    return %c0_i32, %c0_i32_0 : i32, i32
  }
  func.func @transform_8(%arg0: i32, %arg1: i32) -> (i32, i32) {
    %c0_i32 = arith.constant 0 : i32
    %c0_i32_0 = arith.constant 0 : i32
    %c0_i32_1 = arith.constant 0 : i32
    return %c0_i32, %c0_i32_0 : i32, i32
  }
  func.func @transform_9(%arg0: i32, %arg1: i32) -> (i32, i32) {
    %c0_i32 = arith.constant 0 : i32
    %c0_i32_0 = arith.constant 0 : i32
    %c0_i32_1 = arith.constant 0 : i32
    return %c0_i32, %c0_i32_0 : i32, i32
  }
  func.func @transform_10(%arg0: i32, %arg1: i32) -> (i32, i32) {
    %c0_i32 = arith.constant 0 : i32
    %c0_i32_0 = arith.constant 0 : i32
    %c0_i32_1 = arith.constant 0 : i32
    return %c0_i32, %c0_i32_0 : i32, i32
  }
  func.func @transform_11(%arg0: i32, %arg1: i32) -> (i32, i32) {
    %c0_i32 = arith.constant 0 : i32
    %c0_i32_0 = arith.constant 0 : i32
    %c0_i32_1 = arith.constant 0 : i32
    return %c0_i32, %c0_i32_0 : i32, i32
  }
  func.func @transform_12(%arg0: i32, %arg1: i32) -> (i32, i32) {
    %c0_i32 = arith.constant 0 : i32
    %c0_i32_0 = arith.constant 0 : i32
    %c0_i32_1 = arith.constant 0 : i32
    return %c0_i32, %c0_i32_0 : i32, i32
  }
  func.func @transform_13(%arg0: i32, %arg1: i32) -> (i32, i32) {
    %c0_i32 = arith.constant 0 : i32
    %c0_i32_0 = arith.constant 0 : i32
    %c0_i32_1 = arith.constant 0 : i32
    return %c0_i32, %c0_i32_0 : i32, i32
  }
  func.func @transform_14(%arg0: i32, %arg1: i32) -> (i32, i32) {
    %c0_i32 = arith.constant 0 : i32
    %c0_i32_0 = arith.constant 0 : i32
    %c0_i32_1 = arith.constant 0 : i32
    return %c0_i32, %c0_i32_0 : i32, i32
  }
  func.func @transform_15(%arg0: i32, %arg1: i32) -> (i32, i32) {
    %c0_i32 = arith.constant 0 : i32
    %c0_i32_0 = arith.constant 0 : i32
    %c0_i32_1 = arith.constant 0 : i32
    return %c0_i32, %c0_i32_0 : i32, i32
  }
  func.func @transform_16(%arg0: i32, %arg1: i32) -> (i32, i32) {
    %c0_i32 = arith.constant 0 : i32
    %c0_i32_0 = arith.constant 0 : i32
    %c0_i32_1 = arith.constant 0 : i32
    return %c0_i32, %c0_i32_0 : i32, i32
  }
  func.func @transform_17(%arg0: i32, %arg1: i32) -> (i32, i32) {
    %c0_i32 = arith.constant 0 : i32
    %c0_i32_0 = arith.constant 0 : i32
    %c0_i32_1 = arith.constant 0 : i32
    return %c0_i32, %c0_i32_0 : i32, i32
  }
  func.func @transform_18(%arg0: i32, %arg1: i32) -> (i32, i32, i32) {
    %c0_i32 = arith.constant 0 : i32
    %c0_i32_0 = arith.constant 0 : i32
    return %arg0, %arg1, %c0_i32 : i32, i32, i32
  }
}

</mosaic_0001>

<sc_bundles>
// kernel: kernel.12.cloned.1.call-start
scs
__scs_entry_jumppad:
0x0: {  	(pc) =	sbr.rel $0x88, $3  }
0x1: {  	(tag) =	ssettag $0x0;
	lr =	simm.s32 $0x1  }
0x2: {  	[smem:$0x3F62] =	sst lr;
	_ =	strace $0xD0000000  }
0x3: {  	_ = 	snop  }
0x4: {  	_ = 	snop  }
0x5: {  	_ = 	snop  }
0x6: {  	_ = 	snop  }
0x7: {  	_ = 	snop  }
__scs_overlays_trampoline_lowered:
0x8: {  	[smem:$0x3F71] =	sst s0  }
0x9: {  	[smem:$0x3F72] =	sst s1  }
0xa: {  	[smem:$0x3F73] =	sst s2  }
0xb: {  	[smem:$0x3F74] =	sst s3  }
0xc: {  	[smem:$0x3F75] =	sst s4  }
0xd: {  	[smem:$0x3F76] =	sst s5  }
0xe: {  	[smem:$0x3F77] =	sst s6  }
0xf: {  	[smem:$0x3F78] =	sst s7  }
0x10: {  	[smem:$0x3F79] =	sst s8  }
0x11: {  	[smem:$0x3F7A] =	sst s9;
	s0 =	simm.s32 @!p0 $0x0  }
0x12: {  	s1 =	sld [smem:$0x3F60];
	s0 =	simm.s32 @p0 $0x1  }
0x13: {  	[smem:$0x3F7B] =	sst s0;
	s0 =	simm.s32 @!p1 $0x0  }
0x14: {  	s2 =	sld [smem:$0x3F5F];
	s0 =	simm.s32 @p1 $0x1  }
0x15: {  	[smem:$0x3F7C] =	sst s0;
	s0 =	simm.s32 @!p2 $0x0  }
0x16: {  	s3 =	sld [smem:$0x3FDB];
	s0 =	simm.s32 @p2 $0x1  }
0x17: {  	s4 =	simm.s32 $0x1BF5;
	[smem:$0x3F7E] =	sst s0  }
0x18: {  	s0 =	sld [smem:$0x3F61];
	_ =	swait.ge [sflag:s4], $0x0  }
0x19: {  	s7 =	sld [smem:$0x3F62]  }
0x1a: {  	s8 =	sadd.s32 $0xFFFFE003, lr  }
0x1b: {  	s9 =	sadd.s32 $0xFFFFFEF7, lr;
	s5 =	simm.s32 $0xFFFFFFFF;
	p2 =	slt.u32 s8, $0xFFFFF086  }
0x1c: {  	p1 =	slt.u32 s9, $0xF7A;
	s5 =	simm.s32 @!p2 $0x0  }
0x1d: {  	s5 =	simm.s32 @p1 $0x1;
	p0 =	seq.s32 s7, s2  }
0x1e: {  	s7 =	smul.u32 @!p0 $0xF7A, s2;
	p2 =	seq.s32 @!p0 s5, $0x0  }
0x1f: {  	s9 =	smul.u32 $0xF7A, s1;
	s8 =	simm.s32 @!p0 $0x1BF5;
	p2 =	por !p2, p0  }
0x20: {  	[sflag:s8] =	ssyncset.s32 @!p0 $0xFFFFF086;
	s6 =	sadd.s32 @!p0 s3, s7;
	s7 =	simm.s32 @!p0 $0x108  }
0x21: {  	s3 =	sadd.s32 s3, s9;
	s6 =	sadd.s32 @!p0 $0x88, s6;
	s7 =	simm.s32 @p2 $0x1082  }
0x22: {  	[simem:s7], [sflag:s8] =	dma.local @!p0 [hbm:s6], $0xF7A  }
0x23: {  	s9 =	sor.u32 $0xD0000000, s2;
	s6 =	simm.s32 $0x108;
	_ =	swait.ge @!p0 [sflag:s8], $0x0  }
0x24: {  	s3 =	sadd.s32 $0x88, s3;
	s6 =	simm.s32 @!p1 $0x1082;
	[sflag:s4] =	ssyncset.s32 $0xFFFFF086  }
0x25: {  	[simem:s6], [sflag:s4] =	dma.local [hbm:s3], $0xF7A  }
0x26: {  	[smem:$0x3F62] =	sst s1;
	(tag) =	ssettag s2;
	_ =	strace s9  }
0x27: {  	s1 =	sld [smem:$0x3F72]  }
0x28: {  	s2 =	sld [smem:$0x3F73]  }
0x29: {  	s4 =	sld [smem:$0x3F75]  }
0x2a: {  	p0 =	seq.s32 s5, $0x0;
	s5 =	sld [smem:$0x3F76]  }
0x2b: {  	s6 =	sld [smem:$0x3F77]  }
0x2c: {  	s7 =	sld [smem:$0x3F78]  }
0x2d: {  	s3 =	simm.s32 $0x108;
	s8 =	sld [smem:$0x3F79]  }
0x2e: {  	s3 =	simm.s32 @!p0 $0x1082;
	s9 =	sld [smem:$0x3F7A]  }
0x2f: {  	lr =	sadd.s32 s0, s3;
	s0 =	sld [smem:$0x3F71]  }
0x30: {  	s3 =	sld [smem:$0x3F74]  }
0x31: {  	[smem:$0x3F7D] =	sst s10  }
0x32: {  	s10 =	sld [smem:$0x3F7B];
	_ =	sdelay $0x3  }
0x33: {  	p0 =	seq.s32 s10, $0x1;
	s10 =	sld [smem:$0x3F7D];
	_ =	sdelay $0x3  }
0x34: {  	[smem:$0x3F7D] =	sst s10  }
0x35: {  	s10 =	sld [smem:$0x3F7C];
	_ =	sdelay $0x3  }
0x36: {  	p1 =	seq.s32 s10, $0x1;
	s10 =	sld [smem:$0x3F7D];
	_ =	sdelay $0x3  }
0x37: {  	[smem:$0x3F7D] =	sst s10  }
0x38: {  	s10 =	sld [smem:$0x3F7E]  }
0x39: {  	_ = 	snop;
	(pc) =	sbr.ind lr, $3  }
0x3a: {  	_ = 	snop  }
0x3b: {  	_ = 	snop  }
0x3c: {  	p2 =	seq.s32 s10, $0x1;
	s10 =	sld [smem:$0x3F7D]  }
0x3d: {  	_ =	shalt  }
0x3e: {  	_ =	shalt  }
0x3f: {  	_ =	shalt  }
0x40: {  	_ =	shalt  }
0x41: {  	_ =	shalt  }
0x42: {  	_ =	shalt  }
0x43: {  	_ =	shalt  }
0x44: {  	_ =	shalt  }
0x45: {  	_ =	shalt  }
0x46: {  	_ =	shalt  }
0x47: {  	_ =	shalt  }
0x48: {  	_ =	shalt  }
0x49: {  	_ =	shalt  }
0x4a: {  	_ =	shalt  }
0x4b: {  	_ =	shalt  }
0x4c: {  	_ =	shalt  }
0x4d: {  	_ =	shalt  }
0x4e: {  	_ =	shalt  }
0x4f: {  	_ =	shalt  }
0x50: {  	_ =	shalt  }
0x51: {  	_ =	shalt  }
0x52: {  	_ =	shalt  }
0x53: {  	_ =	shalt  }
0x54: {  	_ =	shalt  }
0x55: {  	_ =	shalt  }
0x56: {  	_ =	shalt  }
0x57: {  	_ =	shalt  }
0x58: {  	_ =	shalt  }
0x59: {  	_ =	shalt  }
0x5a: {  	_ =	shalt  }
0x5b: {  	_ =	shalt  }
0x5c: {  	_ =	shalt  }
0x5d: {  	_ =	shalt  }
0x5e: {  	_ =	shalt  }
0x5f: {  	_ =	shalt  }
0x60: {  	_ =	shalt  }
0x61: {  	_ =	shalt  }
0x62: {  	_ =	shalt  }
0x63: {  	_ =	shalt  }
0x64: {  	_ =	shalt  }
0x65: {  	_ =	shalt  }
0x66: {  	_ =	shalt  }
0x67: {  	_ =	shalt  }
0x68: {  	_ =	shalt  }
0x69: {  	_ =	shalt  }
0x6a: {  	_ =	shalt  }
0x6b: {  	_ =	shalt  }
0x6c: {  	_ =	shalt  }
0x6d: {  	_ =	shalt  }
0x6e: {  	_ =	shalt  }
0x6f: {  	_ =	shalt  }
0x70: {  	_ =	shalt  }
0x71: {  	_ =	shalt  }
0x72: {  	_ =	shalt  }
0x73: {  	_ =	shalt  }
0x74: {  	_ =	shalt  }
0x75: {  	_ =	shalt  }
0x76: {  	_ =	shalt  }
0x77: {  	_ =	shalt  }
0x78: {  	_ =	shalt  }
0x79: {  	_ =	shalt  }
0x7a: {  	_ =	shalt  }
0x7b: {  	_ =	shalt  }
0x7c: {  	_ =	shalt  }
0x7d: {  	_ =	shalt  }
0x7e: {  	_ =	shalt  }
0x7f: {  	_ =	shalt  }
0x80: {  	_ =	shalt  }
0x81: {  	_ =	shalt  }
0x82: {  	_ =	shalt  }
0x83: {  	_ =	shalt  }
0x84: {  	_ =	shalt  }
0x85: {  	_ =	shalt  }
0x86: {  	_ =	shalt  }
0x87: {  	_ =	shalt  }
.Lfunc_end0:
.L_simem_size_0:
called_computation.1_lowered:
.L_overlay_start_0:
0x88: {  	s2 =	sld [smem:$0x3FD9]  }
0x89: {  	s3 =	sld [smem:$0x3FFE];
	_ =	sdelay $0x1  }
0x8a: {  	s1 =	srdreg.scid  }
0x8b: {  	s0 =	sand.u32 $0x1, s1  }
0x8c: {  	s16 =	sshll.u32 s0, $0xA;
	s2 =	sadd.s32 s3, s2  }
0x8d: {  	s2 =	sadd.s32 s2, s16  }
0x8e: {  	[smem:$0x3F89] =	sst s2  }
0x8f: {  	_ = 	snop  }
0x90: {  	(tm) =	ssettm $0x1  }
0x91: {  	s17 =	sld [smem:$0x3FFB];
	_ =	sdelay $0x3  }
0x92: {  	_ =	strace s17  }
0x93: {  	s2 =	sld [smem:$0x3FFC];
	_ =	sdelay $0x3  }
0x94: {  	_ =	strace s2  }
0x95: {  	s2 =	sld [smem:$0x3FFD];
	_ =	sdelay $0x3  }
0x96: {  	_ =	strace s2  }
0x97: {  	_ =	strace $0x8FFFFFFF  }
0x98: {  	s18 =	sld [smem:$0x3FDB];
	_ =	sdelay $0x1  }
0x99: {  	s19 =	simm.s32 $_scs_section_size  }
0x9a: {  	s4 =	simm.s32 $_size__tile_overlayer_lowered;
	s5 =	simm.s32 $_tile_overlayer_lowered  }
0x9b: {  	s22 =	simm.s32 $0x1BFF;
	s21 =	sshll.u32 s5, $0x1;
	s2 =	sadd.s32 s19, s18  }
0x9c: {  	s6 =	simm.s32 $0x0;
	s20 =	sshll.u32 s4, $0x1;
	s4 =	sadd.s32 s21, s2  }
0x9d: {  	[timem:s6], [sflag:s22] =	dma.local [hbm:s4], s20  }
0x9e: {  	_ =	swait.ge [sflag:s22], s20  }
0x9f: {  	s3 =	ssub.s32 $0x0, s20;
	[sflag:s22] =	ssyncset.done $0x0  }
0xa0: {  	[sflag:s22] =	ssyncadd.s32 s3;
	_ =	sdelay $0x1  }
0xa1: {  	s23 =	simm.s32 $0x1B8B  }
0xa2: {  	_ =	swait.ge [sflag:s23], $0x1  }
0xa3: {  	[sflag:s23] =	ssyncset.done $0x0  }
0xa4: {  	s25 =	simm.s32 $0x1B8E;
	s24 =	sld [smem:$0x3FFE];
	[sflag:s23] =	ssyncadd.s32 $0xFFFFFFFF  }
0xa5: {  	s26 =	simm.s32 $execute0_lowered;
	[smem:$0x3FD2] =	sst s25  }
0xa6: {  	s4 =	sshll.u32 s26, $0x1;
	_ =	strace $0x80000049;
	[dreg:$0x1] =	wrdreg $0xFFFFFFFF  }
0xa7: {  	s28 =	simm.s32 $_size_execute0_lowered;
	s2 =	sadd.s32 s2, s4;
	[dreg:$0x0] =	wrdreg $0x0  }
0xa8: {  	s4 =	sshll.u32 s28, $0x1;
	[dreg:$0x2] =	wrdreg s2  }
0xa9: {  	[dreg:$0x3] =	wrdreg s4  }
0xaa: {  	[dreg:$0x4] =	wrdreg $0xC0  }
0xab: {  	_ =	task [dreg:s6], $0x5FFFF  }
0xac: {  	[dreg:$0x1] =	wrdreg $0xFFFFFFFF  }
0xad: {  	[dreg:$0x0] =	wrdreg $0x60  }
0xae: {  	[dreg:$0x2] =	wrdreg s24  }
0xaf: {  	[dreg:$0x3] =	wrdreg $0x9  }
0xb0: {  	_ =	task.clear_ibuf [dreg:s6], $0x4FFFF;
	_ =	strace $0x90000049  }
0xb1: {  	s29 =	simm.s32 $0x9;
	_ =	strace $0x8000004B  }
0xb2: {  	_ =	swait.ge [sflag:s29], $0x1  }
0xb3: {  	[sflag:s29] =	ssyncadd.s32 $0xFFFFFFFF  }
0xb4: {  	_ =	strace $0x9000004B  }
0xb5: {  	_ =	sfence  }
0xb6: {  	s30 =	sld [smem:$0x0];
	_ =	sdelay $0x2  }
0xb7: {  	s31 =	sshll.u32 s1, $0xD;
	s1 =	sshrl.u32 s1, $0x2  }
0xb8: {  	s3 =	sand.u32 $0x4000, s31;
	s1 =	sadd.s32 s1, s30  }
0xb9: {  	s0 =	sor.u32 s3, s0;
	s1 =	sshll.u32 s1, $0x11  }
0xba: {  	s0 =	sor.u32 s1, s0  }
0xbb: {  	s0 =	sadd.s32 $0x8F2B, s0  }
0xbc: {  	[sflag:s0] =	ssyncadd.remote.s32 $0x1  }
0xbd: {  	_ =	sfence.sel $0xFFFF  }
0xbe: {  	[dreg:$0x0] =	wrdreg $0xFFFFFFFF;
	(pc) =	sbr.abs _section_cstart, $3  }
0xbf: {  	[dreg:$0x1] =	wrdreg $0xFFFFFFFF  }
0xc0: {  	_ =	task.clear_ibuf [dreg:s6], $0x2FFFF;
	_ =	strace $0x9FFFFFFF  }
0xc1: {  	(tm) =	ssettm $0x7FFFFFFF  }
tec
execute0_lowered:
.L_overlay_start_1:
0x0: {  	(tag) =	ssettag $0x1  }
0x1: {  	s1 =	srdreg.scid  }
0x2: {  	s0 =	stileid.u32;
	s6 =	sand.u32 $0x1, s1  }
0x3: {  	s8 =	rddreg [dreg:$0x0];
	s30 =	sshll.u32 s0, $0xB;
	s2 =	sshll.u32 s6, $0xA  }
0x4: {  	s7 =	simm.s32 $0x1;
	s1 =	rddreg [dreg:$0x1];
	s9 =	sor.u32 s2, s30  }
0x5: {  	s5 =	sadd.s32 $0x9200, s8;
	s2 =	simm.s32 $0x0;
	s3 =	sshrl.u32 s9, $0x3  }
0x6: {  	s10 =	ssub.s32 $0x2, s6;
	[smem:$0x7FF] =	sst s2;
	s3 =	sadd.s32 s3, s8  }
0x7: {  	_ =	strace $0x8000004A;
	s4 =	sadd.s32 $0x95200, s3;
	s3 =	simm.s32 $0x2  }
0x8: {  	[tilespmem:s2], [sflag:$0x2] =	stream.linear.gather [hbm4b:s4+s2], $0x400, $0x38;
	[tilespmem:$0x4400] =	vst v63  }
0x9: {  	s6 =	simm.s32 $0x400;
	s11 =	sshrl.u32 s10, $0x1;
	_ =	swait.ge [sflag:s3], $0x400  }
0xa: {  	s9 =	sshll.u32 s9, $0x1;
	s31 =	ssub.s32 s10, s11;
	[sflag:s3] =	ssyncset.done $0x0  }
0xb: {  	s8 =	sadd.s32 s9, s8;
	s9 =	smax.u32 s31, $0x1;
	[sflag:s3] =	ssyncadd.s32 $0xFFFFFC00  }
0xc: {  	[tilespmem:s6], [sflag:$0x1] =	stream.indirect.gather [hbm4b:s5+s6], $0x10, s2, s6, $0xb8;
	[tilespmem:$0x4400] =	vst v63  }
0xd: {  	p0 =	sne.s32 s9, $0x1;
	_ =	swait.ge [sflag:s7], $0x4000  }
.Ltmp0:
0xe: {  	[sflag:s7] =	ssyncset.done $0x0;
	(pc) =	sbr.rel @!p0 .LBB2_2-.Ltmp0, $4  }
0xf: {  	s8 =	sadd.s32 $0xD200, s8;
	[sflag:s7] =	ssyncadd.s32 $0xFFFFC000  }
0x10: {  	[hbm4b:s8+s2] =	stream.linear.scatter [tilespmem:s6], [sflag:$0x2], $0x4000, $0x38;
	[tilespmem:$0x4400] =	vst v63  }
0x11: {  	_ =	swait.ge [sflag:s3], $0x4000  }
0x12: {  	s9 =	sadd.s32 $0xFFFFFFFF, s9;
	[sflag:s3] =	ssyncset.done $0x0  }
.LBB2_1:
0x13: {  	p0 =	sne.s32 s9, $0x1;
	s9 =	sadd.s32 $0xFFFFFFFF, s9;
	[sflag:s3] =	ssyncadd.s32 $0xFFFFC000  }
0x14: {  	[tilespmem:s2], [sflag:$0x2] =	stream.linear.gather [hbm4b:s4+s2], $0x400, $0x38;
	[tilespmem:$0x4400] =	vst v63  }
0x15: {  	_ =	swait.ge [sflag:s3], $0x400  }
0x16: {  	[sflag:s3] =	ssyncset.done $0x0  }
0x17: {  	[sflag:s3] =	ssyncadd.s32 $0xFFFFFC00  }
0x18: {  	[tilespmem:s6], [sflag:$0x1] =	stream.indirect.gather [hbm4b:s5+s6], $0x10, s2, s6, $0xb8;
	[tilespmem:$0x4400] =	vst v63  }
0x19: {  	_ =	swait.ge [sflag:s7], $0x4000  }
.Ltmp1:
0x1a: {  	[sflag:s7] =	ssyncset.done $0x0;
	(pc) =	sbr.rel @p0 .LBB2_1-.Ltmp1, $4  }
0x1b: {  	[sflag:s7] =	ssyncadd.s32 $0xFFFFC000  }
0x1c: {  	[hbm4b:s8+s2] =	stream.linear.scatter [tilespmem:s6], [sflag:$0x2], $0x4000, $0x38;
	[tilespmem:$0x4400] =	vst v63  }
0x1d: {  	_ =	swait.ge [sflag:s3], $0x4000  }
0x1e: {  	[sflag:s3] =	ssyncset.done $0x0  }
.LBB2_2:
0x1f: {  	[sflag:s3] =	ssyncadd.s32 $0xFFFFC000  }
0x20: {  	_ =	sfence.sel $0x180000  }
0x21: {  	[bflag:$0x0] =	sbarrier.arrive $0xFFFF  }
0x22: {  	p0 =	sne.s32 s0, $0x0;
	_ =	strace $0x9000004A  }
0x23: {  	s0 =	sadd.s32 @!p0 $0x100000, s1;
	[bflag:$0x2] =	sbarrier.arrive $0xFFFF  }
0x24: {  	[sflag:s0] =	ssyncadd.tile.s32 @!p0 $0x1;
	_ =	shalt  }
.Lfunc_end2:
_tile_overlayer_lowered:
.L_overlay_start_2:
0x25: {  	(tag) =	ssettag $0x2  }
0x26: {  	s0 =	rddreg [dreg:$0x0];
	s2 =	stileid.u32  }
0x27: {  	s1 =	rddreg [dreg:$0x1];
	p0 =	sne.s32 s2, $0x0  }
0x28: {  	s3 =	rddreg [dreg:$0x2];
	[bflag:$0x3] =	sbarrier.arrive $0xFFFF;
	s2 =	simm.s32 @!p0 $0x1C02  }
0x29: {  	[timem:s3], [sflag:s2] =	dma.local @!p0 [hbm:s0], s1  }
0x2a: {  	s0 =	simm.s32 @!p0 $0x2  }
0x2b: {  	_ =	swait.ge @!p0 [sflag:s0], s1  }
0x2c: {  	s1 =	ssub.s32 @!p0 $0x0, s1;
	[sflag:s0] =	ssyncset.done @!p0 $0x0  }
0x2d: {  	[sflag:s0] =	ssyncadd.s32 @!p0 s1  }
0x2e: {  	[bflag:$0x3] =	sbarrier.arrive $0xFFFF  }
0x2f: {  	_ =	shalt  }

// kernel: kernel.9.cloned.1.call-start
scs
__scs_entry_jumppad:
0x0: {  	(pc) =	sbr.rel $0x88, $3  }
0x1: {  	(tag) =	ssettag $0x0;
	lr =	simm.s32 $0x1  }
0x2: {  	[smem:$0x3F62] =	sst lr;
	_ =	strace $0xD0000000  }
0x3: {  	_ = 	snop  }
0x4: {  	_ = 	snop  }
0x5: {  	_ = 	snop  }
0x6: {  	_ = 	snop  }
0x7: {  	_ = 	snop  }
__scs_overlays_trampoline_lowered:
0x8: {  	[smem:$0x3F71] =	sst s0  }
0x9: {  	[smem:$0x3F72] =	sst s1  }
0xa: {  	[smem:$0x3F73] =	sst s2  }
0xb: {  	[smem:$0x3F74] =	sst s3  }
0xc: {  	[smem:$0x3F75] =	sst s4  }
0xd: {  	[smem:$0x3F76] =	sst s5  }
0xe: {  	[smem:$0x3F77] =	sst s6  }
0xf: {  	[smem:$0x3F78] =	sst s7  }
0x10: {  	[smem:$0x3F79] =	sst s8  }
0x11: {  	[smem:$0x3F7A] =	sst s9;
	s0 =	simm.s32 @!p0 $0x0  }
0x12: {  	s1 =	sld [smem:$0x3F60];
	s0 =	simm.s32 @p0 $0x1  }
0x13: {  	[smem:$0x3F7B] =	sst s0;
	s0 =	simm.s32 @!p1 $0x0  }
0x14: {  	s2 =	sld [smem:$0x3F5F];
	s0 =	simm.s32 @p1 $0x1  }
0x15: {  	[smem:$0x3F7C] =	sst s0;
	s0 =	simm.s32 @!p2 $0x0  }
0x16: {  	s3 =	sld [smem:$0x3FDB];
	s0 =	simm.s32 @p2 $0x1  }
0x17: {  	s4 =	simm.s32 $0x1BF5;
	[smem:$0x3F7E] =	sst s0  }
0x18: {  	s0 =	sld [smem:$0x3F61];
	_ =	swait.ge [sflag:s4], $0x0  }
0x19: {  	s7 =	sld [smem:$0x3F62]  }
0x1a: {  	s8 =	sadd.s32 $0xFFFFE003, lr  }
0x1b: {  	s9 =	sadd.s32 $0xFFFFFEF7, lr;
	s5 =	simm.s32 $0xFFFFFFFF;
	p2 =	slt.u32 s8, $0xFFFFF086  }
0x1c: {  	p1 =	slt.u32 s9, $0xF7A;
	s5 =	simm.s32 @!p2 $0x0  }
0x1d: {  	s5 =	simm.s32 @p1 $0x1;
	p0 =	seq.s32 s7, s2  }
0x1e: {  	s7 =	smul.u32 @!p0 $0xF7A, s2;
	p2 =	seq.s32 @!p0 s5, $0x0  }
0x1f: {  	s9 =	smul.u32 $0xF7A, s1;
	s8 =	simm.s32 @!p0 $0x1BF5;
	p2 =	por !p2, p0  }
0x20: {  	[sflag:s8] =	ssyncset.s32 @!p0 $0xFFFFF086;
	s6 =	sadd.s32 @!p0 s3, s7;
	s7 =	simm.s32 @!p0 $0x108  }
0x21: {  	s3 =	sadd.s32 s3, s9;
	s6 =	sadd.s32 @!p0 $0x88, s6;
	s7 =	simm.s32 @p2 $0x1082  }
0x22: {  	[simem:s7], [sflag:s8] =	dma.local @!p0 [hbm:s6], $0xF7A  }
0x23: {  	s9 =	sor.u32 $0xD0000000, s2;
	s6 =	simm.s32 $0x108;
	_ =	swait.ge @!p0 [sflag:s8], $0x0  }
0x24: {  	s3 =	sadd.s32 $0x88, s3;
	s6 =	simm.s32 @!p1 $0x1082;
	[sflag:s4] =	ssyncset.s32 $0xFFFFF086  }
0x25: {  	[simem:s6], [sflag:s4] =	dma.local [hbm:s3], $0xF7A  }
0x26: {  	[smem:$0x3F62] =	sst s1;
	(tag) =	ssettag s2;
	_ =	strace s9  }
0x27: {  	s1 =	sld [smem:$0x3F72]  }
0x28: {  	s2 =	sld [smem:$0x3F73]  }
0x29: {  	s4 =	sld [smem:$0x3F75]  }
0x2a: {  	p0 =	seq.s32 s5, $0x0;
	s5 =	sld [smem:$0x3F76]  }
0x2b: {  	s6 =	sld [smem:$0x3F77]  }
0x2c: {  	s7 =	sld [smem:$0x3F78]  }
0x2d: {  	s3 =	simm.s32 $0x108;
	s8 =	sld [smem:$0x3F79]  }
0x2e: {  	s3 =	simm.s32 @!p0 $0x1082;
	s9 =	sld [smem:$0x3F7A]  }
0x2f: {  	lr =	sadd.s32 s0, s3;
	s0 =	sld [smem:$0x3F71]  }
0x30: {  	s3 =	sld [smem:$0x3F74]  }
0x31: {  	[smem:$0x3F7D] =	sst s10  }
0x32: {  	s10 =	sld [smem:$0x3F7B];
	_ =	sdelay $0x3  }
0x33: {  	p0 =	seq.s32 s10, $0x1;
	s10 =	sld [smem:$0x3F7D];
	_ =	sdelay $0x3  }
0x34: {  	[smem:$0x3F7D] =	sst s10  }
0x35: {  	s10 =	sld [smem:$0x3F7C];
	_ =	sdelay $0x3  }
0x36: {  	p1 =	seq.s32 s10, $0x1;
	s10 =	sld [smem:$0x3F7D];
	_ =	sdelay $0x3  }
0x37: {  	[smem:$0x3F7D] =	sst s10  }
0x38: {  	s10 =	sld [smem:$0x3F7E]  }
0x39: {  	_ = 	snop;
	(pc) =	sbr.ind lr, $3  }
0x3a: {  	_ = 	snop  }
0x3b: {  	_ = 	snop  }
0x3c: {  	p2 =	seq.s32 s10, $0x1;
	s10 =	sld [smem:$0x3F7D]  }
0x3d: {  	_ =	shalt  }
0x3e: {  	_ =	shalt  }
0x3f: {  	_ =	shalt  }
0x40: {  	_ =	shalt  }
0x41: {  	_ =	shalt  }
0x42: {  	_ =	shalt  }
0x43: {  	_ =	shalt  }
0x44: {  	_ =	shalt  }
0x45: {  	_ =	shalt  }
0x46: {  	_ =	shalt  }
0x47: {  	_ =	shalt  }
0x48: {  	_ =	shalt  }
0x49: {  	_ =	shalt  }
0x4a: {  	_ =	shalt  }
0x4b: {  	_ =	shalt  }
0x4c: {  	_ =	shalt  }
0x4d: {  	_ =	shalt  }
0x4e: {  	_ =	shalt  }
0x4f: {  	_ =	shalt  }
0x50: {  	_ =	shalt  }
0x51: {  	_ =	shalt  }
0x52: {  	_ =	shalt  }
0x53: {  	_ =	shalt  }
0x54: {  	_ =	shalt  }
0x55: {  	_ =	shalt  }
0x56: {  	_ =	shalt  }
0x57: {  	_ =	shalt  }
0x58: {  	_ =	shalt  }
0x59: {  	_ =	shalt  }
0x5a: {  	_ =	shalt  }
0x5b: {  	_ =	shalt  }
0x5c: {  	_ =	shalt  }
0x5d: {  	_ =	shalt  }
0x5e: {  	_ =	shalt  }
0x5f: {  	_ =	shalt  }
0x60: {  	_ =	shalt  }
0x61: {  	_ =	shalt  }
0x62: {  	_ =	shalt  }
0x63: {  	_ =	shalt  }
0x64: {  	_ =	shalt  }
0x65: {  	_ =	shalt  }
0x66: {  	_ =	shalt  }
0x67: {  	_ =	shalt  }
0x68: {  	_ =	shalt  }
0x69: {  	_ =	shalt  }
0x6a: {  	_ =	shalt  }
0x6b: {  	_ =	shalt  }
0x6c: {  	_ =	shalt  }
0x6d: {  	_ =	shalt  }
0x6e: {  	_ =	shalt  }
0x6f: {  	_ =	shalt  }
0x70: {  	_ =	shalt  }
0x71: {  	_ =	shalt  }
0x72: {  	_ =	shalt  }
0x73: {  	_ =	shalt  }
0x74: {  	_ =	shalt  }
0x75: {  	_ =	shalt  }
0x76: {  	_ =	shalt  }
0x77: {  	_ =	shalt  }
0x78: {  	_ =	shalt  }
0x79: {  	_ =	shalt  }
0x7a: {  	_ =	shalt  }
0x7b: {  	_ =	shalt  }
0x7c: {  	_ =	shalt  }
0x7d: {  	_ =	shalt  }
0x7e: {  	_ =	shalt  }
0x7f: {  	_ =	shalt  }
0x80: {  	_ =	shalt  }
0x81: {  	_ =	shalt  }
0x82: {  	_ =	shalt  }
0x83: {  	_ =	shalt  }
0x84: {  	_ =	shalt  }
0x85: {  	_ =	shalt  }
0x86: {  	_ =	shalt  }
0x87: {  	_ =	shalt  }
.Lfunc_end0:
.L_simem_size_0:
called_computation_lowered:
.L_overlay_start_0:
0x88: {  	s2 =	sld [smem:$0x3FD9]  }
0x89: {  	s3 =	sld [smem:$0x3FFE];
	_ =	sdelay $0x1  }
0x8a: {  	s1 =	srdreg.scid  }
0x8b: {  	s0 =	sand.u32 $0x1, s1  }
0x8c: {  	s16 =	sshll.u32 s0, $0xA;
	s2 =	sadd.s32 s3, s2  }
0x8d: {  	s2 =	sadd.s32 s2, s16  }
0x8e: {  	[smem:$0x3F89] =	sst s2  }
0x8f: {  	_ = 	snop  }
0x90: {  	(tm) =	ssettm $0x1  }
0x91: {  	s17 =	sld [smem:$0x3FFB];
	_ =	sdelay $0x3  }
0x92: {  	_ =	strace s17  }
0x93: {  	s2 =	sld [smem:$0x3FFC];
	_ =	sdelay $0x3  }
0x94: {  	_ =	strace s2  }
0x95: {  	s2 =	sld [smem:$0x3FFD];
	_ =	sdelay $0x3  }
0x96: {  	_ =	strace s2  }
0x97: {  	_ =	strace $0x8FFFFFFF  }
0x98: {  	s18 =	sld [smem:$0x3FDB];
	_ =	sdelay $0x1  }
0x99: {  	s19 =	simm.s32 $_scs_section_size  }
0x9a: {  	s4 =	simm.s32 $_size__tile_overlayer_lowered;
	s5 =	simm.s32 $_tile_overlayer_lowered  }
0x9b: {  	s22 =	simm.s32 $0x1BFF;
	s21 =	sshll.u32 s5, $0x1;
	s2 =	sadd.s32 s19, s18  }
0x9c: {  	s6 =	simm.s32 $0x0;
	s20 =	sshll.u32 s4, $0x1;
	s4 =	sadd.s32 s21, s2  }
0x9d: {  	[timem:s6], [sflag:s22] =	dma.local [hbm:s4], s20  }
0x9e: {  	_ =	swait.ge [sflag:s22], s20  }
0x9f: {  	s3 =	ssub.s32 $0x0, s20;
	[sflag:s22] =	ssyncset.done $0x0  }
0xa0: {  	[sflag:s22] =	ssyncadd.s32 s3;
	_ =	sdelay $0x1  }
0xa1: {  	s23 =	simm.s32 $0x1B8B  }
0xa2: {  	_ =	swait.ge [sflag:s23], $0x1  }
0xa3: {  	[sflag:s23] =	ssyncset.done $0x0  }
0xa4: {  	s25 =	simm.s32 $0x1B8E;
	s24 =	sld [smem:$0x3FFE];
	[sflag:s23] =	ssyncadd.s32 $0xFFFFFFFF  }
0xa5: {  	s26 =	simm.s32 $execute0_lowered;
	[smem:$0x3FD2] =	sst s25  }
0xa6: {  	s4 =	sshll.u32 s26, $0x1;
	_ =	strace $0x80000046;
	[dreg:$0x1] =	wrdreg $0xFFFFFFFF  }
0xa7: {  	s28 =	simm.s32 $_size_execute0_lowered;
	s2 =	sadd.s32 s2, s4;
	[dreg:$0x0] =	wrdreg $0x0  }
0xa8: {  	s4 =	sshll.u32 s28, $0x1;
	[dreg:$0x2] =	wrdreg s2  }
0xa9: {  	[dreg:$0x3] =	wrdreg s4  }
0xaa: {  	[dreg:$0x4] =	wrdreg $0xC0  }
0xab: {  	_ =	task [dreg:s6], $0x5FFFF  }
0xac: {  	[dreg:$0x1] =	wrdreg $0xFFFFFFFF  }
0xad: {  	[dreg:$0x0] =	wrdreg $0x60  }
0xae: {  	[dreg:$0x2] =	wrdreg s24  }
0xaf: {  	[dreg:$0x3] =	wrdreg $0x9  }
0xb0: {  	_ =	task.clear_ibuf [dreg:s6], $0x4FFFF;
	_ =	strace $0x90000046  }
0xb1: {  	s29 =	simm.s32 $0x9;
	_ =	strace $0x80000048  }
0xb2: {  	_ =	swait.ge [sflag:s29], $0x1  }
0xb3: {  	[sflag:s29] =	ssyncadd.s32 $0xFFFFFFFF  }
0xb4: {  	_ =	strace $0x90000048  }
0xb5: {  	_ =	sfence  }
0xb6: {  	s30 =	sld [smem:$0x0];
	_ =	sdelay $0x2  }
0xb7: {  	s31 =	sshll.u32 s1, $0xD;
	s1 =	sshrl.u32 s1, $0x2  }
0xb8: {  	s3 =	sand.u32 $0x4000, s31;
	s1 =	sadd.s32 s1, s30  }
0xb9: {  	s0 =	sor.u32 s3, s0;
	s1 =	sshll.u32 s1, $0x11  }
0xba: {  	s0 =	sor.u32 s1, s0  }
0xbb: {  	s0 =	sadd.s32 $0x8F2B, s0  }
0xbc: {  	[sflag:s0] =	ssyncadd.remote.s32 $0x1  }
0xbd: {  	_ =	sfence.sel $0xFFFF  }
0xbe: {  	[dreg:$0x0] =	wrdreg $0xFFFFFFFF;
	(pc) =	sbr.abs _section_cstart, $3  }
0xbf: {  	[dreg:$0x1] =	wrdreg $0xFFFFFFFF  }
0xc0: {  	_ =	task.clear_ibuf [dreg:s6], $0x2FFFF;
	_ =	strace $0x9FFFFFFF  }
0xc1: {  	(tm) =	ssettm $0x7FFFFFFF  }
tec
execute0_lowered:
.L_overlay_start_1:
0x0: {  	(tag) =	ssettag $0x1  }
0x1: {  	s1 =	srdreg.scid  }
0x2: {  	s0 =	stileid.u32;
	s14 =	sand.u32 $0x1, s1  }
0x3: {  	s8 =	rddreg [dreg:$0x0];
	s3 =	sshll.u32 s0, $0xE;
	s4 =	sshll.u32 s14, $0xD  }
0x4: {  	s2 =	simm.s32 $0x0;
	s1 =	rddreg [dreg:$0x1];
	s13 =	sor.u32 s4, s3  }
0x5: {  	[smem:$0x7FF] =	sst s2;
	s15 =	sadd.s32 $0x9200, s8;
	s3 =	sshrl.u32 s13, $0x3  }
0x6: {  	_ =	strace $0x80000047;
	s4 =	sadd.s32 s15, s3;
	s3 =	simm.s32 $0x2  }
0x7: {  	[tilespmem:s2], [sflag:$0x2] =	stream.linear.gather [hbm4b:s4+s2], $0x800, $0x38;
	[tilespmem:$0x8800] =	vst v63  }
0x8: {  	_ =	swait.ge [sflag:s3], $0x800  }
0x9: {  	s6 =	simm.s32 $0x800;
	[sflag:s3] =	ssyncset.done $0x0  }
0xa: {  	s7 =	simm.s32 $0x1;
	s5 =	sadd.s32 $0x11200, s8;
	[sflag:s3] =	ssyncadd.s32 $0xFFFFF800  }
0xb: {  	[tilespmem:s6], [sflag:$0x1] =	stream.indirect.gather [hbm4b:s5+s6], $0x10, s2, s6, $0xb8;
	[tilespmem:$0x8800] =	vst v63  }
0xc: {  	_ =	swait.ge [sflag:s7], $0x8000  }
0xd: {  	s16 =	sadd.s32 $0x15200, s8;
	s29 =	sshll.u32 s13, $0x1;
	[sflag:s7] =	ssyncset.done $0x0  }
0xe: {  	s8 =	sadd.s32 s16, s29;
	[sflag:s7] =	ssyncadd.s32 $0xFFFF8000  }
0xf: {  	[hbm4b:s8+s2] =	stream.linear.scatter [tilespmem:s6], [sflag:$0x2], $0x8000, $0x38;
	[tilespmem:$0x8800] =	vst v63  }
0x10: {  	s10 =	sor.u32 $0x800, s13;
	_ =	swait.ge [sflag:s3], $0x8000  }
0x11: {  	s9 =	sshrl.u32 s10, $0x3;
	[sflag:s3] =	ssyncset.done $0x0  }
0x12: {  	s9 =	sadd.s32 s15, s9;
	[sflag:s3] =	ssyncadd.s32 $0xFFFF8000  }
0x13: {  	[tilespmem:s2], [sflag:$0x2] =	stream.linear.gather [hbm4b:s9+s2], $0x800, $0x38;
	[tilespmem:$0x8800] =	vst v63  }
0x14: {  	_ =	swait.ge [sflag:s3], $0x800  }
0x15: {  	[sflag:s3] =	ssyncset.done $0x0  }
0x16: {  	[sflag:s3] =	ssyncadd.s32 $0xFFFFF800  }
0x17: {  	[tilespmem:s6], [sflag:$0x1] =	stream.indirect.gather [hbm4b:s5+s6], $0x10, s2, s6, $0xb8;
	[tilespmem:$0x8800] =	vst v63  }
0x18: {  	_ =	swait.ge [sflag:s7], $0x8000  }
0x19: {  	s10 =	sshll.u32 s10, $0x1;
	[sflag:s7] =	ssyncset.done $0x0  }
0x1a: {  	s10 =	sadd.s32 s16, s10;
	[sflag:s7] =	ssyncadd.s32 $0xFFFF8000  }
0x1b: {  	[hbm4b:s10+s2] =	stream.linear.scatter [tilespmem:s6], [sflag:$0x2], $0x8000, $0x38;
	[tilespmem:$0x8800] =	vst v63  }
0x1c: {  	s12 =	sor.u32 $0x1000, s13;
	_ =	swait.ge [sflag:s3], $0x8000  }
0x1d: {  	s11 =	sshrl.u32 s12, $0x3;
	[sflag:s3] =	ssyncset.done $0x0  }
0x1e: {  	s11 =	sadd.s32 s15, s11;
	[sflag:s3] =	ssyncadd.s32 $0xFFFF8000  }
0x1f: {  	[tilespmem:s2], [sflag:$0x2] =	stream.linear.gather [hbm4b:s11+s2], $0x800, $0x38;
	[tilespmem:$0x8800] =	vst v63  }
0x20: {  	_ =	swait.ge [sflag:s3], $0x800  }
0x21: {  	[sflag:s3] =	ssyncset.done $0x0  }
0x22: {  	[sflag:s3] =	ssyncadd.s32 $0xFFFFF800  }
0x23: {  	[tilespmem:s6], [sflag:$0x1] =	stream.indirect.gather [hbm4b:s5+s6], $0x10, s2, s6, $0xb8;
	[tilespmem:$0x8800] =	vst v63  }
0x24: {  	_ =	swait.ge [sflag:s7], $0x8000  }
0x25: {  	s12 =	sshll.u32 s12, $0x1;
	[sflag:s7] =	ssyncset.done $0x0  }
0x26: {  	s12 =	sadd.s32 s16, s12;
	[sflag:s7] =	ssyncadd.s32 $0xFFFF8000  }
0x27: {  	[hbm4b:s12+s2] =	stream.linear.scatter [tilespmem:s6], [sflag:$0x2], $0x8000, $0x38;
	[tilespmem:$0x8800] =	vst v63  }
0x28: {  	s17 =	sor.u32 $0x1800, s13;
	_ =	swait.ge [sflag:s3], $0x8000  }
0x29: {  	s13 =	sshrl.u32 s17, $0x3;
	[sflag:s3] =	ssyncset.done $0x0  }
0x2a: {  	s14 =	ssub.s32 $0x2, s14;
	s13 =	sadd.s32 s15, s13;
	[sflag:s3] =	ssyncadd.s32 $0xFFFF8000  }
0x2b: {  	[tilespmem:s2], [sflag:$0x2] =	stream.linear.gather [hbm4b:s13+s2], $0x800, $0x38;
	[tilespmem:$0x8800] =	vst v63  }
0x2c: {  	s30 =	sshrl.u32 s14, $0x1;
	_ =	swait.ge [sflag:s3], $0x800  }
0x2d: {  	s15 =	ssub.s32 s14, s30;
	[sflag:s3] =	ssyncset.done $0x0  }
0x2e: {  	s15 =	smax.u32 s15, $0x1;
	[sflag:s3] =	ssyncadd.s32 $0xFFFFF800  }
0x2f: {  	[tilespmem:s6], [sflag:$0x1] =	stream.indirect.gather [hbm4b:s5+s6], $0x10, s2, s6, $0xb8;
	[tilespmem:$0x8800] =	vst v63  }
0x30: {  	p0 =	sne.s32 s15, $0x1;
	_ =	swait.ge [sflag:s7], $0x8000  }
.Ltmp0:
0x31: {  	s31 =	sshll.u32 s17, $0x1;
	[sflag:s7] =	ssyncset.done $0x0;
	(pc) =	sbr.rel @!p0 .LBB2_2-.Ltmp0, $4  }
0x32: {  	s14 =	sadd.s32 s16, s31;
	[sflag:s7] =	ssyncadd.s32 $0xFFFF8000  }
0x33: {  	[hbm4b:s14+s2] =	stream.linear.scatter [tilespmem:s6], [sflag:$0x2], $0x8000, $0x38;
	[tilespmem:$0x8800] =	vst v63  }
0x34: {  	_ =	swait.ge [sflag:s3], $0x8000  }
0x35: {  	s15 =	sadd.s32 $0xFFFFFFFF, s15;
	[sflag:s3] =	ssyncset.done $0x0  }
.LBB2_1:
0x36: {  	p0 =	sne.s32 s15, $0x1;
	s15 =	sadd.s32 $0xFFFFFFFF, s15;
	[sflag:s3] =	ssyncadd.s32 $0xFFFF8000  }
0x37: {  	[tilespmem:s2], [sflag:$0x2] =	stream.linear.gather [hbm4b:s4+s2], $0x800, $0x38;
	[tilespmem:$0x8800] =	vst v63  }
0x38: {  	_ =	swait.ge [sflag:s3], $0x800  }
0x39: {  	[sflag:s3] =	ssyncset.done $0x0  }
0x3a: {  	[sflag:s3] =	ssyncadd.s32 $0xFFFFF800  }
0x3b: {  	[tilespmem:s6], [sflag:$0x1] =	stream.indirect.gather [hbm4b:s5+s6], $0x10, s2, s6, $0xb8;
	[tilespmem:$0x8800] =	vst v63  }
0x3c: {  	_ =	swait.ge [sflag:s7], $0x8000  }
0x3d: {  	[sflag:s7] =	ssyncset.done $0x0  }
0x3e: {  	[sflag:s7] =	ssyncadd.s32 $0xFFFF8000  }
0x3f: {  	[hbm4b:s8+s2] =	stream.linear.scatter [tilespmem:s6], [sflag:$0x2], $0x8000, $0x38;
	[tilespmem:$0x8800] =	vst v63  }
0x40: {  	_ =	swait.ge [sflag:s3], $0x8000  }
0x41: {  	[sflag:s3] =	ssyncset.done $0x0  }
0x42: {  	[sflag:s3] =	ssyncadd.s32 $0xFFFF8000  }
0x43: {  	[tilespmem:s2], [sflag:$0x2] =	stream.linear.gather [hbm4b:s9+s2], $0x800, $0x38;
	[tilespmem:$0x8800] =	vst v63  }
0x44: {  	_ =	swait.ge [sflag:s3], $0x800  }
0x45: {  	[sflag:s3] =	ssyncset.done $0x0  }
0x46: {  	[sflag:s3] =	ssyncadd.s32 $0xFFFFF800  }
0x47: {  	[tilespmem:s6], [sflag:$0x1] =	stream.indirect.gather [hbm4b:s5+s6], $0x10, s2, s6, $0xb8;
	[tilespmem:$0x8800] =	vst v63  }
0x48: {  	_ =	swait.ge [sflag:s7], $0x8000  }
0x49: {  	[sflag:s7] =	ssyncset.done $0x0  }
0x4a: {  	[sflag:s7] =	ssyncadd.s32 $0xFFFF8000  }
0x4b: {  	[hbm4b:s10+s2] =	stream.linear.scatter [tilespmem:s6], [sflag:$0x2], $0x8000, $0x38;
	[tilespmem:$0x8800] =	vst v63  }
0x4c: {  	_ =	swait.ge [sflag:s3], $0x8000  }
0x4d: {  	[sflag:s3] =	ssyncset.done $0x0  }
0x4e: {  	[sflag:s3] =	ssyncadd.s32 $0xFFFF8000  }
0x4f: {  	[tilespmem:s2], [sflag:$0x2] =	stream.linear.gather [hbm4b:s11+s2], $0x800, $0x38;
	[tilespmem:$0x8800] =	vst v63  }
0x50: {  	_ =	swait.ge [sflag:s3], $0x800  }
0x51: {  	[sflag:s3] =	ssyncset.done $0x0  }
0x52: {  	[sflag:s3] =	ssyncadd.s32 $0xFFFFF800  }
0x53: {  	[tilespmem:s6], [sflag:$0x1] =	stream.indirect.gather [hbm4b:s5+s6], $0x10, s2, s6, $0xb8;
	[tilespmem:$0x8800] =	vst v63  }
0x54: {  	_ =	swait.ge [sflag:s7], $0x8000  }
0x55: {  	[sflag:s7] =	ssyncset.done $0x0  }
0x56: {  	[sflag:s7] =	ssyncadd.s32 $0xFFFF8000  }
0x57: {  	[hbm4b:s12+s2] =	stream.linear.scatter [tilespmem:s6], [sflag:$0x2], $0x8000, $0x38;
	[tilespmem:$0x8800] =	vst v63  }
0x58: {  	_ =	swait.ge [sflag:s3], $0x8000  }
0x59: {  	[sflag:s3] =	ssyncset.done $0x0  }
0x5a: {  	[sflag:s3] =	ssyncadd.s32 $0xFFFF8000  }
0x5b: {  	[tilespmem:s2], [sflag:$0x2] =	stream.linear.gather [hbm4b:s13+s2], $0x800, $0x38;
	[tilespmem:$0x8800] =	vst v63  }
0x5c: {  	_ =	swait.ge [sflag:s3], $0x800  }
0x5d: {  	[sflag:s3] =	ssyncset.done $0x0  }
0x5e: {  	[sflag:s3] =	ssyncadd.s32 $0xFFFFF800  }
0x5f: {  	[tilespmem:s6], [sflag:$0x1] =	stream.indirect.gather [hbm4b:s5+s6], $0x10, s2, s6, $0xb8;
	[tilespmem:$0x8800] =	vst v63  }
0x60: {  	_ =	swait.ge [sflag:s7], $0x8000  }
.Ltmp1:
0x61: {  	[sflag:s7] =	ssyncset.done $0x0;
	(pc) =	sbr.rel @p0 .LBB2_1-.Ltmp1, $4  }
0x62: {  	[sflag:s7] =	ssyncadd.s32 $0xFFFF8000  }
0x63: {  	[hbm4b:s14+s2] =	stream.linear.scatter [tilespmem:s6], [sflag:$0x2], $0x8000, $0x38;
	[tilespmem:$0x8800] =	vst v63  }
0x64: {  	_ =	swait.ge [sflag:s3], $0x8000  }
0x65: {  	[sflag:s3] =	ssyncset.done $0x0  }
.LBB2_2:
0x66: {  	[sflag:s3] =	ssyncadd.s32 $0xFFFF8000  }
0x67: {  	_ =	sfence.sel $0x180000  }
0x68: {  	[bflag:$0x0] =	sbarrier.arrive $0xFFFF  }
0x69: {  	p0 =	sne.s32 s0, $0x0;
	_ =	strace $0x90000047  }
0x6a: {  	s0 =	sadd.s32 @!p0 $0x100000, s1;
	[bflag:$0x2] =	sbarrier.arrive $0xFFFF  }
0x6b: {  	[sflag:s0] =	ssyncadd.tile.s32 @!p0 $0x1;
	_ =	shalt  }
.Lfunc_end2:
_tile_overlayer_lowered:
.L_overlay_start_2:
0x6c: {  	(tag) =	ssettag $0x2  }
0x6d: {  	s0 =	rddreg [dreg:$0x0];
	s2 =	stileid.u32  }
0x6e: {  	s1 =	rddreg [dreg:$0x1];
	p0 =	sne.s32 s2, $0x0  }
0x6f: {  	s3 =	rddreg [dreg:$0x2];
	[bflag:$0x3] =	sbarrier.arrive $0xFFFF;
	s2 =	simm.s32 @!p0 $0x1C02  }
0x70: {  	[timem:s3], [sflag:s2] =	dma.local @!p0 [hbm:s0], s1  }
0x71: {  	s0 =	simm.s32 @!p0 $0x2  }
0x72: {  	_ =	swait.ge @!p0 [sflag:s0], s1  }
0x73: {  	s1 =	ssub.s32 @!p0 $0x0, s1;
	[sflag:s0] =	ssyncset.done @!p0 $0x0  }
0x74: {  	[sflag:s0] =	ssyncadd.s32 @!p0 s1  }
0x75: {  	[bflag:$0x3] =	sbarrier.arrive $0xFFFF  }
0x76: {  	_ =	shalt  }

</sc_bundles>
